<compile_context>
chip_gen: v7x
topology: tpu7x:2x2x1
jax: 0.10.2.dev20260603
libtpu: 0.0.44.dev20260713+nightly
codegen_flags: <defaults>
</compile_context>

<pallas_src>
import functools

import jax
import jax.numpy as jnp
from jax import lax
from jax.experimental import pallas as pl
from jax.experimental.pallas import tpu as pltpu
from jax.experimental.pallas import tpu_sc as plsc

N = 10000
E = 320000
D = 128
H = 128
O = 64

NC = 2
NS = 16
NW = NC * NS
K = 128
EPW = 10240
NBLK = EPW // K
E_PAD = EPW * NW
N_PAD = 10112
RPT = N_PAD // NS
DUMMY_DST = N + 8
BR = 2528
GRID = N_PAD // BR
BR2 = 2000
GRID2 = N // BR2

_MESH = plsc.VectorSubcoreMesh(
    core_axis_name="c", subcore_axis_name="s", num_cores=NC, num_subcores=NS
)


IC = 40
NCHUNK = NBLK // IC
SUBQ = 4
KSUB = K // SUBQ


@functools.partial(
    pl.kernel,
    out_type=jax.ShapeDtypeStruct((NC, N_PAD, H), jnp.float32),
    mesh=_MESH,
    scratch_types=[
        pltpu.VMEM((IC, K), jnp.int32),
        pltpu.VMEM((K, H), jnp.float32),
        pltpu.VMEM_SHARED((N_PAD, H), jnp.float32),
    ],
)
def _deg_kernel(dst_hbm, ones_hbm, zeros_hbm, deg_out, dst_v, ones_v, accum):
    c = lax.axis_index("c")
    s = lax.axis_index("s")
    wid = c * NS + s
    pltpu.sync_copy(ones_hbm, ones_v)
    pltpu.sync_copy(zeros_hbm, accum.at[pl.ds(s * RPT, RPT)])
    plsc.subcore_barrier()

    def chunk_body(ci, carry):
        pltpu.sync_copy(dst_hbm.at[wid].at[pl.ds(ci * IC, IC)], dst_v)

        def body(j, c2):
            pltpu.sync_copy(ones_v, accum.at[dst_v.at[j]], add=True)
            return c2

        lax.fori_loop(0, IC, body, 0)
        return carry

    lax.fori_loop(0, NCHUNK, chunk_body, 0)
    plsc.subcore_barrier()
    pltpu.sync_copy(
        accum.at[pl.ds(s * RPT, RPT)], deg_out.at[c].at[pl.ds(s * RPT, RPT)]
    )


@functools.partial(
    pl.kernel,
    out_type=jax.ShapeDtypeStruct((NC, N_PAD, H), jnp.float32),
    mesh=_MESH,
    scratch_types=[
        pltpu.VMEM((IC, K), jnp.int32),
        pltpu.VMEM((IC, K), jnp.int32),
        pltpu.VMEM((K, H), jnp.float32),
        pltpu.VMEM((K, H), jnp.float32),
        pltpu.VMEM_SHARED((N_PAD, H), jnp.float32),
        pltpu.SemaphoreType.DMA,
        pltpu.SemaphoreType.DMA,
    ],
)
def _segsum_kernel(g_hbm, src_hbm, dst_hbm, zeros_hbm, out_hbm,
                   src_v, dst_v, buf0, buf1, accum, sem0, sem1):
    c = lax.axis_index("c")
    s = lax.axis_index("s")
    wid = c * NS + s
    pltpu.sync_copy(zeros_hbm, accum.at[pl.ds(s * RPT, RPT)])
    plsc.subcore_barrier()

    def fire(buf, sem, row):
        for q in range(SUBQ):
            pltpu.async_copy(
                g_hbm.at[src_v.at[row, pl.ds(q * KSUB, KSUB)]],
                buf.at[pl.ds(q * KSUB, KSUB)],
                sem,
            )

    def drain(buf, sem, row):
        for q in range(SUBQ):
            pltpu.make_async_copy(
                g_hbm.at[src_v.at[row, pl.ds(q * KSUB, KSUB)]],
                buf.at[pl.ds(q * KSUB, KSUB)],
                sem,
            ).wait()

    def chunk_body(ci, carry):
        pltpu.sync_copy(src_hbm.at[wid].at[pl.ds(ci * IC, IC)], src_v)
        pltpu.sync_copy(dst_hbm.at[wid].at[pl.ds(ci * IC, IC)], dst_v)
        fire(buf0, sem0, 0)

        def body(jj, c2):
            j = 2 * jj
            fire(buf1, sem1, j + 1)
            drain(buf0, sem0, j)
            pltpu.sync_copy(buf0, accum.at[dst_v.at[j]], add=True)

            @pl.when(j + 2 < IC)
            def _():
                fire(buf0, sem0, j + 2)

            drain(buf1, sem1, j + 1)
            pltpu.sync_copy(buf1, accum.at[dst_v.at[j + 1]], add=True)
            return c2

        lax.fori_loop(0, IC // 2, body, 0)
        return carry

    lax.fori_loop(0, NCHUNK, chunk_body, 0)
    plsc.subcore_barrier()
    pltpu.sync_copy(
        accum.at[pl.ds(s * RPT, RPT)], out_hbm.at[c].at[pl.ds(s * RPT, RPT)]
    )


def _tc_matmul(x_pad, W1):
    def body(x_ref, w_ref, u_ref):
        u_ref[...] = jnp.dot(x_ref[...], w_ref[...],
                             preferred_element_type=jnp.float32)

    return pl.pallas_call(
        body,
        grid=(GRID,),
        in_specs=[
            pl.BlockSpec((BR, D), lambda i: (i, 0)),
            pl.BlockSpec((D, H), lambda i: (0, 0)),
        ],
        out_specs=pl.BlockSpec((BR, H), lambda i: (i, 0)),
        out_shape=jax.ShapeDtypeStruct((N_PAD, H), jnp.float32),
    )(x_pad, W1)


def _tc_scale(deg2, u1):
    def body(deg_ref, u_ref, dis_ref, g_ref):
        deg = deg_ref[0, :, 0:1] + deg_ref[1, :, 0:1] + 1.0
        dis = lax.rsqrt(deg)
        dis_ref[...] = jnp.broadcast_to(dis, (BR, 16))
        g_ref[...] = dis * u_ref[...]

    return pl.pallas_call(
        body,
        grid=(GRID,),
        in_specs=[
            pl.BlockSpec((NC, BR, H), lambda i: (0, i, 0)),
            pl.BlockSpec((BR, H), lambda i: (i, 0)),
        ],
        out_specs=[
            pl.BlockSpec((BR, 16), lambda i: (i, 0)),
            pl.BlockSpec((BR, H), lambda i: (i, 0)),
        ],
        out_shape=[
            jax.ShapeDtypeStruct((N_PAD, 16), jnp.float32),
            jax.ShapeDtypeStruct((N_PAD, H), jnp.float32),
        ],
    )(deg2, u1)


def _tc_mid(s2, g_prev, dis16, b, W):
    def body(s_ref, g_ref, dis_ref, b_ref, w_ref, out_ref):
        dis = dis_ref[:, 0:1]
        h = dis * (s_ref[0] + s_ref[1] + g_ref[...]) + b_ref[...]
        out_ref[...] = dis * jnp.dot(
            h, w_ref[...], preferred_element_type=jnp.float32
        )

    return pl.pallas_call(
        body,
        grid=(GRID,),
        in_specs=[
            pl.BlockSpec((NC, BR, H), lambda i: (0, i, 0)),
            pl.BlockSpec((BR, H), lambda i: (i, 0)),
            pl.BlockSpec((BR, 16), lambda i: (i, 0)),
            pl.BlockSpec((1, H), lambda i: (0, 0)),
            pl.BlockSpec((H, H), lambda i: (0, 0)),
        ],
        out_specs=pl.BlockSpec((BR, H), lambda i: (i, 0)),
        out_shape=jax.ShapeDtypeStruct((N_PAD, H), jnp.float32),
    )(s2, g_prev, dis16, b, W)


def _tc_head(s2, g3, dis16, b3, P1, pb1, P2, pb2):
    def body(s_ref, g_ref, dis_ref, b_ref, p1_ref, pb1_ref, p2_ref, pb2_ref,
             emb_ref, lp_ref):
        dis = dis_ref[:, 0:1]
        h = dis * (s_ref[0] + s_ref[1] + g_ref[...]) + b_ref[...]
        emb_ref[...] = h
        y = jnp.dot(h, p1_ref[...], preferred_element_type=jnp.float32)
        y = y + pb1_ref[...]
        y = jnp.dot(y, p2_ref[...], preferred_element_type=jnp.float32)
        y = y + pb2_ref[...]
        m = jnp.max(y, axis=1, keepdims=True)
        z = y - m
        lp_ref[...] = z - jnp.log(jnp.sum(jnp.exp(z), axis=1, keepdims=True))

    return pl.pallas_call(
        body,
        grid=(GRID2,),
        in_specs=[
            pl.BlockSpec((NC, BR2, H), lambda i: (0, i, 0)),
            pl.BlockSpec((BR2, H), lambda i: (i, 0)),
            pl.BlockSpec((BR2, 16), lambda i: (i, 0)),
            pl.BlockSpec((1, H), lambda i: (0, 0)),
            pl.BlockSpec((H, H), lambda i: (0, 0)),
            pl.BlockSpec((1, H), lambda i: (0, 0)),
            pl.BlockSpec((H, O), lambda i: (0, 0)),
            pl.BlockSpec((1, O), lambda i: (0, 0)),
        ],
        out_specs=[
            pl.BlockSpec((BR2, H), lambda i: (i, 0)),
            pl.BlockSpec((BR2, O), lambda i: (i, 0)),
        ],
        out_shape=[
            jax.ShapeDtypeStruct((N, H), jnp.float32),
            jax.ShapeDtypeStruct((N, O), jnp.float32),
        ],
    )(s2, g3, dis16, b3, P1, pb1, P2, pb2)


def kernel(x, edge_index, W1, b1, W2, b2, W3, b3, P1, pb1, P2, pb2):
    src = edge_index[0]
    dst = edge_index[1]
    pad = E_PAD - E
    src_p = jnp.concatenate(
        [src, jnp.arange(pad, dtype=jnp.int32) % N]
    ).reshape(NW, NBLK, K)
    dst_p = jnp.concatenate(
        [dst, jnp.full((pad,), DUMMY_DST, jnp.int32)]
    ).reshape(NW, NBLK, K)
    x_pad = jnp.pad(x, ((0, N_PAD - N), (0, 0)))
    zerosH = jnp.zeros((RPT, H), jnp.float32)
    onesH = jnp.ones((K, H), jnp.float32)

    deg2 = _deg_kernel(dst_p, onesH, zerosH)
    u1 = _tc_matmul(x_pad, W1)
    dis16, g1 = _tc_scale(deg2, u1)
    s1 = _segsum_kernel(g1, src_p, dst_p, zerosH)
    g2 = _tc_mid(s1, g1, dis16, b1.reshape(1, H), W2)
    s2 = _segsum_kernel(g2, src_p, dst_p, zerosH)
    g3 = _tc_mid(s2, g2, dis16, b2.reshape(1, H), W3)
    s3 = _segsum_kernel(g3, src_p, dst_p, zerosH)
    emb, logp = _tc_head(
        s3, g3, dis16, b3.reshape(1, H), P1, pb1.reshape(1, H), P2,
        pb2.reshape(1, O)
    )
    return (emb, logp)

# --- scband reference (transcript-rebuilt; emitter-appended) ---
"""Pipeline reference for scband-gnnstack-87935160418397 (READ-ONLY COPY).

The authoritative reference and input builder live on the scoring server;
editing this copy changes nothing except your own understanding.
"""

import jax, jax.numpy as jnp
import numpy as np

N = 10000
E = 320000
D = 128
H = 128
O = 64


def setup_inputs(seed: int = 0) -> dict:
    key = jax.random.key(seed)
    ks = jax.random.split(key, 16)
    x = jax.random.normal(ks[0], (N, D), dtype=jnp.float32)
    edge_index = jax.random.randint(ks[1], (2, E), 0, N, dtype=jnp.int32)
    s = 0.05
    W1 = jax.random.normal(ks[2], (D, H), dtype=jnp.float32) * s
    b1 = jnp.zeros((H,), dtype=jnp.float32)
    W2 = jax.random.normal(ks[3], (H, H), dtype=jnp.float32) * s
    b2 = jnp.zeros((H,), dtype=jnp.float32)
    W3 = jax.random.normal(ks[4], (H, H), dtype=jnp.float32) * s
    b3 = jnp.zeros((H,), dtype=jnp.float32)
    P1 = jax.random.normal(ks[5], (H, H), dtype=jnp.float32) * s
    pb1 = jnp.zeros((H,), dtype=jnp.float32)
    P2 = jax.random.normal(ks[6], (H, O), dtype=jnp.float32) * s
    pb2 = jnp.zeros((O,), dtype=jnp.float32)
    return {"x": x, "edge_index": edge_index, "W1": W1, "b1": b1, "W2": W2,
            "b2": b2, "W3": W3, "b3": b3, "P1": P1, "pb1": pb1, "P2": P2, "pb2": pb2}


def reference(x, edge_index, W1, b1, W2, b2, W3, b3, P1, pb1, P2, pb2):
    # GCNConv with add_self_loops=True and symmetric normalization, as in PyG.
    src = edge_index[0]
    dst = edge_index[1]
    loop = jnp.arange(N, dtype=src.dtype)
    src = jnp.concatenate([src, loop])
    dst = jnp.concatenate([dst, loop])
    ones = jnp.ones(src.shape[0], dtype=jnp.float32)
    deg = jax.ops.segment_sum(ones, dst, num_segments=N)
    deg_inv_sqrt = jnp.where(deg > 0, jax.lax.rsqrt(jnp.maximum(deg, 1e-12)), 0.0)
    norm = deg_inv_sqrt[src] * deg_inv_sqrt[dst]

    def gcn_conv(h, W, b):
        h = h @ W
        msgs = jnp.take(h, src, axis=0) * norm[:, None]
        out = jax.ops.segment_sum(msgs, dst, num_segments=N)
        return out + b

    h = gcn_conv(x, W1, b1)
    # dropout is identity in eval mode
    h = gcn_conv(h, W2, b2)
    h = gcn_conv(h, W3, b3)
    embedding = h
    y = h @ P1 + pb1
    y = y @ P2 + pb2
    logp = jax.nn.log_softmax(y, axis=1)
    return (embedding, logp)

if __name__ == "__main__":
    import jax
    _d = setup_inputs()
    print(jax.jit(kernel)(*tuple(_d.values())))

</pallas_src>

<mosaic_0001>
#map = affine_map<(d0, d1) -> (0, 0)>
#map1 = affine_map<(d0, d1) -> (0, 0, 0)>
module attributes {stable_mosaic.version = 14 : i64} {
  func.func @_segsum_kernel(%arg0: i32, %arg1: i32, %arg2: memref<10112x128xf32, #tpu.memory_space<hbm>>, %arg3: memref<32x80x128xi32, #tpu.memory_space<hbm>>, %arg4: memref<32x80x128xi32, #tpu.memory_space<hbm>>, %arg5: memref<632x128xf32, #tpu.memory_space<hbm>>, %arg6: memref<2x10112x128xf32, #tpu.memory_space<hbm>>, %arg7: memref<40x128xi32, #tpu.memory_space<vmem>>, %arg8: memref<40x128xi32, #tpu.memory_space<vmem>>, %arg9: memref<128x128xf32, #tpu.memory_space<vmem>>, %arg10: memref<128x128xf32, #tpu.memory_space<vmem>>, %arg11: memref<10112x128xf32, #tpu.memory_space<vmem_shared>>, %arg12: memref<!tpu.dma_semaphore, #tpu.memory_space<semaphore_mem>>, %arg13: memref<!tpu.dma_semaphore, #tpu.memory_space<semaphore_mem>>) attributes {dimension_semantics = [#tpu.dimension_semantics<core_parallel>, #tpu.dimension_semantics<subcore_parallel>], iteration_bounds = array<i64: 2, 16>, scalar_prefetch = 0 : i64, scratch_operands = 7 : i64, tpu.core_type = #tpu.core_type<sc_vector_subcore>, window_params = [{transform_indices = #map}, {transform_indices = #map1}, {transform_indices = #map1}, {transform_indices = #map}, {transform_indices = #map1}]} {
    %mul3A = arith.constant 16 : i32
    %mul3A_0 = arith.muli %arg0, %mul3A : i32
    %add3A = arith.addi %mul3A_0, %arg1 : i32
    %mul3A_1 = arith.constant 632 : i32
    %mul3A_2 = arith.muli %arg1, %mul3A_1 : i32
    "tpu.region"() ({
      %run_scoped3A = tpu.sem_alloc : memref<!tpu.dma_semaphore, #tpu.memory_space<semaphore_mem>>
      %dma_start3A = arith.constant 0 : i32
      %dma_start3A_13 = tpu.memref_slice %arg11[%mul3A_2, %dma_start3A] : memref<10112x128xf32, #tpu.memory_space<vmem_shared>> -> memref<632x128xf32, #tpu.memory_space<vmem_shared>>
      tpu.enqueue_dma source(%arg5 : memref<632x128xf32, #tpu.memory_space<hbm>>) target(%dma_start3A_13 : memref<632x128xf32, #tpu.memory_space<vmem_shared>>) target_semaphore(%run_scoped3A : memref<!tpu.dma_semaphore, #tpu.memory_space<semaphore_mem>>)
      %dma_wait3A = arith.constant 0 : i32
      %dma_wait3A_14 = tpu.memref_slice %arg11[%mul3A_2, %dma_wait3A] : memref<10112x128xf32, #tpu.memory_space<vmem_shared>> -> memref<632x128xf32, #tpu.memory_space<vmem_shared>>
      tpu.wait_dma2 semaphore(%run_scoped3A : memref<!tpu.dma_semaphore, #tpu.memory_space<semaphore_mem>>) src(%arg5 : memref<632x128xf32, #tpu.memory_space<hbm>>) dst(%dma_wait3A_14 : memref<632x128xf32, #tpu.memory_space<vmem_shared>>)
      tpu.yield
    }) : () -> ()
    %barrier3A = arith.constant 0 : index
    tpu.barrier barrier_id(%barrier3A)
    %scan3A = arith.constant 0 : i32
    %scan3A_3 = arith.constant 0 : i32
    %scan3A_4 = arith.constant 2 : i32
    %scan3A_5 = arith.addi %scan3A_3, %scan3A_4 : i32
    %scan3A_6 = arith.constant 1 : i32
    scf.for %scan3A_13 = %scan3A_3 to %scan3A_5 step %scan3A_6  : i32 {
      %mul3A_14 = arith.constant 40 : i32
      %mul3A_15 = arith.muli %scan3A_13, %mul3A_14 : i32
      "tpu.region"() ({
        %run_scoped3A = tpu.sem_alloc : memref<!tpu.dma_semaphore, #tpu.memory_space<semaphore_mem>>
        %dma_start3A_63 = arith.constant 0 : i32
        %dma_start3A_64 = arith.constant 0 : i32
        %dma_start3A_65 = tpu.memref_slice %arg3[%add3A, %dma_start3A_63, %dma_start3A_64] : memref<32x80x128xi32, #tpu.memory_space<hbm>> -> memref<1x80x128xi32, #tpu.memory_space<hbm>>
        %dma_start3A_66 = tpu.memref_squeeze %dma_start3A_65 : memref<1x80x128xi32, #tpu.memory_space<hbm>> -> memref<80x128xi32, #tpu.memory_space<hbm>>
        %dma_start3A_67 = arith.constant 0 : i32
        %dma_start3A_68 = tpu.memref_slice %dma_start3A_66[%mul3A_15, %dma_start3A_67] : memref<80x128xi32, #tpu.memory_space<hbm>> -> memref<40x128xi32, #tpu.memory_space<hbm>>
        %dma_start3A_69 = arith.constant 0 : i32
        %dma_start3A_70 = arith.constant 0 : i32
        %dma_start3A_71 = tpu.memref_slice %arg3[%add3A, %dma_start3A_69, %dma_start3A_70] : memref<32x80x128xi32, #tpu.memory_space<hbm>> -> memref<1x80x128xi32, #tpu.memory_space<hbm>>
        %dma_start3A_72 = tpu.memref_squeeze %dma_start3A_71 : memref<1x80x128xi32, #tpu.memory_space<hbm>> -> memref<80x128xi32, #tpu.memory_space<hbm>>
        %dma_start3A_73 = arith.constant 0 : i32
        %dma_start3A_74 = tpu.memref_slice %dma_start3A_72[%mul3A_15, %dma_start3A_73] : memref<80x128xi32, #tpu.memory_space<hbm>> -> memref<40x128xi32, #tpu.memory_space<hbm>>
        tpu.enqueue_dma source(%dma_start3A_74 : memref<40x128xi32, #tpu.memory_space<hbm>>) target(%arg7 : memref<40x128xi32, #tpu.memory_space<vmem>>) target_semaphore(%run_scoped3A : memref<!tpu.dma_semaphore, #tpu.memory_space<semaphore_mem>>)
        %dma_wait3A = arith.constant 0 : i32
        %dma_wait3A_75 = arith.constant 0 : i32
        %dma_wait3A_76 = tpu.memref_slice %arg3[%add3A, %dma_wait3A, %dma_wait3A_75] : memref<32x80x128xi32, #tpu.memory_space<hbm>> -> memref<1x80x128xi32, #tpu.memory_space<hbm>>
        %dma_wait3A_77 = tpu.memref_squeeze %dma_wait3A_76 : memref<1x80x128xi32, #tpu.memory_space<hbm>> -> memref<80x128xi32, #tpu.memory_space<hbm>>
        %dma_wait3A_78 = arith.constant 0 : i32
        %dma_wait3A_79 = tpu.memref_slice %dma_wait3A_77[%mul3A_15, %dma_wait3A_78] : memref<80x128xi32, #tpu.memory_space<hbm>> -> memref<40x128xi32, #tpu.memory_space<hbm>>
        %dma_wait3A_80 = arith.constant 0 : i32
        %dma_wait3A_81 = arith.constant 0 : i32
        %dma_wait3A_82 = tpu.memref_slice %arg3[%add3A, %dma_wait3A_80, %dma_wait3A_81] : memref<32x80x128xi32, #tpu.memory_space<hbm>> -> memref<1x80x128xi32, #tpu.memory_space<hbm>>
        %dma_wait3A_83 = tpu.memref_squeeze %dma_wait3A_82 : memref<1x80x128xi32, #tpu.memory_space<hbm>> -> memref<80x128xi32, #tpu.memory_space<hbm>>
        %dma_wait3A_84 = arith.constant 0 : i32
        %dma_wait3A_85 = tpu.memref_slice %dma_wait3A_83[%mul3A_15, %dma_wait3A_84] : memref<80x128xi32, #tpu.memory_space<hbm>> -> memref<40x128xi32, #tpu.memory_space<hbm>>
        tpu.wait_dma2 semaphore(%run_scoped3A : memref<!tpu.dma_semaphore, #tpu.memory_space<semaphore_mem>>) src(%dma_wait3A_85 : memref<40x128xi32, #tpu.memory_space<hbm>>) dst(%arg7 : memref<40x128xi32, #tpu.memory_space<vmem>>)
        tpu.yield
      }) : () -> ()
      %mul3A_16 = arith.constant 40 : i32
      %mul3A_17 = arith.muli %scan3A_13, %mul3A_16 : i32
      "tpu.region"() ({
        %run_scoped3A = tpu.sem_alloc : memref<!tpu.dma_semaphore, #tpu.memory_space<semaphore_mem>>
        %dma_start3A_63 = arith.constant 0 : i32
        %dma_start3A_64 = arith.constant 0 : i32
        %dma_start3A_65 = tpu.memref_slice %arg4[%add3A, %dma_start3A_63, %dma_start3A_64] : memref<32x80x128xi32, #tpu.memory_space<hbm>> -> memref<1x80x128xi32, #tpu.memory_space<hbm>>
        %dma_start3A_66 = tpu.memref_squeeze %dma_start3A_65 : memref<1x80x128xi32, #tpu.memory_space<hbm>> -> memref<80x128xi32, #tpu.memory_space<hbm>>
        %dma_start3A_67 = arith.constant 0 : i32
        %dma_start3A_68 = tpu.memref_slice %dma_start3A_66[%mul3A_17, %dma_start3A_67] : memref<80x128xi32, #tpu.memory_space<hbm>> -> memref<40x128xi32, #tpu.memory_space<hbm>>
        %dma_start3A_69 = arith.constant 0 : i32
        %dma_start3A_70 = arith.constant 0 : i32
        %dma_start3A_71 = tpu.memref_slice %arg4[%add3A, %dma_start3A_69, %dma_start3A_70] : memref<32x80x128xi32, #tpu.memory_space<hbm>> -> memref<1x80x128xi32, #tpu.memory_space<hbm>>
        %dma_start3A_72 = tpu.memref_squeeze %dma_start3A_71 : memref<1x80x128xi32, #tpu.memory_space<hbm>> -> memref<80x128xi32, #tpu.memory_space<hbm>>
        %dma_start3A_73 = arith.constant 0 : i32
        %dma_start3A_74 = tpu.memref_slice %dma_start3A_72[%mul3A_17, %dma_start3A_73] : memref<80x128xi32, #tpu.memory_space<hbm>> -> memref<40x128xi32, #tpu.memory_space<hbm>>
        tpu.enqueue_dma source(%dma_start3A_74 : memref<40x128xi32, #tpu.memory_space<hbm>>) target(%arg8 : memref<40x128xi32, #tpu.memory_space<vmem>>) target_semaphore(%run_scoped3A : memref<!tpu.dma_semaphore, #tpu.memory_space<semaphore_mem>>)
        %dma_wait3A = arith.constant 0 : i32
        %dma_wait3A_75 = arith.constant 0 : i32
        %dma_wait3A_76 = tpu.memref_slice %arg4[%add3A, %dma_wait3A, %dma_wait3A_75] : memref<32x80x128xi32, #tpu.memory_space<hbm>> -> memref<1x80x128xi32, #tpu.memory_space<hbm>>
        %dma_wait3A_77 = tpu.memref_squeeze %dma_wait3A_76 : memref<1x80x128xi32, #tpu.memory_space<hbm>> -> memref<80x128xi32, #tpu.memory_space<hbm>>
        %dma_wait3A_78 = arith.constant 0 : i32
        %dma_wait3A_79 = tpu.memref_slice %dma_wait3A_77[%mul3A_17, %dma_wait3A_78] : memref<80x128xi32, #tpu.memory_space<hbm>> -> memref<40x128xi32, #tpu.memory_space<hbm>>
        %dma_wait3A_80 = arith.constant 0 : i32
        %dma_wait3A_81 = arith.constant 0 : i32
        %dma_wait3A_82 = tpu.memref_slice %arg4[%add3A, %dma_wait3A_80, %dma_wait3A_81] : memref<32x80x128xi32, #tpu.memory_space<hbm>> -> memref<1x80x128xi32, #tpu.memory_space<hbm>>
        %dma_wait3A_83 = tpu.memref_squeeze %dma_wait3A_82 : memref<1x80x128xi32, #tpu.memory_space<hbm>> -> memref<80x128xi32, #tpu.memory_space<hbm>>
        %dma_wait3A_84 = arith.constant 0 : i32
        %dma_wait3A_85 = tpu.memref_slice %dma_wait3A_83[%mul3A_17, %dma_wait3A_84] : memref<80x128xi32, #tpu.memory_space<hbm>> -> memref<40x128xi32, #tpu.memory_space<hbm>>
        tpu.wait_dma2 semaphore(%run_scoped3A : memref<!tpu.dma_semaphore, #tpu.memory_space<semaphore_mem>>) src(%dma_wait3A_85 : memref<40x128xi32, #tpu.memory_space<hbm>>) dst(%arg8 : memref<40x128xi32, #tpu.memory_space<vmem>>)
        tpu.yield
      }) : () -> ()
      %dma_start3A = arith.constant 0 : i32
      %dma_start3A_18 = arith.constant 0 : i32
      %dma_start3A_19 = arith.constant 0 : i32
      %dma_start3A_20 = tpu.memref_slice %arg9[%dma_start3A_18, %dma_start3A_19] : memref<128x128xf32, #tpu.memory_space<vmem>> -> memref<32x128xf32, #tpu.memory_space<vmem>>
      %dma_start3A_21 = arith.constant 0 : i32
      %dma_start3A_22 = tpu.memref_slice %arg7[%dma_start3A, %dma_start3A_21] : memref<40x128xi32, #tpu.memory_space<vmem>> -> memref<1x32xi32, #tpu.memory_space<vmem>>
      %dma_start3A_23 = tpu.memref_squeeze %dma_start3A_22 : memref<1x32xi32, #tpu.memory_space<vmem>> -> memref<32xi32, #tpu.memory_space<vmem>>
      %dma_start3A_24 = arith.constant 0 : i32
      %dma_start3A_25 = arith.constant 0 : i32
      %dma_start3A_26 = tpu.memref_slice %arg2[%dma_start3A_24, %dma_start3A_25] : memref<10112x128xf32, #tpu.memory_space<hbm>> -> memref<10112x128xf32, #tpu.memory_space<hbm>>
      tpu.enqueue_indirect_dma source(%dma_start3A_26 : memref<10112x128xf32, #tpu.memory_space<hbm>>) target(%dma_start3A_20 : memref<32x128xf32, #tpu.memory_space<vmem>>) offsets(%dma_start3A_23 : memref<32xi32, #tpu.memory_space<vmem>>) semaphore(%arg12 : memref<!tpu.dma_semaphore, #tpu.memory_space<semaphore_mem>>)
      %dma_start3A_27 = arith.constant 0 : i32
      %dma_start3A_28 = arith.constant 32 : i32
      %dma_start3A_29 = arith.constant 0 : i32
      %dma_start3A_30 = tpu.memref_slice %arg9[%dma_start3A_28, %dma_start3A_29] : memref<128x128xf32, #tpu.memory_space<vmem>> -> memref<32x128xf32, #tpu.memory_space<vmem>>
      %dma_start3A_31 = arith.constant 32 : i32
      %dma_start3A_32 = tpu.memref_slice %arg7[%dma_start3A_27, %dma_start3A_31] : memref<40x128xi32, #tpu.memory_space<vmem>> -> memref<1x32xi32, #tpu.memory_space<vmem>>
      %dma_start3A_33 = tpu.memref_squeeze %dma_start3A_32 : memref<1x32xi32, #tpu.memory_space<vmem>> -> memref<32xi32, #tpu.memory_space<vmem>>
      %dma_start3A_34 = arith.constant 0 : i32
      %dma_start3A_35 = arith.constant 0 : i32
      %dma_start3A_36 = tpu.memref_slice %arg2[%dma_start3A_34, %dma_start3A_35] : memref<10112x128xf32, #tpu.memory_space<hbm>> -> memref<10112x128xf32, #tpu.memory_space<hbm>>
      tpu.enqueue_indirect_dma source(%dma_start3A_36 : memref<10112x128xf32, #tpu.memory_space<hbm>>) target(%dma_start3A_30 : memref<32x128xf32, #tpu.memory_space<vmem>>) offsets(%dma_start3A_33 : memref<32xi32, #tpu.memory_space<vmem>>) semaphore(%arg12 : memref<!tpu.dma_semaphore, #tpu.memory_space<semaphore_mem>>)
      %dma_start3A_37 = arith.constant 0 : i32
      %dma_start3A_38 = arith.constant 64 : i32
      %dma_start3A_39 = arith.constant 0 : i32
      %dma_start3A_40 = tpu.memref_slice %arg9[%dma_start3A_38, %dma_start3A_39] : memref<128x128xf32, #tpu.memory_space<vmem>> -> memref<32x128xf32, #tpu.memory_space<vmem>>
      %dma_start3A_41 = arith.constant 64 : i32
      %dma_start3A_42 = tpu.memref_slice %arg7[%dma_start3A_37, %dma_start3A_41] : memref<40x128xi32, #tpu.memory_space<vmem>> -> memref<1x32xi32, #tpu.memory_space<vmem>>
      %dma_start3A_43 = tpu.memref_squeeze %dma_start3A_42 : memref<1x32xi32, #tpu.memory_space<vmem>> -> memref<32xi32, #tpu.memory_space<vmem>>
      %dma_start3A_44 = arith.constant 0 : i32
      %dma_start3A_45 = arith.constant 0 : i32
      %dma_start3A_46 = tpu.memref_slice %arg2[%dma_start3A_44, %dma_start3A_45] : memref<10112x128xf32, #tpu.memory_space<hbm>> -> memref<10112x128xf32, #tpu.memory_space<hbm>>
      tpu.enqueue_indirect_dma source(%dma_start3A_46 : memref<10112x128xf32, #tpu.memory_space<hbm>>) target(%dma_start3A_40 : memref<32x128xf32, #tpu.memory_space<vmem>>) offsets(%dma_start3A_43 : memref<32xi32, #tpu.memory_space<vmem>>) semaphore(%arg12 : memref<!tpu.dma_semaphore, #tpu.memory_space<semaphore_mem>>)
      %dma_start3A_47 = arith.constant 0 : i32
      %dma_start3A_48 = arith.constant 96 : i32
      %dma_start3A_49 = arith.constant 0 : i32
      %dma_start3A_50 = tpu.memref_slice %arg9[%dma_start3A_48, %dma_start3A_49] : memref<128x128xf32, #tpu.memory_space<vmem>> -> memref<32x128xf32, #tpu.memory_space<vmem>>
      %dma_start3A_51 = arith.constant 96 : i32
      %dma_start3A_52 = tpu.memref_slice %arg7[%dma_start3A_47, %dma_start3A_51] : memref<40x128xi32, #tpu.memory_space<vmem>> -> memref<1x32xi32, #tpu.memory_space<vmem>>
      %dma_start3A_53 = tpu.memref_squeeze %dma_start3A_52 : memref<1x32xi32, #tpu.memory_space<vmem>> -> memref<32xi32, #tpu.memory_space<vmem>>
      %dma_start3A_54 = arith.constant 0 : i32
      %dma_start3A_55 = arith.constant 0 : i32
      %dma_start3A_56 = tpu.memref_slice %arg2[%dma_start3A_54, %dma_start3A_55] : memref<10112x128xf32, #tpu.memory_space<hbm>> -> memref<10112x128xf32, #tpu.memory_space<hbm>>
      tpu.enqueue_indirect_dma source(%dma_start3A_56 : memref<10112x128xf32, #tpu.memory_space<hbm>>) target(%dma_start3A_50 : memref<32x128xf32, #tpu.memory_space<vmem>>) offsets(%dma_start3A_53 : memref<32xi32, #tpu.memory_space<vmem>>) semaphore(%arg12 : memref<!tpu.dma_semaphore, #tpu.memory_space<semaphore_mem>>)
      %scan3A_57 = arith.constant 0 : i32
      %scan3A_58 = arith.constant 0 : i32
      %scan3A_59 = arith.constant 20 : i32
      %scan3A_60 = arith.addi %scan3A_58, %scan3A_59 : i32
      %scan3A_61 = arith.constant 1 : i32
      scf.for %scan3A_63 = %scan3A_58 to %scan3A_60 step %scan3A_61  : i32 {
        %mul3A_64 = arith.constant 2 : i32
        %mul3A_65 = arith.muli %mul3A_64, %scan3A_63 : i32
        %add3A_66 = arith.constant 1 : i32
        %add3A_67 = arith.addi %mul3A_65, %add3A_66 : i32
        %dma_start3A_68 = arith.constant 0 : i32
        %dma_start3A_69 = arith.constant 0 : i32
        %dma_start3A_70 = tpu.memref_slice %arg10[%dma_start3A_68, %dma_start3A_69] : memref<128x128xf32, #tpu.memory_space<vmem>> -> memref<32x128xf32, #tpu.memory_space<vmem>>
        %dma_start3A_71 = arith.constant 0 : i32
        %dma_start3A_72 = tpu.memref_slice %arg7[%add3A_67, %dma_start3A_71] : memref<40x128xi32, #tpu.memory_space<vmem>> -> memref<1x32xi32, #tpu.memory_space<vmem>>
        %dma_start3A_73 = tpu.memref_squeeze %dma_start3A_72 : memref<1x32xi32, #tpu.memory_space<vmem>> -> memref<32xi32, #tpu.memory_space<vmem>>
        %dma_start3A_74 = arith.constant 0 : i32
        %dma_start3A_75 = arith.constant 0 : i32
        %dma_start3A_76 = tpu.memref_slice %arg2[%dma_start3A_74, %dma_start3A_75] : memref<10112x128xf32, #tpu.memory_space<hbm>> -> memref<10112x128xf32, #tpu.memory_space<hbm>>
        tpu.enqueue_indirect_dma source(%dma_start3A_76 : memref<10112x128xf32, #tpu.memory_space<hbm>>) target(%dma_start3A_70 : memref<32x128xf32, #tpu.memory_space<vmem>>) offsets(%dma_start3A_73 : memref<32xi32, #tpu.memory_space<vmem>>) semaphore(%arg13 : memref<!tpu.dma_semaphore, #tpu.memory_space<semaphore_mem>>)
        %dma_start3A_77 = arith.constant 32 : i32
        %dma_start3A_78 = arith.constant 0 : i32
        %dma_start3A_79 = tpu.memref_slice %arg10[%dma_start3A_77, %dma_start3A_78] : memref<128x128xf32, #tpu.memory_space<vmem>> -> memref<32x128xf32, #tpu.memory_space<vmem>>
        %dma_start3A_80 = arith.constant 32 : i32
        %dma_start3A_81 = tpu.memref_slice %arg7[%add3A_67, %dma_start3A_80] : memref<40x128xi32, #tpu.memory_space<vmem>> -> memref<1x32xi32, #tpu.memory_space<vmem>>
        %dma_start3A_82 = tpu.memref_squeeze %dma_start3A_81 : memref<1x32xi32, #tpu.memory_space<vmem>> -> memref<32xi32, #tpu.memory_space<vmem>>
        %dma_start3A_83 = arith.constant 0 : i32
        %dma_start3A_84 = arith.constant 0 : i32
        %dma_start3A_85 = tpu.memref_slice %arg2[%dma_start3A_83, %dma_start3A_84] : memref<10112x128xf32, #tpu.memory_space<hbm>> -> memref<10112x128xf32, #tpu.memory_space<hbm>>
        tpu.enqueue_indirect_dma source(%dma_start3A_85 : memref<10112x128xf32, #tpu.memory_space<hbm>>) target(%dma_start3A_79 : memref<32x128xf32, #tpu.memory_space<vmem>>) offsets(%dma_start3A_82 : memref<32xi32, #tpu.memory_space<vmem>>) semaphore(%arg13 : memref<!tpu.dma_semaphore, #tpu.memory_space<semaphore_mem>>)
        %dma_start3A_86 = arith.constant 64 : i32
        %dma_start3A_87 = arith.constant 0 : i32
        %dma_start3A_88 = tpu.memref_slice %arg10[%dma_start3A_86, %dma_start3A_87] : memref<128x128xf32, #tpu.memory_space<vmem>> -> memref<32x128xf32, #tpu.memory_space<vmem>>
        %dma_start3A_89 = arith.constant 64 : i32
        %dma_start3A_90 = tpu.memref_slice %arg7[%add3A_67, %dma_start3A_89] : memref<40x128xi32, #tpu.memory_space<vmem>> -> memref<1x32xi32, #tpu.memory_space<vmem>>
        %dma_start3A_91 = tpu.memref_squeeze %dma_start3A_90 : memref<1x32xi32, #tpu.memory_space<vmem>> -> memref<32xi32, #tpu.memory_space<vmem>>
        %dma_start3A_92 = arith.constant 0 : i32
        %dma_start3A_93 = arith.constant 0 : i32
        %dma_start3A_94 = tpu.memref_slice %arg2[%dma_start3A_92, %dma_start3A_93] : memref<10112x128xf32, #tpu.memory_space<hbm>> -> memref<10112x128xf32, #tpu.memory_space<hbm>>
        tpu.enqueue_indirect_dma source(%dma_start3A_94 : memref<10112x128xf32, #tpu.memory_space<hbm>>) target(%dma_start3A_88 : memref<32x128xf32, #tpu.memory_space<vmem>>) offsets(%dma_start3A_91 : memref<32xi32, #tpu.memory_space<vmem>>) semaphore(%arg13 : memref<!tpu.dma_semaphore, #tpu.memory_space<semaphore_mem>>)
        %dma_start3A_95 = arith.constant 96 : i32
        %dma_start3A_96 = arith.constant 0 : i32
        %dma_start3A_97 = tpu.memref_slice %arg10[%dma_start3A_95, %dma_start3A_96] : memref<128x128xf32, #tpu.memory_space<vmem>> -> memref<32x128xf32, #tpu.memory_space<vmem>>
        %dma_start3A_98 = arith.constant 96 : i32
        %dma_start3A_99 = tpu.memref_slice %arg7[%add3A_67, %dma_start3A_98] : memref<40x128xi32, #tpu.memory_space<vmem>> -> memref<1x32xi32, #tpu.memory_space<vmem>>
        %dma_start3A_100 = tpu.memref_squeeze %dma_start3A_99 : memref<1x32xi32, #tpu.memory_space<vmem>> -> memref<32xi32, #tpu.memory_space<vmem>>
        %dma_start3A_101 = arith.constant 0 : i32
        %dma_start3A_102 = arith.constant 0 : i32
        %dma_start3A_103 = tpu.memref_slice %arg2[%dma_start3A_101, %dma_start3A_102] : memref<10112x128xf32, #tpu.memory_space<hbm>> -> memref<10112x128xf32, #tpu.memory_space<hbm>>
        tpu.enqueue_indirect_dma source(%dma_start3A_103 : memref<10112x128xf32, #tpu.memory_space<hbm>>) target(%dma_start3A_97 : memref<32x128xf32, #tpu.memory_space<vmem>>) offsets(%dma_start3A_100 : memref<32xi32, #tpu.memory_space<vmem>>) semaphore(%arg13 : memref<!tpu.dma_semaphore, #tpu.memory_space<semaphore_mem>>)
        %dma_wait3A = arith.constant 0 : i32
        %dma_wait3A_104 = arith.constant 0 : i32
        %dma_wait3A_105 = tpu.memref_slice %arg9[%dma_wait3A, %dma_wait3A_104] : memref<128x128xf32, #tpu.memory_space<vmem>> -> memref<32x128xf32, #tpu.memory_space<vmem>>
        %dma_wait3A_106 = arith.constant 0 : i32
        %dma_wait3A_107 = tpu.memref_slice %arg7[%mul3A_65, %dma_wait3A_106] : memref<40x128xi32, #tpu.memory_space<vmem>> -> memref<1x32xi32, #tpu.memory_space<vmem>>
        %dma_wait3A_108 = tpu.memref_squeeze %dma_wait3A_107 : memref<1x32xi32, #tpu.memory_space<vmem>> -> memref<32xi32, #tpu.memory_space<vmem>>
        %dma_wait3A_109 = arith.constant 0 : i32
        %dma_wait3A_110 = arith.constant 0 : i32
        %dma_wait3A_111 = tpu.memref_slice %arg2[%dma_wait3A_109, %dma_wait3A_110] : memref<10112x128xf32, #tpu.memory_space<hbm>> -> memref<10112x128xf32, #tpu.memory_space<hbm>>
        tpu.wait_indirect_dma semaphore(%arg12 : memref<!tpu.dma_semaphore, #tpu.memory_space<semaphore_mem>>) src(%dma_wait3A_111 : memref<10112x128xf32, #tpu.memory_space<hbm>>) dst(%dma_wait3A_105 : memref<32x128xf32, #tpu.memory_space<vmem>>)
        %dma_wait3A_112 = arith.constant 32 : i32
        %dma_wait3A_113 = arith.constant 0 : i32
        %dma_wait3A_114 = tpu.memref_slice %arg9[%dma_wait3A_112, %dma_wait3A_113] : memref<128x128xf32, #tpu.memory_space<vmem>> -> memref<32x128xf32, #tpu.memory_space<vmem>>
        %dma_wait3A_115 = arith.constant 32 : i32
        %dma_wait3A_116 = tpu.memref_slice %arg7[%mul3A_65, %dma_wait3A_115] : memref<40x128xi32, #tpu.memory_space<vmem>> -> memref<1x32xi32, #tpu.memory_space<vmem>>
        %dma_wait3A_117 = tpu.memref_squeeze %dma_wait3A_116 : memref<1x32xi32, #tpu.memory_space<vmem>> -> memref<32xi32, #tpu.memory_space<vmem>>
        %dma_wait3A_118 = arith.constant 0 : i32
        %dma_wait3A_119 = arith.constant 0 : i32
        %dma_wait3A_120 = tpu.memref_slice %arg2[%dma_wait3A_118, %dma_wait3A_119] : memref<10112x128xf32, #tpu.memory_space<hbm>> -> memref<10112x128xf32, #tpu.memory_space<hbm>>
        tpu.wait_indirect_dma semaphore(%arg12 : memref<!tpu.dma_semaphore, #tpu.memory_space<semaphore_mem>>) src(%dma_wait3A_120 : memref<10112x128xf32, #tpu.memory_space<hbm>>) dst(%dma_wait3A_114 : memref<32x128xf32, #tpu.memory_space<vmem>>)
        %dma_wait3A_121 = arith.constant 64 : i32
        %dma_wait3A_122 = arith.constant 0 : i32
        %dma_wait3A_123 = tpu.memref_slice %arg9[%dma_wait3A_121, %dma_wait3A_122] : memref<128x128xf32, #tpu.memory_space<vmem>> -> memref<32x128xf32, #tpu.memory_space<vmem>>
        %dma_wait3A_124 = arith.constant 64 : i32
        %dma_wait3A_125 = tpu.memref_slice %arg7[%mul3A_65, %dma_wait3A_124] : memref<40x128xi32, #tpu.memory_space<vmem>> -> memref<1x32xi32, #tpu.memory_space<vmem>>
        %dma_wait3A_126 = tpu.memref_squeeze %dma_wait3A_125 : memref<1x32xi32, #tpu.memory_space<vmem>> -> memref<32xi32, #tpu.memory_space<vmem>>
        %dma_wait3A_127 = arith.constant 0 : i32
        %dma_wait3A_128 = arith.constant 0 : i32
        %dma_wait3A_129 = tpu.memref_slice %arg2[%dma_wait3A_127, %dma_wait3A_128] : memref<10112x128xf32, #tpu.memory_space<hbm>> -> memref<10112x128xf32, #tpu.memory_space<hbm>>
        tpu.wait_indirect_dma semaphore(%arg12 : memref<!tpu.dma_semaphore, #tpu.memory_space<semaphore_mem>>) src(%dma_wait3A_129 : memref<10112x128xf32, #tpu.memory_space<hbm>>) dst(%dma_wait3A_123 : memref<32x128xf32, #tpu.memory_space<vmem>>)
        %dma_wait3A_130 = arith.constant 96 : i32
        %dma_wait3A_131 = arith.constant 0 : i32
        %dma_wait3A_132 = tpu.memref_slice %arg9[%dma_wait3A_130, %dma_wait3A_131] : memref<128x128xf32, #tpu.memory_space<vmem>> -> memref<32x128xf32, #tpu.memory_space<vmem>>
        %dma_wait3A_133 = arith.constant 96 : i32
        %dma_wait3A_134 = tpu.memref_slice %arg7[%mul3A_65, %dma_wait3A_133] : memref<40x128xi32, #tpu.memory_space<vmem>> -> memref<1x32xi32, #tpu.memory_space<vmem>>
        %dma_wait3A_135 = tpu.memref_squeeze %dma_wait3A_134 : memref<1x32xi32, #tpu.memory_space<vmem>> -> memref<32xi32, #tpu.memory_space<vmem>>
        %dma_wait3A_136 = arith.constant 0 : i32
        %dma_wait3A_137 = arith.constant 0 : i32
        %dma_wait3A_138 = tpu.memref_slice %arg2[%dma_wait3A_136, %dma_wait3A_137] : memref<10112x128xf32, #tpu.memory_space<hbm>> -> memref<10112x128xf32, #tpu.memory_space<hbm>>
        tpu.wait_indirect_dma semaphore(%arg12 : memref<!tpu.dma_semaphore, #tpu.memory_space<semaphore_mem>>) src(%dma_wait3A_138 : memref<10112x128xf32, #tpu.memory_space<hbm>>) dst(%dma_wait3A_132 : memref<32x128xf32, #tpu.memory_space<vmem>>)
        "tpu.region"() ({
          %run_scoped3A = tpu.sem_alloc : memref<!tpu.dma_semaphore, #tpu.memory_space<semaphore_mem>>
          %dma_start3A_183 = arith.constant 0 : i32
          %dma_start3A_184 = tpu.memref_slice %arg8[%mul3A_65, %dma_start3A_183] : memref<40x128xi32, #tpu.memory_space<vmem>> -> memref<1x128xi32, #tpu.memory_space<vmem>>
          %dma_start3A_185 = tpu.memref_squeeze %dma_start3A_184 : memref<1x128xi32, #tpu.memory_space<vmem>> -> memref<128xi32, #tpu.memory_space<vmem>>
          %dma_start3A_186 = arith.constant 0 : i32
          %dma_start3A_187 = arith.constant 0 : i32
          %dma_start3A_188 = tpu.memref_slice %arg11[%dma_start3A_186, %dma_start3A_187] : memref<10112x128xf32, #tpu.memory_space<vmem_shared>> -> memref<10112x128xf32, #tpu.memory_space<vmem_shared>>
          tpu.enqueue_indirect_dma source(%arg9 : memref<128x128xf32, #tpu.memory_space<vmem>>) target(%dma_start3A_188 : memref<10112x128xf32, #tpu.memory_space<vmem_shared>>) offsets(%dma_start3A_185 : memref<128xi32, #tpu.memory_space<vmem>>) semaphore(%run_scoped3A : memref<!tpu.dma_semaphore, #tpu.memory_space<semaphore_mem>>) {add = true}
          %dma_wait3A_189 = arith.constant 0 : i32
          %dma_wait3A_190 = tpu.memref_slice %arg8[%mul3A_65, %dma_wait3A_189] : memref<40x128xi32, #tpu.memory_space<vmem>> -> memref<1x128xi32, #tpu.memory_space<vmem>>
          %dma_wait3A_191 = tpu.memref_squeeze %dma_wait3A_190 : memref<1x128xi32, #tpu.memory_space<vmem>> -> memref<128xi32, #tpu.memory_space<vmem>>
          %dma_wait3A_192 = arith.constant 0 : i32
          %dma_wait3A_193 = arith.constant 0 : i32
          %dma_wait3A_194 = tpu.memref_slice %arg11[%dma_wait3A_192, %dma_wait3A_193] : memref<10112x128xf32, #tpu.memory_space<vmem_shared>> -> memref<10112x128xf32, #tpu.memory_space<vmem_shared>>
          tpu.wait_indirect_dma semaphore(%run_scoped3A : memref<!tpu.dma_semaphore, #tpu.memory_space<semaphore_mem>>) src(%arg9 : memref<128x128xf32, #tpu.memory_space<vmem>>) dst(%dma_wait3A_194 : memref<10112x128xf32, #tpu.memory_space<vmem_shared>>)
          tpu.yield
        }) : () -> ()
        %add3A_139 = arith.constant 2 : i32
        %add3A_140 = arith.addi %mul3A_65, %add3A_139 : i32
        %lt3A = arith.constant 40 : i32
        %lt3A_141 = arith.cmpi slt, %add3A_140, %lt3A : i32
        %convert_element_type3A = arith.extui %lt3A_141 : i1 to i32
        %cond3A = arith.constant 0 : i32
        %cond3A_142 = arith.cmpi ne, %convert_element_type3A, %cond3A : i32
        scf.if %cond3A_142 {
          %add3A_183 = arith.constant 2 : i32
          %add3A_184 = arith.addi %mul3A_65, %add3A_183 : i32
          %dma_start3A_185 = arith.constant 0 : i32
          %dma_start3A_186 = arith.constant 0 : i32
          %dma_start3A_187 = tpu.memref_slice %arg9[%dma_start3A_185, %dma_start3A_186] : memref<128x128xf32, #tpu.memory_space<vmem>> -> memref<32x128xf32, #tpu.memory_space<vmem>>
          %dma_start3A_188 = arith.constant 0 : i32
          %dma_start3A_189 = tpu.memref_slice %arg7[%add3A_184, %dma_start3A_188] : memref<40x128xi32, #tpu.memory_space<vmem>> -> memref<1x32xi32, #tpu.memory_space<vmem>>
          %dma_start3A_190 = tpu.memref_squeeze %dma_start3A_189 : memref<1x32xi32, #tpu.memory_space<vmem>> -> memref<32xi32, #tpu.memory_space<vmem>>
          %dma_start3A_191 = arith.constant 0 : i32
          %dma_start3A_192 = arith.constant 0 : i32
          %dma_start3A_193 = tpu.memref_slice %arg2[%dma_start3A_191, %dma_start3A_192] : memref<10112x128xf32, #tpu.memory_space<hbm>> -> memref<10112x128xf32, #tpu.memory_space<hbm>>
          tpu.enqueue_indirect_dma source(%dma_start3A_193 : memref<10112x128xf32, #tpu.memory_space<hbm>>) target(%dma_start3A_187 : memref<32x128xf32, #tpu.memory_space<vmem>>) offsets(%dma_start3A_190 : memref<32xi32, #tpu.memory_space<vmem>>) semaphore(%arg12 : memref<!tpu.dma_semaphore, #tpu.memory_space<semaphore_mem>>)
          %dma_start3A_194 = arith.constant 32 : i32
          %dma_start3A_195 = arith.constant 0 : i32
          %dma_start3A_196 = tpu.memref_slice %arg9[%dma_start3A_194, %dma_start3A_195] : memref<128x128xf32, #tpu.memory_space<vmem>> -> memref<32x128xf32, #tpu.memory_space<vmem>>
          %dma_start3A_197 = arith.constant 32 : i32
          %dma_start3A_198 = tpu.memref_slice %arg7[%add3A_184, %dma_start3A_197] : memref<40x128xi32, #tpu.memory_space<vmem>> -> memref<1x32xi32, #tpu.memory_space<vmem>>
          %dma_start3A_199 = tpu.memref_squeeze %dma_start3A_198 : memref<1x32xi32, #tpu.memory_space<vmem>> -> memref<32xi32, #tpu.memory_space<vmem>>
          %dma_start3A_200 = arith.constant 0 : i32
          %dma_start3A_201 = arith.constant 0 : i32
          %dma_start3A_202 = tpu.memref_slice %arg2[%dma_start3A_200, %dma_start3A_201] : memref<10112x128xf32, #tpu.memory_space<hbm>> -> memref<10112x128xf32, #tpu.memory_space<hbm>>
          tpu.enqueue_indirect_dma source(%dma_start3A_202 : memref<10112x128xf32, #tpu.memory_space<hbm>>) target(%dma_start3A_196 : memref<32x128xf32, #tpu.memory_space<vmem>>) offsets(%dma_start3A_199 : memref<32xi32, #tpu.memory_space<vmem>>) semaphore(%arg12 : memref<!tpu.dma_semaphore, #tpu.memory_space<semaphore_mem>>)
          %dma_start3A_203 = arith.constant 64 : i32
          %dma_start3A_204 = arith.constant 0 : i32
          %dma_start3A_205 = tpu.memref_slice %arg9[%dma_start3A_203, %dma_start3A_204] : memref<128x128xf32, #tpu.memory_space<vmem>> -> memref<32x128xf32, #tpu.memory_space<vmem>>
          %dma_start3A_206 = arith.constant 64 : i32
          %dma_start3A_207 = tpu.memref_slice %arg7[%add3A_184, %dma_start3A_206] : memref<40x128xi32, #tpu.memory_space<vmem>> -> memref<1x32xi32, #tpu.memory_space<vmem>>
          %dma_start3A_208 = tpu.memref_squeeze %dma_start3A_207 : memref<1x32xi32, #tpu.memory_space<vmem>> -> memref<32xi32, #tpu.memory_space<vmem>>
          %dma_start3A_209 = arith.constant 0 : i32
          %dma_start3A_210 = arith.constant 0 : i32
          %dma_start3A_211 = tpu.memref_slice %arg2[%dma_start3A_209, %dma_start3A_210] : memref<10112x128xf32, #tpu.memory_space<hbm>> -> memref<10112x128xf32, #tpu.memory_space<hbm>>
          tpu.enqueue_indirect_dma source(%dma_start3A_211 : memref<10112x128xf32, #tpu.memory_space<hbm>>) target(%dma_start3A_205 : memref<32x128xf32, #tpu.memory_space<vmem>>) offsets(%dma_start3A_208 : memref<32xi32, #tpu.memory_space<vmem>>) semaphore(%arg12 : memref<!tpu.dma_semaphore, #tpu.memory_space<semaphore_mem>>)
          %dma_start3A_212 = arith.constant 96 : i32
          %dma_start3A_213 = arith.constant 0 : i32
          %dma_start3A_214 = tpu.memref_slice %arg9[%dma_start3A_212, %dma_start3A_213] : memref<128x128xf32, #tpu.memory_space<vmem>> -> memref<32x128xf32, #tpu.memory_space<vmem>>
          %dma_start3A_215 = arith.constant 96 : i32
          %dma_start3A_216 = tpu.memref_slice %arg7[%add3A_184, %dma_start3A_215] : memref<40x128xi32, #tpu.memory_space<vmem>> -> memref<1x32xi32, #tpu.memory_space<vmem>>
          %dma_start3A_217 = tpu.memref_squeeze %dma_start3A_216 : memref<1x32xi32, #tpu.memory_space<vmem>> -> memref<32xi32, #tpu.memory_space<vmem>>
          %dma_start3A_218 = arith.constant 0 : i32
          %dma_start3A_219 = arith.constant 0 : i32
          %dma_start3A_220 = tpu.memref_slice %arg2[%dma_start3A_218, %dma_start3A_219] : memref<10112x128xf32, #tpu.memory_space<hbm>> -> memref<10112x128xf32, #tpu.memory_space<hbm>>
          tpu.enqueue_indirect_dma source(%dma_start3A_220 : memref<10112x128xf32, #tpu.memory_space<hbm>>) target(%dma_start3A_214 : memref<32x128xf32, #tpu.memory_space<vmem>>) offsets(%dma_start3A_217 : memref<32xi32, #tpu.memory_space<vmem>>) semaphore(%arg12 : memref<!tpu.dma_semaphore, #tpu.memory_space<semaphore_mem>>)
        } else {
        }
        %add3A_143 = arith.constant 1 : i32
        %add3A_144 = arith.addi %mul3A_65, %add3A_143 : i32
        %dma_wait3A_145 = arith.constant 0 : i32
        %dma_wait3A_146 = arith.constant 0 : i32
        %dma_wait3A_147 = tpu.memref_slice %arg10[%dma_wait3A_145, %dma_wait3A_146] : memref<128x128xf32, #tpu.memory_space<vmem>> -> memref<32x128xf32, #tpu.memory_space<vmem>>
        %dma_wait3A_148 = arith.constant 0 : i32
        %dma_wait3A_149 = tpu.memref_slice %arg7[%add3A_144, %dma_wait3A_148] : memref<40x128xi32, #tpu.memory_space<vmem>> -> memref<1x32xi32, #tpu.memory_space<vmem>>
        %dma_wait3A_150 = tpu.memref_squeeze %dma_wait3A_149 : memref<1x32xi32, #tpu.memory_space<vmem>> -> memref<32xi32, #tpu.memory_space<vmem>>
        %dma_wait3A_151 = arith.constant 0 : i32
        %dma_wait3A_152 = arith.constant 0 : i32
        %dma_wait3A_153 = tpu.memref_slice %arg2[%dma_wait3A_151, %dma_wait3A_152] : memref<10112x128xf32, #tpu.memory_space<hbm>> -> memref<10112x128xf32, #tpu.memory_space<hbm>>
        tpu.wait_indirect_dma semaphore(%arg13 : memref<!tpu.dma_semaphore, #tpu.memory_space<semaphore_mem>>) src(%dma_wait3A_153 : memref<10112x128xf32, #tpu.memory_space<hbm>>) dst(%dma_wait3A_147 : memref<32x128xf32, #tpu.memory_space<vmem>>)
        %dma_wait3A_154 = arith.constant 32 : i32
        %dma_wait3A_155 = arith.constant 0 : i32
        %dma_wait3A_156 = tpu.memref_slice %arg10[%dma_wait3A_154, %dma_wait3A_155] : memref<128x128xf32, #tpu.memory_space<vmem>> -> memref<32x128xf32, #tpu.memory_space<vmem>>
        %dma_wait3A_157 = arith.constant 32 : i32
        %dma_wait3A_158 = tpu.memref_slice %arg7[%add3A_144, %dma_wait3A_157] : memref<40x128xi32, #tpu.memory_space<vmem>> -> memref<1x32xi32, #tpu.memory_space<vmem>>
        %dma_wait3A_159 = tpu.memref_squeeze %dma_wait3A_158 : memref<1x32xi32, #tpu.memory_space<vmem>> -> memref<32xi32, #tpu.memory_space<vmem>>
        %dma_wait3A_160 = arith.constant 0 : i32
        %dma_wait3A_161 = arith.constant 0 : i32
        %dma_wait3A_162 = tpu.memref_slice %arg2[%dma_wait3A_160, %dma_wait3A_161] : memref<10112x128xf32, #tpu.memory_space<hbm>> -> memref<10112x128xf32, #tpu.memory_space<hbm>>
        tpu.wait_indirect_dma semaphore(%arg13 : memref<!tpu.dma_semaphore, #tpu.memory_space<semaphore_mem>>) src(%dma_wait3A_162 : memref<10112x128xf32, #tpu.memory_space<hbm>>) dst(%dma_wait3A_156 : memref<32x128xf32, #tpu.memory_space<vmem>>)
        %dma_wait3A_163 = arith.constant 64 : i32
        %dma_wait3A_164 = arith.constant 0 : i32
        %dma_wait3A_165 = tpu.memref_slice %arg10[%dma_wait3A_163, %dma_wait3A_164] : memref<128x128xf32, #tpu.memory_space<vmem>> -> memref<32x128xf32, #tpu.memory_space<vmem>>
        %dma_wait3A_166 = arith.constant 64 : i32
        %dma_wait3A_167 = tpu.memref_slice %arg7[%add3A_144, %dma_wait3A_166] : memref<40x128xi32, #tpu.memory_space<vmem>> -> memref<1x32xi32, #tpu.memory_space<vmem>>
        %dma_wait3A_168 = tpu.memref_squeeze %dma_wait3A_167 : memref<1x32xi32, #tpu.memory_space<vmem>> -> memref<32xi32, #tpu.memory_space<vmem>>
        %dma_wait3A_169 = arith.constant 0 : i32
        %dma_wait3A_170 = arith.constant 0 : i32
        %dma_wait3A_171 = tpu.memref_slice %arg2[%dma_wait3A_169, %dma_wait3A_170] : memref<10112x128xf32, #tpu.memory_space<hbm>> -> memref<10112x128xf32, #tpu.memory_space<hbm>>
        tpu.wait_indirect_dma semaphore(%arg13 : memref<!tpu.dma_semaphore, #tpu.memory_space<semaphore_mem>>) src(%dma_wait3A_171 : memref<10112x128xf32, #tpu.memory_space<hbm>>) dst(%dma_wait3A_165 : memref<32x128xf32, #tpu.memory_space<vmem>>)
        %dma_wait3A_172 = arith.constant 96 : i32
        %dma_wait3A_173 = arith.constant 0 : i32
        %dma_wait3A_174 = tpu.memref_slice %arg10[%dma_wait3A_172, %dma_wait3A_173] : memref<128x128xf32, #tpu.memory_space<vmem>> -> memref<32x128xf32, #tpu.memory_space<vmem>>
        %dma_wait3A_175 = arith.constant 96 : i32
        %dma_wait3A_176 = tpu.memref_slice %arg7[%add3A_144, %dma_wait3A_175] : memref<40x128xi32, #tpu.memory_space<vmem>> -> memref<1x32xi32, #tpu.memory_space<vmem>>
        %dma_wait3A_177 = tpu.memref_squeeze %dma_wait3A_176 : memref<1x32xi32, #tpu.memory_space<vmem>> -> memref<32xi32, #tpu.memory_space<vmem>>
        %dma_wait3A_178 = arith.constant 0 : i32
        %dma_wait3A_179 = arith.constant 0 : i32
        %dma_wait3A_180 = tpu.memref_slice %arg2[%dma_wait3A_178, %dma_wait3A_179] : memref<10112x128xf32, #tpu.memory_space<hbm>> -> memref<10112x128xf32, #tpu.memory_space<hbm>>
        tpu.wait_indirect_dma semaphore(%arg13 : memref<!tpu.dma_semaphore, #tpu.memory_space<semaphore_mem>>) src(%dma_wait3A_180 : memref<10112x128xf32, #tpu.memory_space<hbm>>) dst(%dma_wait3A_174 : memref<32x128xf32, #tpu.memory_space<vmem>>)
        %add3A_181 = arith.constant 1 : i32
        %add3A_182 = arith.addi %mul3A_65, %add3A_181 : i32
        "tpu.region"() ({
          %run_scoped3A = tpu.sem_alloc : memref<!tpu.dma_semaphore, #tpu.memory_space<semaphore_mem>>
          %dma_start3A_183 = arith.constant 0 : i32
          %dma_start3A_184 = tpu.memref_slice %arg8[%add3A_182, %dma_start3A_183] : memref<40x128xi32, #tpu.memory_space<vmem>> -> memref<1x128xi32, #tpu.memory_space<vmem>>
          %dma_start3A_185 = tpu.memref_squeeze %dma_start3A_184 : memref<1x128xi32, #tpu.memory_space<vmem>> -> memref<128xi32, #tpu.memory_space<vmem>>
          %dma_start3A_186 = arith.constant 0 : i32
          %dma_start3A_187 = arith.constant 0 : i32
          %dma_start3A_188 = tpu.memref_slice %arg11[%dma_start3A_186, %dma_start3A_187] : memref<10112x128xf32, #tpu.memory_space<vmem_shared>> -> memref<10112x128xf32, #tpu.memory_space<vmem_shared>>
          tpu.enqueue_indirect_dma source(%arg10 : memref<128x128xf32, #tpu.memory_space<vmem>>) target(%dma_start3A_188 : memref<10112x128xf32, #tpu.memory_space<vmem_shared>>) offsets(%dma_start3A_185 : memref<128xi32, #tpu.memory_space<vmem>>) semaphore(%run_scoped3A : memref<!tpu.dma_semaphore, #tpu.memory_space<semaphore_mem>>) {add = true}
          %dma_wait3A_189 = arith.constant 0 : i32
          %dma_wait3A_190 = tpu.memref_slice %arg8[%add3A_182, %dma_wait3A_189] : memref<40x128xi32, #tpu.memory_space<vmem>> -> memref<1x128xi32, #tpu.memory_space<vmem>>
          %dma_wait3A_191 = tpu.memref_squeeze %dma_wait3A_190 : memref<1x128xi32, #tpu.memory_space<vmem>> -> memref<128xi32, #tpu.memory_space<vmem>>
          %dma_wait3A_192 = arith.constant 0 : i32
          %dma_wait3A_193 = arith.constant 0 : i32
          %dma_wait3A_194 = tpu.memref_slice %arg11[%dma_wait3A_192, %dma_wait3A_193] : memref<10112x128xf32, #tpu.memory_space<vmem_shared>> -> memref<10112x128xf32, #tpu.memory_space<vmem_shared>>
          tpu.wait_indirect_dma semaphore(%run_scoped3A : memref<!tpu.dma_semaphore, #tpu.memory_space<semaphore_mem>>) src(%arg10 : memref<128x128xf32, #tpu.memory_space<vmem>>) dst(%dma_wait3A_194 : memref<10112x128xf32, #tpu.memory_space<vmem_shared>>)
          tpu.yield
        }) : () -> ()
      }
      %scan3A_62 = arith.constant 20 : i32
    }
    %scan3A_7 = arith.constant 2 : i32
    %barrier3A_8 = arith.constant 0 : index
    tpu.barrier barrier_id(%barrier3A_8)
    %mul3A_9 = arith.constant 632 : i32
    %mul3A_10 = arith.muli %arg1, %mul3A_9 : i32
    %mul3A_11 = arith.constant 632 : i32
    %mul3A_12 = arith.muli %arg1, %mul3A_11 : i32
    "tpu.region"() ({
      %run_scoped3A = tpu.sem_alloc : memref<!tpu.dma_semaphore, #tpu.memory_space<semaphore_mem>>
      %dma_start3A = arith.constant 0 : i32
      %dma_start3A_13 = arith.constant 0 : i32
      %dma_start3A_14 = tpu.memref_slice %arg6[%arg0, %dma_start3A, %dma_start3A_13] : memref<2x10112x128xf32, #tpu.memory_space<hbm>> -> memref<1x10112x128xf32, #tpu.memory_space<hbm>>
      %dma_start3A_15 = tpu.memref_squeeze %dma_start3A_14 : memref<1x10112x128xf32, #tpu.memory_space<hbm>> -> memref<10112x128xf32, #tpu.memory_space<hbm>>
      %dma_start3A_16 = arith.constant 0 : i32
      %dma_start3A_17 = tpu.memref_slice %dma_start3A_15[%mul3A_12, %dma_start3A_16] : memref<10112x128xf32, #tpu.memory_space<hbm>> -> memref<632x128xf32, #tpu.memory_space<hbm>>
      %dma_start3A_18 = arith.constant 0 : i32
      %dma_start3A_19 = tpu.memref_slice %arg11[%mul3A_10, %dma_start3A_18] : memref<10112x128xf32, #tpu.memory_space<vmem_shared>> -> memref<632x128xf32, #tpu.memory_space<vmem_shared>>
      tpu.enqueue_dma source(%dma_start3A_19 : memref<632x128xf32, #tpu.memory_space<vmem_shared>>) target(%dma_start3A_17 : memref<632x128xf32, #tpu.memory_space<hbm>>) target_semaphore(%run_scoped3A : memref<!tpu.dma_semaphore, #tpu.memory_space<semaphore_mem>>)
      %dma_wait3A = arith.constant 0 : i32
      %dma_wait3A_20 = arith.constant 0 : i32
      %dma_wait3A_21 = tpu.memref_slice %arg6[%arg0, %dma_wait3A, %dma_wait3A_20] : memref<2x10112x128xf32, #tpu.memory_space<hbm>> -> memref<1x10112x128xf32, #tpu.memory_space<hbm>>
      %dma_wait3A_22 = tpu.memref_squeeze %dma_wait3A_21 : memref<1x10112x128xf32, #tpu.memory_space<hbm>> -> memref<10112x128xf32, #tpu.memory_space<hbm>>
      %dma_wait3A_23 = arith.constant 0 : i32
      %dma_wait3A_24 = tpu.memref_slice %dma_wait3A_22[%mul3A_12, %dma_wait3A_23] : memref<10112x128xf32, #tpu.memory_space<hbm>> -> memref<632x128xf32, #tpu.memory_space<hbm>>
      %dma_wait3A_25 = arith.constant 0 : i32
      %dma_wait3A_26 = tpu.memref_slice %arg11[%mul3A_10, %dma_wait3A_25] : memref<10112x128xf32, #tpu.memory_space<vmem_shared>> -> memref<632x128xf32, #tpu.memory_space<vmem_shared>>
      tpu.wait_dma2 semaphore(%run_scoped3A : memref<!tpu.dma_semaphore, #tpu.memory_space<semaphore_mem>>) src(%dma_wait3A_26 : memref<632x128xf32, #tpu.memory_space<vmem_shared>>) dst(%dma_wait3A_24 : memref<632x128xf32, #tpu.memory_space<hbm>>)
      tpu.yield
    }) : () -> ()
    return
  }
}

#map = affine_map<(d0, d1) -> (0, 0, 0)>
#map1 = affine_map<(d0, d1) -> (0, 0)>
module attributes {stable_mosaic.version = 14 : i64} {
  func.func @_deg_kernel(%arg0: i32, %arg1: i32, %arg2: memref<32x80x128xi32, #tpu.memory_space<hbm>>, %arg3: memref<128x128xf32, #tpu.memory_space<hbm>>, %arg4: memref<632x128xf32, #tpu.memory_space<hbm>>, %arg5: memref<2x10112x128xf32, #tpu.memory_space<hbm>>, %arg6: memref<40x128xi32, #tpu.memory_space<vmem>>, %arg7: memref<128x128xf32, #tpu.memory_space<vmem>>, %arg8: memref<10112x128xf32, #tpu.memory_space<vmem_shared>>) attributes {dimension_semantics = [#tpu.dimension_semantics<core_parallel>, #tpu.dimension_semantics<subcore_parallel>], iteration_bounds = array<i64: 2, 16>, scalar_prefetch = 0 : i64, scratch_operands = 3 : i64, tpu.core_type = #tpu.core_type<sc_vector_subcore>, window_params = [{transform_indices = #map}, {transform_indices = #map1}, {transform_indices = #map1}, {transform_indices = #map}]} {
    %mul3A = arith.constant 16 : i32
    %mul3A_0 = arith.muli %arg0, %mul3A : i32
    %add3A = arith.addi %mul3A_0, %arg1 : i32
    "tpu.region"() ({
      %run_scoped3A = tpu.sem_alloc : memref<!tpu.dma_semaphore, #tpu.memory_space<semaphore_mem>>
      tpu.enqueue_dma source(%arg3 : memref<128x128xf32, #tpu.memory_space<hbm>>) target(%arg7 : memref<128x128xf32, #tpu.memory_space<vmem>>) target_semaphore(%run_scoped3A : memref<!tpu.dma_semaphore, #tpu.memory_space<semaphore_mem>>)
      tpu.wait_dma2 semaphore(%run_scoped3A : memref<!tpu.dma_semaphore, #tpu.memory_space<semaphore_mem>>) src(%arg3 : memref<128x128xf32, #tpu.memory_space<hbm>>) dst(%arg7 : memref<128x128xf32, #tpu.memory_space<vmem>>)
      tpu.yield
    }) : () -> ()
    %mul3A_1 = arith.constant 632 : i32
    %mul3A_2 = arith.muli %arg1, %mul3A_1 : i32
    "tpu.region"() ({
      %run_scoped3A = tpu.sem_alloc : memref<!tpu.dma_semaphore, #tpu.memory_space<semaphore_mem>>
      %dma_start3A = arith.constant 0 : i32
      %dma_start3A_13 = tpu.memref_slice %arg8[%mul3A_2, %dma_start3A] : memref<10112x128xf32, #tpu.memory_space<vmem_shared>> -> memref<632x128xf32, #tpu.memory_space<vmem_shared>>
      tpu.enqueue_dma source(%arg4 : memref<632x128xf32, #tpu.memory_space<hbm>>) target(%dma_start3A_13 : memref<632x128xf32, #tpu.memory_space<vmem_shared>>) target_semaphore(%run_scoped3A : memref<!tpu.dma_semaphore, #tpu.memory_space<semaphore_mem>>)
      %dma_wait3A = arith.constant 0 : i32
      %dma_wait3A_14 = tpu.memref_slice %arg8[%mul3A_2, %dma_wait3A] : memref<10112x128xf32, #tpu.memory_space<vmem_shared>> -> memref<632x128xf32, #tpu.memory_space<vmem_shared>>
      tpu.wait_dma2 semaphore(%run_scoped3A : memref<!tpu.dma_semaphore, #tpu.memory_space<semaphore_mem>>) src(%arg4 : memref<632x128xf32, #tpu.memory_space<hbm>>) dst(%dma_wait3A_14 : memref<632x128xf32, #tpu.memory_space<vmem_shared>>)
      tpu.yield
    }) : () -> ()
    %barrier3A = arith.constant 0 : index
    tpu.barrier barrier_id(%barrier3A)
    %scan3A = arith.constant 0 : i32
    %scan3A_3 = arith.constant 0 : i32
    %scan3A_4 = arith.constant 2 : i32
    %scan3A_5 = arith.addi %scan3A_3, %scan3A_4 : i32
    %scan3A_6 = arith.constant 1 : i32
    scf.for %scan3A_13 = %scan3A_3 to %scan3A_5 step %scan3A_6  : i32 {
      %mul3A_14 = arith.constant 40 : i32
      %mul3A_15 = arith.muli %scan3A_13, %mul3A_14 : i32
      "tpu.region"() ({
        %run_scoped3A = tpu.sem_alloc : memref<!tpu.dma_semaphore, #tpu.memory_space<semaphore_mem>>
        %dma_start3A = arith.constant 0 : i32
        %dma_start3A_22 = arith.constant 0 : i32
        %dma_start3A_23 = tpu.memref_slice %arg2[%add3A, %dma_start3A, %dma_start3A_22] : memref<32x80x128xi32, #tpu.memory_space<hbm>> -> memref<1x80x128xi32, #tpu.memory_space<hbm>>
        %dma_start3A_24 = tpu.memref_squeeze %dma_start3A_23 : memref<1x80x128xi32, #tpu.memory_space<hbm>> -> memref<80x128xi32, #tpu.memory_space<hbm>>
        %dma_start3A_25 = arith.constant 0 : i32
        %dma_start3A_26 = tpu.memref_slice %dma_start3A_24[%mul3A_15, %dma_start3A_25] : memref<80x128xi32, #tpu.memory_space<hbm>> -> memref<40x128xi32, #tpu.memory_space<hbm>>
        %dma_start3A_27 = arith.constant 0 : i32
        %dma_start3A_28 = arith.constant 0 : i32
        %dma_start3A_29 = tpu.memref_slice %arg2[%add3A, %dma_start3A_27, %dma_start3A_28] : memref<32x80x128xi32, #tpu.memory_space<hbm>> -> memref<1x80x128xi32, #tpu.memory_space<hbm>>
        %dma_start3A_30 = tpu.memref_squeeze %dma_start3A_29 : memref<1x80x128xi32, #tpu.memory_space<hbm>> -> memref<80x128xi32, #tpu.memory_space<hbm>>
        %dma_start3A_31 = arith.constant 0 : i32
        %dma_start3A_32 = tpu.memref_slice %dma_start3A_30[%mul3A_15, %dma_start3A_31] : memref<80x128xi32, #tpu.memory_space<hbm>> -> memref<40x128xi32, #tpu.memory_space<hbm>>
        tpu.enqueue_dma source(%dma_start3A_32 : memref<40x128xi32, #tpu.memory_space<hbm>>) target(%arg6 : memref<40x128xi32, #tpu.memory_space<vmem>>) target_semaphore(%run_scoped3A : memref<!tpu.dma_semaphore, #tpu.memory_space<semaphore_mem>>)
        %dma_wait3A = arith.constant 0 : i32
        %dma_wait3A_33 = arith.constant 0 : i32
        %dma_wait3A_34 = tpu.memref_slice %arg2[%add3A, %dma_wait3A, %dma_wait3A_33] : memref<32x80x128xi32, #tpu.memory_space<hbm>> -> memref<1x80x128xi32, #tpu.memory_space<hbm>>
        %dma_wait3A_35 = tpu.memref_squeeze %dma_wait3A_34 : memref<1x80x128xi32, #tpu.memory_space<hbm>> -> memref<80x128xi32, #tpu.memory_space<hbm>>
        %dma_wait3A_36 = arith.constant 0 : i32
        %dma_wait3A_37 = tpu.memref_slice %dma_wait3A_35[%mul3A_15, %dma_wait3A_36] : memref<80x128xi32, #tpu.memory_space<hbm>> -> memref<40x128xi32, #tpu.memory_space<hbm>>
        %dma_wait3A_38 = arith.constant 0 : i32
        %dma_wait3A_39 = arith.constant 0 : i32
        %dma_wait3A_40 = tpu.memref_slice %arg2[%add3A, %dma_wait3A_38, %dma_wait3A_39] : memref<32x80x128xi32, #tpu.memory_space<hbm>> -> memref<1x80x128xi32, #tpu.memory_space<hbm>>
        %dma_wait3A_41 = tpu.memref_squeeze %dma_wait3A_40 : memref<1x80x128xi32, #tpu.memory_space<hbm>> -> memref<80x128xi32, #tpu.memory_space<hbm>>
        %dma_wait3A_42 = arith.constant 0 : i32
        %dma_wait3A_43 = tpu.memref_slice %dma_wait3A_41[%mul3A_15, %dma_wait3A_42] : memref<80x128xi32, #tpu.memory_space<hbm>> -> memref<40x128xi32, #tpu.memory_space<hbm>>
        tpu.wait_dma2 semaphore(%run_scoped3A : memref<!tpu.dma_semaphore, #tpu.memory_space<semaphore_mem>>) src(%dma_wait3A_43 : memref<40x128xi32, #tpu.memory_space<hbm>>) dst(%arg6 : memref<40x128xi32, #tpu.memory_space<vmem>>)
        tpu.yield
      }) : () -> ()
      %scan3A_16 = arith.constant 0 : i32
      %scan3A_17 = arith.constant 0 : i32
      %scan3A_18 = arith.constant 40 : i32
      %scan3A_19 = arith.addi %scan3A_17, %scan3A_18 : i32
      %scan3A_20 = arith.constant 1 : i32
      scf.for %scan3A_22 = %scan3A_17 to %scan3A_19 step %scan3A_20  : i32 {
        "tpu.region"() ({
          %run_scoped3A = tpu.sem_alloc : memref<!tpu.dma_semaphore, #tpu.memory_space<semaphore_mem>>
          %dma_start3A = arith.constant 0 : i32
          %dma_start3A_23 = tpu.memref_slice %arg6[%scan3A_22, %dma_start3A] : memref<40x128xi32, #tpu.memory_space<vmem>> -> memref<1x128xi32, #tpu.memory_space<vmem>>
          %dma_start3A_24 = tpu.memref_squeeze %dma_start3A_23 : memref<1x128xi32, #tpu.memory_space<vmem>> -> memref<128xi32, #tpu.memory_space<vmem>>
          %dma_start3A_25 = arith.constant 0 : i32
          %dma_start3A_26 = arith.constant 0 : i32
          %dma_start3A_27 = tpu.memref_slice %arg8[%dma_start3A_25, %dma_start3A_26] : memref<10112x128xf32, #tpu.memory_space<vmem_shared>> -> memref<10112x128xf32, #tpu.memory_space<vmem_shared>>
          tpu.enqueue_indirect_dma source(%arg7 : memref<128x128xf32, #tpu.memory_space<vmem>>) target(%dma_start3A_27 : memref<10112x128xf32, #tpu.memory_space<vmem_shared>>) offsets(%dma_start3A_24 : memref<128xi32, #tpu.memory_space<vmem>>) semaphore(%run_scoped3A : memref<!tpu.dma_semaphore, #tpu.memory_space<semaphore_mem>>) {add = true}
          %dma_wait3A = arith.constant 0 : i32
          %dma_wait3A_28 = tpu.memref_slice %arg6[%scan3A_22, %dma_wait3A] : memref<40x128xi32, #tpu.memory_space<vmem>> -> memref<1x128xi32, #tpu.memory_space<vmem>>
          %dma_wait3A_29 = tpu.memref_squeeze %dma_wait3A_28 : memref<1x128xi32, #tpu.memory_space<vmem>> -> memref<128xi32, #tpu.memory_space<vmem>>
          %dma_wait3A_30 = arith.constant 0 : i32
          %dma_wait3A_31 = arith.constant 0 : i32
          %dma_wait3A_32 = tpu.memref_slice %arg8[%dma_wait3A_30, %dma_wait3A_31] : memref<10112x128xf32, #tpu.memory_space<vmem_shared>> -> memref<10112x128xf32, #tpu.memory_space<vmem_shared>>
          tpu.wait_indirect_dma semaphore(%run_scoped3A : memref<!tpu.dma_semaphore, #tpu.memory_space<semaphore_mem>>) src(%arg7 : memref<128x128xf32, #tpu.memory_space<vmem>>) dst(%dma_wait3A_32 : memref<10112x128xf32, #tpu.memory_space<vmem_shared>>)
          tpu.yield
        }) : () -> ()
      }
      %scan3A_21 = arith.constant 40 : i32
    }
    %scan3A_7 = arith.constant 2 : i32
    %barrier3A_8 = arith.constant 0 : index
    tpu.barrier barrier_id(%barrier3A_8)
    %mul3A_9 = arith.constant 632 : i32
    %mul3A_10 = arith.muli %arg1, %mul3A_9 : i32
    %mul3A_11 = arith.constant 632 : i32
    %mul3A_12 = arith.muli %arg1, %mul3A_11 : i32
    "tpu.region"() ({
      %run_scoped3A = tpu.sem_alloc : memref<!tpu.dma_semaphore, #tpu.memory_space<semaphore_mem>>
      %dma_start3A = arith.constant 0 : i32
      %dma_start3A_13 = arith.constant 0 : i32
      %dma_start3A_14 = tpu.memref_slice %arg5[%arg0, %dma_start3A, %dma_start3A_13] : memref<2x10112x128xf32, #tpu.memory_space<hbm>> -> memref<1x10112x128xf32, #tpu.memory_space<hbm>>
      %dma_start3A_15 = tpu.memref_squeeze %dma_start3A_14 : memref<1x10112x128xf32, #tpu.memory_space<hbm>> -> memref<10112x128xf32, #tpu.memory_space<hbm>>
      %dma_start3A_16 = arith.constant 0 : i32
      %dma_start3A_17 = tpu.memref_slice %dma_start3A_15[%mul3A_12, %dma_start3A_16] : memref<10112x128xf32, #tpu.memory_space<hbm>> -> memref<632x128xf32, #tpu.memory_space<hbm>>
      %dma_start3A_18 = arith.constant 0 : i32
      %dma_start3A_19 = tpu.memref_slice %arg8[%mul3A_10, %dma_start3A_18] : memref<10112x128xf32, #tpu.memory_space<vmem_shared>> -> memref<632x128xf32, #tpu.memory_space<vmem_shared>>
      tpu.enqueue_dma source(%dma_start3A_19 : memref<632x128xf32, #tpu.memory_space<vmem_shared>>) target(%dma_start3A_17 : memref<632x128xf32, #tpu.memory_space<hbm>>) target_semaphore(%run_scoped3A : memref<!tpu.dma_semaphore, #tpu.memory_space<semaphore_mem>>)
      %dma_wait3A = arith.constant 0 : i32
      %dma_wait3A_20 = arith.constant 0 : i32
      %dma_wait3A_21 = tpu.memref_slice %arg5[%arg0, %dma_wait3A, %dma_wait3A_20] : memref<2x10112x128xf32, #tpu.memory_space<hbm>> -> memref<1x10112x128xf32, #tpu.memory_space<hbm>>
      %dma_wait3A_22 = tpu.memref_squeeze %dma_wait3A_21 : memref<1x10112x128xf32, #tpu.memory_space<hbm>> -> memref<10112x128xf32, #tpu.memory_space<hbm>>
      %dma_wait3A_23 = arith.constant 0 : i32
      %dma_wait3A_24 = tpu.memref_slice %dma_wait3A_22[%mul3A_12, %dma_wait3A_23] : memref<10112x128xf32, #tpu.memory_space<hbm>> -> memref<632x128xf32, #tpu.memory_space<hbm>>
      %dma_wait3A_25 = arith.constant 0 : i32
      %dma_wait3A_26 = tpu.memref_slice %arg8[%mul3A_10, %dma_wait3A_25] : memref<10112x128xf32, #tpu.memory_space<vmem_shared>> -> memref<632x128xf32, #tpu.memory_space<vmem_shared>>
      tpu.wait_dma2 semaphore(%run_scoped3A : memref<!tpu.dma_semaphore, #tpu.memory_space<semaphore_mem>>) src(%dma_wait3A_26 : memref<632x128xf32, #tpu.memory_space<vmem_shared>>) dst(%dma_wait3A_24 : memref<632x128xf32, #tpu.memory_space<hbm>>)
      tpu.yield
    }) : () -> ()
    return
  }
}

#map = affine_map<(d0, d1) -> (0, 0)>
#map1 = affine_map<(d0, d1) -> (0, 0, 0)>
module attributes {stable_mosaic.version = 14 : i64} {
  func.func @_segsum_kernel(%arg0: i32, %arg1: i32, %arg2: memref<10112x128xf32, #tpu.memory_space<hbm>>, %arg3: memref<32x80x128xi32, #tpu.memory_space<hbm>>, %arg4: memref<32x80x128xi32, #tpu.memory_space<hbm>>, %arg5: memref<632x128xf32, #tpu.memory_space<hbm>>, %arg6: memref<2x10112x128xf32, #tpu.memory_space<hbm>>, %arg7: memref<40x128xi32, #tpu.memory_space<vmem>>, %arg8: memref<40x128xi32, #tpu.memory_space<vmem>>, %arg9: memref<128x128xf32, #tpu.memory_space<vmem>>, %arg10: memref<128x128xf32, #tpu.memory_space<vmem>>, %arg11: memref<10112x128xf32, #tpu.memory_space<vmem_shared>>, %arg12: memref<!tpu.dma_semaphore, #tpu.memory_space<semaphore_mem>>, %arg13: memref<!tpu.dma_semaphore, #tpu.memory_space<semaphore_mem>>) attributes {dimension_semantics = [#tpu.dimension_semantics<core_parallel>, #tpu.dimension_semantics<subcore_parallel>], iteration_bounds = array<i64: 2, 16>, scalar_prefetch = 0 : i64, scratch_operands = 7 : i64, tpu.core_type = #tpu.core_type<sc_vector_subcore>, window_params = [{transform_indices = #map}, {transform_indices = #map1}, {transform_indices = #map1}, {transform_indices = #map}, {transform_indices = #map1}]} {
    %mul3A = arith.constant 16 : i32
    %mul3A_0 = arith.muli %arg0, %mul3A : i32
    %add3A = arith.addi %mul3A_0, %arg1 : i32
    %mul3A_1 = arith.constant 632 : i32
    %mul3A_2 = arith.muli %arg1, %mul3A_1 : i32
    "tpu.region"() ({
      %run_scoped3A = tpu.sem_alloc : memref<!tpu.dma_semaphore, #tpu.memory_space<semaphore_mem>>
      %dma_start3A = arith.constant 0 : i32
      %dma_start3A_13 = tpu.memref_slice %arg11[%mul3A_2, %dma_start3A] : memref<10112x128xf32, #tpu.memory_space<vmem_shared>> -> memref<632x128xf32, #tpu.memory_space<vmem_shared>>
      tpu.enqueue_dma source(%arg5 : memref<632x128xf32, #tpu.memory_space<hbm>>) target(%dma_start3A_13 : memref<632x128xf32, #tpu.memory_space<vmem_shared>>) target_semaphore(%run_scoped3A : memref<!tpu.dma_semaphore, #tpu.memory_space<semaphore_mem>>)
      %dma_wait3A = arith.constant 0 : i32
      %dma_wait3A_14 = tpu.memref_slice %arg11[%mul3A_2, %dma_wait3A] : memref<10112x128xf32, #tpu.memory_space<vmem_shared>> -> memref<632x128xf32, #tpu.memory_space<vmem_shared>>
      tpu.wait_dma2 semaphore(%run_scoped3A : memref<!tpu.dma_semaphore, #tpu.memory_space<semaphore_mem>>) src(%arg5 : memref<632x128xf32, #tpu.memory_space<hbm>>) dst(%dma_wait3A_14 : memref<632x128xf32, #tpu.memory_space<vmem_shared>>)
      tpu.yield
    }) : () -> ()
    %barrier3A = arith.constant 0 : index
    tpu.barrier barrier_id(%barrier3A)
    %scan3A = arith.constant 0 : i32
    %scan3A_3 = arith.constant 0 : i32
    %scan3A_4 = arith.constant 2 : i32
    %scan3A_5 = arith.addi %scan3A_3, %scan3A_4 : i32
    %scan3A_6 = arith.constant 1 : i32
    scf.for %scan3A_13 = %scan3A_3 to %scan3A_5 step %scan3A_6  : i32 {
      %mul3A_14 = arith.constant 40 : i32
      %mul3A_15 = arith.muli %scan3A_13, %mul3A_14 : i32
      "tpu.region"() ({
        %run_scoped3A = tpu.sem_alloc : memref<!tpu.dma_semaphore, #tpu.memory_space<semaphore_mem>>
        %dma_start3A_63 = arith.constant 0 : i32
        %dma_start3A_64 = arith.constant 0 : i32
        %dma_start3A_65 = tpu.memref_slice %arg3[%add3A, %dma_start3A_63, %dma_start3A_64] : memref<32x80x128xi32, #tpu.memory_space<hbm>> -> memref<1x80x128xi32, #tpu.memory_space<hbm>>
        %dma_start3A_66 = tpu.memref_squeeze %dma_start3A_65 : memref<1x80x128xi32, #tpu.memory_space<hbm>> -> memref<80x128xi32, #tpu.memory_space<hbm>>
        %dma_start3A_67 = arith.constant 0 : i32
        %dma_start3A_68 = tpu.memref_slice %dma_start3A_66[%mul3A_15, %dma_start3A_67] : memref<80x128xi32, #tpu.memory_space<hbm>> -> memref<40x128xi32, #tpu.memory_space<hbm>>
        %dma_start3A_69 = arith.constant 0 : i32
        %dma_start3A_70 = arith.constant 0 : i32
        %dma_start3A_71 = tpu.memref_slice %arg3[%add3A, %dma_start3A_69, %dma_start3A_70] : memref<32x80x128xi32, #tpu.memory_space<hbm>> -> memref<1x80x128xi32, #tpu.memory_space<hbm>>
        %dma_start3A_72 = tpu.memref_squeeze %dma_start3A_71 : memref<1x80x128xi32, #tpu.memory_space<hbm>> -> memref<80x128xi32, #tpu.memory_space<hbm>>
        %dma_start3A_73 = arith.constant 0 : i32
        %dma_start3A_74 = tpu.memref_slice %dma_start3A_72[%mul3A_15, %dma_start3A_73] : memref<80x128xi32, #tpu.memory_space<hbm>> -> memref<40x128xi32, #tpu.memory_space<hbm>>
        tpu.enqueue_dma source(%dma_start3A_74 : memref<40x128xi32, #tpu.memory_space<hbm>>) target(%arg7 : memref<40x128xi32, #tpu.memory_space<vmem>>) target_semaphore(%run_scoped3A : memref<!tpu.dma_semaphore, #tpu.memory_space<semaphore_mem>>)
        %dma_wait3A = arith.constant 0 : i32
        %dma_wait3A_75 = arith.constant 0 : i32
        %dma_wait3A_76 = tpu.memref_slice %arg3[%add3A, %dma_wait3A, %dma_wait3A_75] : memref<32x80x128xi32, #tpu.memory_space<hbm>> -> memref<1x80x128xi32, #tpu.memory_space<hbm>>
        %dma_wait3A_77 = tpu.memref_squeeze %dma_wait3A_76 : memref<1x80x128xi32, #tpu.memory_space<hbm>> -> memref<80x128xi32, #tpu.memory_space<hbm>>
        %dma_wait3A_78 = arith.constant 0 : i32
        %dma_wait3A_79 = tpu.memref_slice %dma_wait3A_77[%mul3A_15, %dma_wait3A_78] : memref<80x128xi32, #tpu.memory_space<hbm>> -> memref<40x128xi32, #tpu.memory_space<hbm>>
        %dma_wait3A_80 = arith.constant 0 : i32
        %dma_wait3A_81 = arith.constant 0 : i32
        %dma_wait3A_82 = tpu.memref_slice %arg3[%add3A, %dma_wait3A_80, %dma_wait3A_81] : memref<32x80x128xi32, #tpu.memory_space<hbm>> -> memref<1x80x128xi32, #tpu.memory_space<hbm>>
        %dma_wait3A_83 = tpu.memref_squeeze %dma_wait3A_82 : memref<1x80x128xi32, #tpu.memory_space<hbm>> -> memref<80x128xi32, #tpu.memory_space<hbm>>
        %dma_wait3A_84 = arith.constant 0 : i32
        %dma_wait3A_85 = tpu.memref_slice %dma_wait3A_83[%mul3A_15, %dma_wait3A_84] : memref<80x128xi32, #tpu.memory_space<hbm>> -> memref<40x128xi32, #tpu.memory_space<hbm>>
        tpu.wait_dma2 semaphore(%run_scoped3A : memref<!tpu.dma_semaphore, #tpu.memory_space<semaphore_mem>>) src(%dma_wait3A_85 : memref<40x128xi32, #tpu.memory_space<hbm>>) dst(%arg7 : memref<40x128xi32, #tpu.memory_space<vmem>>)
        tpu.yield
      }) : () -> ()
      %mul3A_16 = arith.constant 40 : i32
      %mul3A_17 = arith.muli %scan3A_13, %mul3A_16 : i32
      "tpu.region"() ({
        %run_scoped3A = tpu.sem_alloc : memref<!tpu.dma_semaphore, #tpu.memory_space<semaphore_mem>>
        %dma_start3A_63 = arith.constant 0 : i32
        %dma_start3A_64 = arith.constant 0 : i32
        %dma_start3A_65 = tpu.memref_slice %arg4[%add3A, %dma_start3A_63, %dma_start3A_64] : memref<32x80x128xi32, #tpu.memory_space<hbm>> -> memref<1x80x128xi32, #tpu.memory_space<hbm>>
        %dma_start3A_66 = tpu.memref_squeeze %dma_start3A_65 : memref<1x80x128xi32, #tpu.memory_space<hbm>> -> memref<80x128xi32, #tpu.memory_space<hbm>>
        %dma_start3A_67 = arith.constant 0 : i32
        %dma_start3A_68 = tpu.memref_slice %dma_start3A_66[%mul3A_17, %dma_start3A_67] : memref<80x128xi32, #tpu.memory_space<hbm>> -> memref<40x128xi32, #tpu.memory_space<hbm>>
        %dma_start3A_69 = arith.constant 0 : i32
        %dma_start3A_70 = arith.constant 0 : i32
        %dma_start3A_71 = tpu.memref_slice %arg4[%add3A, %dma_start3A_69, %dma_start3A_70] : memref<32x80x128xi32, #tpu.memory_space<hbm>> -> memref<1x80x128xi32, #tpu.memory_space<hbm>>
        %dma_start3A_72 = tpu.memref_squeeze %dma_start3A_71 : memref<1x80x128xi32, #tpu.memory_space<hbm>> -> memref<80x128xi32, #tpu.memory_space<hbm>>
        %dma_start3A_73 = arith.constant 0 : i32
        %dma_start3A_74 = tpu.memref_slice %dma_start3A_72[%mul3A_17, %dma_start3A_73] : memref<80x128xi32, #tpu.memory_space<hbm>> -> memref<40x128xi32, #tpu.memory_space<hbm>>
        tpu.enqueue_dma source(%dma_start3A_74 : memref<40x128xi32, #tpu.memory_space<hbm>>) target(%arg8 : memref<40x128xi32, #tpu.memory_space<vmem>>) target_semaphore(%run_scoped3A : memref<!tpu.dma_semaphore, #tpu.memory_space<semaphore_mem>>)
        %dma_wait3A = arith.constant 0 : i32
        %dma_wait3A_75 = arith.constant 0 : i32
        %dma_wait3A_76 = tpu.memref_slice %arg4[%add3A, %dma_wait3A, %dma_wait3A_75] : memref<32x80x128xi32, #tpu.memory_space<hbm>> -> memref<1x80x128xi32, #tpu.memory_space<hbm>>
        %dma_wait3A_77 = tpu.memref_squeeze %dma_wait3A_76 : memref<1x80x128xi32, #tpu.memory_space<hbm>> -> memref<80x128xi32, #tpu.memory_space<hbm>>
        %dma_wait3A_78 = arith.constant 0 : i32
        %dma_wait3A_79 = tpu.memref_slice %dma_wait3A_77[%mul3A_17, %dma_wait3A_78] : memref<80x128xi32, #tpu.memory_space<hbm>> -> memref<40x128xi32, #tpu.memory_space<hbm>>
        %dma_wait3A_80 = arith.constant 0 : i32
        %dma_wait3A_81 = arith.constant 0 : i32
        %dma_wait3A_82 = tpu.memref_slice %arg4[%add3A, %dma_wait3A_80, %dma_wait3A_81] : memref<32x80x128xi32, #tpu.memory_space<hbm>> -> memref<1x80x128xi32, #tpu.memory_space<hbm>>
        %dma_wait3A_83 = tpu.memref_squeeze %dma_wait3A_82 : memref<1x80x128xi32, #tpu.memory_space<hbm>> -> memref<80x128xi32, #tpu.memory_space<hbm>>
        %dma_wait3A_84 = arith.constant 0 : i32
        %dma_wait3A_85 = tpu.memref_slice %dma_wait3A_83[%mul3A_17, %dma_wait3A_84] : memref<80x128xi32, #tpu.memory_space<hbm>> -> memref<40x128xi32, #tpu.memory_space<hbm>>
        tpu.wait_dma2 semaphore(%run_scoped3A : memref<!tpu.dma_semaphore, #tpu.memory_space<semaphore_mem>>) src(%dma_wait3A_85 : memref<40x128xi32, #tpu.memory_space<hbm>>) dst(%arg8 : memref<40x128xi32, #tpu.memory_space<vmem>>)
        tpu.yield
      }) : () -> ()
      %dma_start3A = arith.constant 0 : i32
      %dma_start3A_18 = arith.constant 0 : i32
      %dma_start3A_19 = arith.constant 0 : i32
      %dma_start3A_20 = tpu.memref_slice %arg9[%dma_start3A_18, %dma_start3A_19] : memref<128x128xf32, #tpu.memory_space<vmem>> -> memref<32x128xf32, #tpu.memory_space<vmem>>
      %dma_start3A_21 = arith.constant 0 : i32
      %dma_start3A_22 = tpu.memref_slice %arg7[%dma_start3A, %dma_start3A_21] : memref<40x128xi32, #tpu.memory_space<vmem>> -> memref<1x32xi32, #tpu.memory_space<vmem>>
      %dma_start3A_23 = tpu.memref_squeeze %dma_start3A_22 : memref<1x32xi32, #tpu.memory_space<vmem>> -> memref<32xi32, #tpu.memory_space<vmem>>
      %dma_start3A_24 = arith.constant 0 : i32
      %dma_start3A_25 = arith.constant 0 : i32
      %dma_start3A_26 = tpu.memref_slice %arg2[%dma_start3A_24, %dma_start3A_25] : memref<10112x128xf32, #tpu.memory_space<hbm>> -> memref<10112x128xf32, #tpu.memory_space<hbm>>
      tpu.enqueue_indirect_dma source(%dma_start3A_26 : memref<10112x128xf32, #tpu.memory_space<hbm>>) target(%dma_start3A_20 : memref<32x128xf32, #tpu.memory_space<vmem>>) offsets(%dma_start3A_23 : memref<32xi32, #tpu.memory_space<vmem>>) semaphore(%arg12 : memref<!tpu.dma_semaphore, #tpu.memory_space<semaphore_mem>>)
      %dma_start3A_27 = arith.constant 0 : i32
      %dma_start3A_28 = arith.constant 32 : i32
      %dma_start3A_29 = arith.constant 0 : i32
      %dma_start3A_30 = tpu.memref_slice %arg9[%dma_start3A_28, %dma_start3A_29] : memref<128x128xf32, #tpu.memory_space<vmem>> -> memref<32x128xf32, #tpu.memory_space<vmem>>
      %dma_start3A_31 = arith.constant 32 : i32
      %dma_start3A_32 = tpu.memref_slice %arg7[%dma_start3A_27, %dma_start3A_31] : memref<40x128xi32, #tpu.memory_space<vmem>> -> memref<1x32xi32, #tpu.memory_space<vmem>>
      %dma_start3A_33 = tpu.memref_squeeze %dma_start3A_32 : memref<1x32xi32, #tpu.memory_space<vmem>> -> memref<32xi32, #tpu.memory_space<vmem>>
      %dma_start3A_34 = arith.constant 0 : i32
      %dma_start3A_35 = arith.constant 0 : i32
      %dma_start3A_36 = tpu.memref_slice %arg2[%dma_start3A_34, %dma_start3A_35] : memref<10112x128xf32, #tpu.memory_space<hbm>> -> memref<10112x128xf32, #tpu.memory_space<hbm>>
      tpu.enqueue_indirect_dma source(%dma_start3A_36 : memref<10112x128xf32, #tpu.memory_space<hbm>>) target(%dma_start3A_30 : memref<32x128xf32, #tpu.memory_space<vmem>>) offsets(%dma_start3A_33 : memref<32xi32, #tpu.memory_space<vmem>>) semaphore(%arg12 : memref<!tpu.dma_semaphore, #tpu.memory_space<semaphore_mem>>)
      %dma_start3A_37 = arith.constant 0 : i32
      %dma_start3A_38 = arith.constant 64 : i32
      %dma_start3A_39 = arith.constant 0 : i32
      %dma_start3A_40 = tpu.memref_slice %arg9[%dma_start3A_38, %dma_start3A_39] : memref<128x128xf32, #tpu.memory_space<vmem>> -> memref<32x128xf32, #tpu.memory_space<vmem>>
      %dma_start3A_41 = arith.constant 64 : i32
      %dma_start3A_42 = tpu.memref_slice %arg7[%dma_start3A_37, %dma_start3A_41] : memref<40x128xi32, #tpu.memory_space<vmem>> -> memref<1x32xi32, #tpu.memory_space<vmem>>
      %dma_start3A_43 = tpu.memref_squeeze %dma_start3A_42 : memref<1x32xi32, #tpu.memory_space<vmem>> -> memref<32xi32, #tpu.memory_space<vmem>>
      %dma_start3A_44 = arith.constant 0 : i32
      %dma_start3A_45 = arith.constant 0 : i32
      %dma_start3A_46 = tpu.memref_slice %arg2[%dma_start3A_44, %dma_start3A_45] : memref<10112x128xf32, #tpu.memory_space<hbm>> -> memref<10112x128xf32, #tpu.memory_space<hbm>>
      tpu.enqueue_indirect_dma source(%dma_start3A_46 : memref<10112x128xf32, #tpu.memory_space<hbm>>) target(%dma_start3A_40 : memref<32x128xf32, #tpu.memory_space<vmem>>) offsets(%dma_start3A_43 : memref<32xi32, #tpu.memory_space<vmem>>) semaphore(%arg12 : memref<!tpu.dma_semaphore, #tpu.memory_space<semaphore_mem>>)
      %dma_start3A_47 = arith.constant 0 : i32
      %dma_start3A_48 = arith.constant 96 : i32
      %dma_start3A_49 = arith.constant 0 : i32
      %dma_start3A_50 = tpu.memref_slice %arg9[%dma_start3A_48, %dma_start3A_49] : memref<128x128xf32, #tpu.memory_space<vmem>> -> memref<32x128xf32, #tpu.memory_space<vmem>>
      %dma_start3A_51 = arith.constant 96 : i32
      %dma_start3A_52 = tpu.memref_slice %arg7[%dma_start3A_47, %dma_start3A_51] : memref<40x128xi32, #tpu.memory_space<vmem>> -> memref<1x32xi32, #tpu.memory_space<vmem>>
      %dma_start3A_53 = tpu.memref_squeeze %dma_start3A_52 : memref<1x32xi32, #tpu.memory_space<vmem>> -> memref<32xi32, #tpu.memory_space<vmem>>
      %dma_start3A_54 = arith.constant 0 : i32
      %dma_start3A_55 = arith.constant 0 : i32
      %dma_start3A_56 = tpu.memref_slice %arg2[%dma_start3A_54, %dma_start3A_55] : memref<10112x128xf32, #tpu.memory_space<hbm>> -> memref<10112x128xf32, #tpu.memory_space<hbm>>
      tpu.enqueue_indirect_dma source(%dma_start3A_56 : memref<10112x128xf32, #tpu.memory_space<hbm>>) target(%dma_start3A_50 : memref<32x128xf32, #tpu.memory_space<vmem>>) offsets(%dma_start3A_53 : memref<32xi32, #tpu.memory_space<vmem>>) semaphore(%arg12 : memref<!tpu.dma_semaphore, #tpu.memory_space<semaphore_mem>>)
      %scan3A_57 = arith.constant 0 : i32
      %scan3A_58 = arith.constant 0 : i32
      %scan3A_59 = arith.constant 20 : i32
      %scan3A_60 = arith.addi %scan3A_58, %scan3A_59 : i32
      %scan3A_61 = arith.constant 1 : i32
      scf.for %scan3A_63 = %scan3A_58 to %scan3A_60 step %scan3A_61  : i32 {
        %mul3A_64 = arith.constant 2 : i32
        %mul3A_65 = arith.muli %mul3A_64, %scan3A_63 : i32
        %add3A_66 = arith.constant 1 : i32
        %add3A_67 = arith.addi %mul3A_65, %add3A_66 : i32
        %dma_start3A_68 = arith.constant 0 : i32
        %dma_start3A_69 = arith.constant 0 : i32
        %dma_start3A_70 = tpu.memref_slice %arg10[%dma_start3A_68, %dma_start3A_69] : memref<128x128xf32, #tpu.memory_space<vmem>> -> memref<32x128xf32, #tpu.memory_space<vmem>>
        %dma_start3A_71 = arith.constant 0 : i32
        %dma_start3A_72 = tpu.memref_slice %arg7[%add3A_67, %dma_start3A_71] : memref<40x128xi32, #tpu.memory_space<vmem>> -> memref<1x32xi32, #tpu.memory_space<vmem>>
        %dma_start3A_73 = tpu.memref_squeeze %dma_start3A_72 : memref<1x32xi32, #tpu.memory_space<vmem>> -> memref<32xi32, #tpu.memory_space<vmem>>
        %dma_start3A_74 = arith.constant 0 : i32
        %dma_start3A_75 = arith.constant 0 : i32
        %dma_start3A_76 = tpu.memref_slice %arg2[%dma_start3A_74, %dma_start3A_75] : memref<10112x128xf32, #tpu.memory_space<hbm>> -> memref<10112x128xf32, #tpu.memory_space<hbm>>
        tpu.enqueue_indirect_dma source(%dma_start3A_76 : memref<10112x128xf32, #tpu.memory_space<hbm>>) target(%dma_start3A_70 : memref<32x128xf32, #tpu.memory_space<vmem>>) offsets(%dma_start3A_73 : memref<32xi32, #tpu.memory_space<vmem>>) semaphore(%arg13 : memref<!tpu.dma_semaphore, #tpu.memory_space<semaphore_mem>>)
        %dma_start3A_77 = arith.constant 32 : i32
        %dma_start3A_78 = arith.constant 0 : i32
        %dma_start3A_79 = tpu.memref_slice %arg10[%dma_start3A_77, %dma_start3A_78] : memref<128x128xf32, #tpu.memory_space<vmem>> -> memref<32x128xf32, #tpu.memory_space<vmem>>
        %dma_start3A_80 = arith.constant 32 : i32
        %dma_start3A_81 = tpu.memref_slice %arg7[%add3A_67, %dma_start3A_80] : memref<40x128xi32, #tpu.memory_space<vmem>> -> memref<1x32xi32, #tpu.memory_space<vmem>>
        %dma_start3A_82 = tpu.memref_squeeze %dma_start3A_81 : memref<1x32xi32, #tpu.memory_space<vmem>> -> memref<32xi32, #tpu.memory_space<vmem>>
        %dma_start3A_83 = arith.constant 0 : i32
        %dma_start3A_84 = arith.constant 0 : i32
        %dma_start3A_85 = tpu.memref_slice %arg2[%dma_start3A_83, %dma_start3A_84] : memref<10112x128xf32, #tpu.memory_space<hbm>> -> memref<10112x128xf32, #tpu.memory_space<hbm>>
        tpu.enqueue_indirect_dma source(%dma_start3A_85 : memref<10112x128xf32, #tpu.memory_space<hbm>>) target(%dma_start3A_79 : memref<32x128xf32, #tpu.memory_space<vmem>>) offsets(%dma_start3A_82 : memref<32xi32, #tpu.memory_space<vmem>>) semaphore(%arg13 : memref<!tpu.dma_semaphore, #tpu.memory_space<semaphore_mem>>)
        %dma_start3A_86 = arith.constant 64 : i32
        %dma_start3A_87 = arith.constant 0 : i32
        %dma_start3A_88 = tpu.memref_slice %arg10[%dma_start3A_86, %dma_start3A_87] : memref<128x128xf32, #tpu.memory_space<vmem>> -> memref<32x128xf32, #tpu.memory_space<vmem>>
        %dma_start3A_89 = arith.constant 64 : i32
        %dma_start3A_90 = tpu.memref_slice %arg7[%add3A_67, %dma_start3A_89] : memref<40x128xi32, #tpu.memory_space<vmem>> -> memref<1x32xi32, #tpu.memory_space<vmem>>
        %dma_start3A_91 = tpu.memref_squeeze %dma_start3A_90 : memref<1x32xi32, #tpu.memory_space<vmem>> -> memref<32xi32, #tpu.memory_space<vmem>>
        %dma_start3A_92 = arith.constant 0 : i32
        %dma_start3A_93 = arith.constant 0 : i32
        %dma_start3A_94 = tpu.memref_slice %arg2[%dma_start3A_92, %dma_start3A_93] : memref<10112x128xf32, #tpu.memory_space<hbm>> -> memref<10112x128xf32, #tpu.memory_space<hbm>>
        tpu.enqueue_indirect_dma source(%dma_start3A_94 : memref<10112x128xf32, #tpu.memory_space<hbm>>) target(%dma_start3A_88 : memref<32x128xf32, #tpu.memory_space<vmem>>) offsets(%dma_start3A_91 : memref<32xi32, #tpu.memory_space<vmem>>) semaphore(%arg13 : memref<!tpu.dma_semaphore, #tpu.memory_space<semaphore_mem>>)
        %dma_start3A_95 = arith.constant 96 : i32
        %dma_start3A_96 = arith.constant 0 : i32
        %dma_start3A_97 = tpu.memref_slice %arg10[%dma_start3A_95, %dma_start3A_96] : memref<128x128xf32, #tpu.memory_space<vmem>> -> memref<32x128xf32, #tpu.memory_space<vmem>>
        %dma_start3A_98 = arith.constant 96 : i32
        %dma_start3A_99 = tpu.memref_slice %arg7[%add3A_67, %dma_start3A_98] : memref<40x128xi32, #tpu.memory_space<vmem>> -> memref<1x32xi32, #tpu.memory_space<vmem>>
        %dma_start3A_100 = tpu.memref_squeeze %dma_start3A_99 : memref<1x32xi32, #tpu.memory_space<vmem>> -> memref<32xi32, #tpu.memory_space<vmem>>
        %dma_start3A_101 = arith.constant 0 : i32
        %dma_start3A_102 = arith.constant 0 : i32
        %dma_start3A_103 = tpu.memref_slice %arg2[%dma_start3A_101, %dma_start3A_102] : memref<10112x128xf32, #tpu.memory_space<hbm>> -> memref<10112x128xf32, #tpu.memory_space<hbm>>
        tpu.enqueue_indirect_dma source(%dma_start3A_103 : memref<10112x128xf32, #tpu.memory_space<hbm>>) target(%dma_start3A_97 : memref<32x128xf32, #tpu.memory_space<vmem>>) offsets(%dma_start3A_100 : memref<32xi32, #tpu.memory_space<vmem>>) semaphore(%arg13 : memref<!tpu.dma_semaphore, #tpu.memory_space<semaphore_mem>>)
        %dma_wait3A = arith.constant 0 : i32
        %dma_wait3A_104 = arith.constant 0 : i32
        %dma_wait3A_105 = tpu.memref_slice %arg9[%dma_wait3A, %dma_wait3A_104] : memref<128x128xf32, #tpu.memory_space<vmem>> -> memref<32x128xf32, #tpu.memory_space<vmem>>
        %dma_wait3A_106 = arith.constant 0 : i32
        %dma_wait3A_107 = tpu.memref_slice %arg7[%mul3A_65, %dma_wait3A_106] : memref<40x128xi32, #tpu.memory_space<vmem>> -> memref<1x32xi32, #tpu.memory_space<vmem>>
        %dma_wait3A_108 = tpu.memref_squeeze %dma_wait3A_107 : memref<1x32xi32, #tpu.memory_space<vmem>> -> memref<32xi32, #tpu.memory_space<vmem>>
        %dma_wait3A_109 = arith.constant 0 : i32
        %dma_wait3A_110 = arith.constant 0 : i32
        %dma_wait3A_111 = tpu.memref_slice %arg2[%dma_wait3A_109, %dma_wait3A_110] : memref<10112x128xf32, #tpu.memory_space<hbm>> -> memref<10112x128xf32, #tpu.memory_space<hbm>>
        tpu.wait_indirect_dma semaphore(%arg12 : memref<!tpu.dma_semaphore, #tpu.memory_space<semaphore_mem>>) src(%dma_wait3A_111 : memref<10112x128xf32, #tpu.memory_space<hbm>>) dst(%dma_wait3A_105 : memref<32x128xf32, #tpu.memory_space<vmem>>)
        %dma_wait3A_112 = arith.constant 32 : i32
        %dma_wait3A_113 = arith.constant 0 : i32
        %dma_wait3A_114 = tpu.memref_slice %arg9[%dma_wait3A_112, %dma_wait3A_113] : memref<128x128xf32, #tpu.memory_space<vmem>> -> memref<32x128xf32, #tpu.memory_space<vmem>>
        %dma_wait3A_115 = arith.constant 32 : i32
        %dma_wait3A_116 = tpu.memref_slice %arg7[%mul3A_65, %dma_wait3A_115] : memref<40x128xi32, #tpu.memory_space<vmem>> -> memref<1x32xi32, #tpu.memory_space<vmem>>
        %dma_wait3A_117 = tpu.memref_squeeze %dma_wait3A_116 : memref<1x32xi32, #tpu.memory_space<vmem>> -> memref<32xi32, #tpu.memory_space<vmem>>
        %dma_wait3A_118 = arith.constant 0 : i32
        %dma_wait3A_119 = arith.constant 0 : i32
        %dma_wait3A_120 = tpu.memref_slice %arg2[%dma_wait3A_118, %dma_wait3A_119] : memref<10112x128xf32, #tpu.memory_space<hbm>> -> memref<10112x128xf32, #tpu.memory_space<hbm>>
        tpu.wait_indirect_dma semaphore(%arg12 : memref<!tpu.dma_semaphore, #tpu.memory_space<semaphore_mem>>) src(%dma_wait3A_120 : memref<10112x128xf32, #tpu.memory_space<hbm>>) dst(%dma_wait3A_114 : memref<32x128xf32, #tpu.memory_space<vmem>>)
        %dma_wait3A_121 = arith.constant 64 : i32
        %dma_wait3A_122 = arith.constant 0 : i32
        %dma_wait3A_123 = tpu.memref_slice %arg9[%dma_wait3A_121, %dma_wait3A_122] : memref<128x128xf32, #tpu.memory_space<vmem>> -> memref<32x128xf32, #tpu.memory_space<vmem>>
        %dma_wait3A_124 = arith.constant 64 : i32
        %dma_wait3A_125 = tpu.memref_slice %arg7[%mul3A_65, %dma_wait3A_124] : memref<40x128xi32, #tpu.memory_space<vmem>> -> memref<1x32xi32, #tpu.memory_space<vmem>>
        %dma_wait3A_126 = tpu.memref_squeeze %dma_wait3A_125 : memref<1x32xi32, #tpu.memory_space<vmem>> -> memref<32xi32, #tpu.memory_space<vmem>>
        %dma_wait3A_127 = arith.constant 0 : i32
        %dma_wait3A_128 = arith.constant 0 : i32
        %dma_wait3A_129 = tpu.memref_slice %arg2[%dma_wait3A_127, %dma_wait3A_128] : memref<10112x128xf32, #tpu.memory_space<hbm>> -> memref<10112x128xf32, #tpu.memory_space<hbm>>
        tpu.wait_indirect_dma semaphore(%arg12 : memref<!tpu.dma_semaphore, #tpu.memory_space<semaphore_mem>>) src(%dma_wait3A_129 : memref<10112x128xf32, #tpu.memory_space<hbm>>) dst(%dma_wait3A_123 : memref<32x128xf32, #tpu.memory_space<vmem>>)
        %dma_wait3A_130 = arith.constant 96 : i32
        %dma_wait3A_131 = arith.constant 0 : i32
        %dma_wait3A_132 = tpu.memref_slice %arg9[%dma_wait3A_130, %dma_wait3A_131] : memref<128x128xf32, #tpu.memory_space<vmem>> -> memref<32x128xf32, #tpu.memory_space<vmem>>
        %dma_wait3A_133 = arith.constant 96 : i32
        %dma_wait3A_134 = tpu.memref_slice %arg7[%mul3A_65, %dma_wait3A_133] : memref<40x128xi32, #tpu.memory_space<vmem>> -> memref<1x32xi32, #tpu.memory_space<vmem>>
        %dma_wait3A_135 = tpu.memref_squeeze %dma_wait3A_134 : memref<1x32xi32, #tpu.memory_space<vmem>> -> memref<32xi32, #tpu.memory_space<vmem>>
        %dma_wait3A_136 = arith.constant 0 : i32
        %dma_wait3A_137 = arith.constant 0 : i32
        %dma_wait3A_138 = tpu.memref_slice %arg2[%dma_wait3A_136, %dma_wait3A_137] : memref<10112x128xf32, #tpu.memory_space<hbm>> -> memref<10112x128xf32, #tpu.memory_space<hbm>>
        tpu.wait_indirect_dma semaphore(%arg12 : memref<!tpu.dma_semaphore, #tpu.memory_space<semaphore_mem>>) src(%dma_wait3A_138 : memref<10112x128xf32, #tpu.memory_space<hbm>>) dst(%dma_wait3A_132 : memref<32x128xf32, #tpu.memory_space<vmem>>)
        "tpu.region"() ({
          %run_scoped3A = tpu.sem_alloc : memref<!tpu.dma_semaphore, #tpu.memory_space<semaphore_mem>>
          %dma_start3A_183 = arith.constant 0 : i32
          %dma_start3A_184 = tpu.memref_slice %arg8[%mul3A_65, %dma_start3A_183] : memref<40x128xi32, #tpu.memory_space<vmem>> -> memref<1x128xi32, #tpu.memory_space<vmem>>
          %dma_start3A_185 = tpu.memref_squeeze %dma_start3A_184 : memref<1x128xi32, #tpu.memory_space<vmem>> -> memref<128xi32, #tpu.memory_space<vmem>>
          %dma_start3A_186 = arith.constant 0 : i32
          %dma_start3A_187 = arith.constant 0 : i32
          %dma_start3A_188 = tpu.memref_slice %arg11[%dma_start3A_186, %dma_start3A_187] : memref<10112x128xf32, #tpu.memory_space<vmem_shared>> -> memref<10112x128xf32, #tpu.memory_space<vmem_shared>>
          tpu.enqueue_indirect_dma source(%arg9 : memref<128x128xf32, #tpu.memory_space<vmem>>) target(%dma_start3A_188 : memref<10112x128xf32, #tpu.memory_space<vmem_shared>>) offsets(%dma_start3A_185 : memref<128xi32, #tpu.memory_space<vmem>>) semaphore(%run_scoped3A : memref<!tpu.dma_semaphore, #tpu.memory_space<semaphore_mem>>) {add = true}
          %dma_wait3A_189 = arith.constant 0 : i32
          %dma_wait3A_190 = tpu.memref_slice %arg8[%mul3A_65, %dma_wait3A_189] : memref<40x128xi32, #tpu.memory_space<vmem>> -> memref<1x128xi32, #tpu.memory_space<vmem>>
          %dma_wait3A_191 = tpu.memref_squeeze %dma_wait3A_190 : memref<1x128xi32, #tpu.memory_space<vmem>> -> memref<128xi32, #tpu.memory_space<vmem>>
          %dma_wait3A_192 = arith.constant 0 : i32
          %dma_wait3A_193 = arith.constant 0 : i32
          %dma_wait3A_194 = tpu.memref_slice %arg11[%dma_wait3A_192, %dma_wait3A_193] : memref<10112x128xf32, #tpu.memory_space<vmem_shared>> -> memref<10112x128xf32, #tpu.memory_space<vmem_shared>>
          tpu.wait_indirect_dma semaphore(%run_scoped3A : memref<!tpu.dma_semaphore, #tpu.memory_space<semaphore_mem>>) src(%arg9 : memref<128x128xf32, #tpu.memory_space<vmem>>) dst(%dma_wait3A_194 : memref<10112x128xf32, #tpu.memory_space<vmem_shared>>)
          tpu.yield
        }) : () -> ()
        %add3A_139 = arith.constant 2 : i32
        %add3A_140 = arith.addi %mul3A_65, %add3A_139 : i32
        %lt3A = arith.constant 40 : i32
        %lt3A_141 = arith.cmpi slt, %add3A_140, %lt3A : i32
        %convert_element_type3A = arith.extui %lt3A_141 : i1 to i32
        %cond3A = arith.constant 0 : i32
        %cond3A_142 = arith.cmpi ne, %convert_element_type3A, %cond3A : i32
        scf.if %cond3A_142 {
          %add3A_183 = arith.constant 2 : i32
          %add3A_184 = arith.addi %mul3A_65, %add3A_183 : i32
          %dma_start3A_185 = arith.constant 0 : i32
          %dma_start3A_186 = arith.constant 0 : i32
          %dma_start3A_187 = tpu.memref_slice %arg9[%dma_start3A_185, %dma_start3A_186] : memref<128x128xf32, #tpu.memory_space<vmem>> -> memref<32x128xf32, #tpu.memory_space<vmem>>
          %dma_start3A_188 = arith.constant 0 : i32
          %dma_start3A_189 = tpu.memref_slice %arg7[%add3A_184, %dma_start3A_188] : memref<40x128xi32, #tpu.memory_space<vmem>> -> memref<1x32xi32, #tpu.memory_space<vmem>>
          %dma_start3A_190 = tpu.memref_squeeze %dma_start3A_189 : memref<1x32xi32, #tpu.memory_space<vmem>> -> memref<32xi32, #tpu.memory_space<vmem>>
          %dma_start3A_191 = arith.constant 0 : i32
          %dma_start3A_192 = arith.constant 0 : i32
          %dma_start3A_193 = tpu.memref_slice %arg2[%dma_start3A_191, %dma_start3A_192] : memref<10112x128xf32, #tpu.memory_space<hbm>> -> memref<10112x128xf32, #tpu.memory_space<hbm>>
          tpu.enqueue_indirect_dma source(%dma_start3A_193 : memref<10112x128xf32, #tpu.memory_space<hbm>>) target(%dma_start3A_187 : memref<32x128xf32, #tpu.memory_space<vmem>>) offsets(%dma_start3A_190 : memref<32xi32, #tpu.memory_space<vmem>>) semaphore(%arg12 : memref<!tpu.dma_semaphore, #tpu.memory_space<semaphore_mem>>)
          %dma_start3A_194 = arith.constant 32 : i32
          %dma_start3A_195 = arith.constant 0 : i32
          %dma_start3A_196 = tpu.memref_slice %arg9[%dma_start3A_194, %dma_start3A_195] : memref<128x128xf32, #tpu.memory_space<vmem>> -> memref<32x128xf32, #tpu.memory_space<vmem>>
          %dma_start3A_197 = arith.constant 32 : i32
          %dma_start3A_198 = tpu.memref_slice %arg7[%add3A_184, %dma_start3A_197] : memref<40x128xi32, #tpu.memory_space<vmem>> -> memref<1x32xi32, #tpu.memory_space<vmem>>
          %dma_start3A_199 = tpu.memref_squeeze %dma_start3A_198 : memref<1x32xi32, #tpu.memory_space<vmem>> -> memref<32xi32, #tpu.memory_space<vmem>>
          %dma_start3A_200 = arith.constant 0 : i32
          %dma_start3A_201 = arith.constant 0 : i32
          %dma_start3A_202 = tpu.memref_slice %arg2[%dma_start3A_200, %dma_start3A_201] : memref<10112x128xf32, #tpu.memory_space<hbm>> -> memref<10112x128xf32, #tpu.memory_space<hbm>>
          tpu.enqueue_indirect_dma source(%dma_start3A_202 : memref<10112x128xf32, #tpu.memory_space<hbm>>) target(%dma_start3A_196 : memref<32x128xf32, #tpu.memory_space<vmem>>) offsets(%dma_start3A_199 : memref<32xi32, #tpu.memory_space<vmem>>) semaphore(%arg12 : memref<!tpu.dma_semaphore, #tpu.memory_space<semaphore_mem>>)
          %dma_start3A_203 = arith.constant 64 : i32
          %dma_start3A_204 = arith.constant 0 : i32
          %dma_start3A_205 = tpu.memref_slice %arg9[%dma_start3A_203, %dma_start3A_204] : memref<128x128xf32, #tpu.memory_space<vmem>> -> memref<32x128xf32, #tpu.memory_space<vmem>>
          %dma_start3A_206 = arith.constant 64 : i32
          %dma_start3A_207 = tpu.memref_slice %arg7[%add3A_184, %dma_start3A_206] : memref<40x128xi32, #tpu.memory_space<vmem>> -> memref<1x32xi32, #tpu.memory_space<vmem>>
          %dma_start3A_208 = tpu.memref_squeeze %dma_start3A_207 : memref<1x32xi32, #tpu.memory_space<vmem>> -> memref<32xi32, #tpu.memory_space<vmem>>
          %dma_start3A_209 = arith.constant 0 : i32
          %dma_start3A_210 = arith.constant 0 : i32
          %dma_start3A_211 = tpu.memref_slice %arg2[%dma_start3A_209, %dma_start3A_210] : memref<10112x128xf32, #tpu.memory_space<hbm>> -> memref<10112x128xf32, #tpu.memory_space<hbm>>
          tpu.enqueue_indirect_dma source(%dma_start3A_211 : memref<10112x128xf32, #tpu.memory_space<hbm>>) target(%dma_start3A_205 : memref<32x128xf32, #tpu.memory_space<vmem>>) offsets(%dma_start3A_208 : memref<32xi32, #tpu.memory_space<vmem>>) semaphore(%arg12 : memref<!tpu.dma_semaphore, #tpu.memory_space<semaphore_mem>>)
          %dma_start3A_212 = arith.constant 96 : i32
          %dma_start3A_213 = arith.constant 0 : i32
          %dma_start3A_214 = tpu.memref_slice %arg9[%dma_start3A_212, %dma_start3A_213] : memref<128x128xf32, #tpu.memory_space<vmem>> -> memref<32x128xf32, #tpu.memory_space<vmem>>
          %dma_start3A_215 = arith.constant 96 : i32
          %dma_start3A_216 = tpu.memref_slice %arg7[%add3A_184, %dma_start3A_215] : memref<40x128xi32, #tpu.memory_space<vmem>> -> memref<1x32xi32, #tpu.memory_space<vmem>>
          %dma_start3A_217 = tpu.memref_squeeze %dma_start3A_216 : memref<1x32xi32, #tpu.memory_space<vmem>> -> memref<32xi32, #tpu.memory_space<vmem>>
          %dma_start3A_218 = arith.constant 0 : i32
          %dma_start3A_219 = arith.constant 0 : i32
          %dma_start3A_220 = tpu.memref_slice %arg2[%dma_start3A_218, %dma_start3A_219] : memref<10112x128xf32, #tpu.memory_space<hbm>> -> memref<10112x128xf32, #tpu.memory_space<hbm>>
          tpu.enqueue_indirect_dma source(%dma_start3A_220 : memref<10112x128xf32, #tpu.memory_space<hbm>>) target(%dma_start3A_214 : memref<32x128xf32, #tpu.memory_space<vmem>>) offsets(%dma_start3A_217 : memref<32xi32, #tpu.memory_space<vmem>>) semaphore(%arg12 : memref<!tpu.dma_semaphore, #tpu.memory_space<semaphore_mem>>)
        } else {
        }
        %add3A_143 = arith.constant 1 : i32
        %add3A_144 = arith.addi %mul3A_65, %add3A_143 : i32
        %dma_wait3A_145 = arith.constant 0 : i32
        %dma_wait3A_146 = arith.constant 0 : i32
        %dma_wait3A_147 = tpu.memref_slice %arg10[%dma_wait3A_145, %dma_wait3A_146] : memref<128x128xf32, #tpu.memory_space<vmem>> -> memref<32x128xf32, #tpu.memory_space<vmem>>
        %dma_wait3A_148 = arith.constant 0 : i32
        %dma_wait3A_149 = tpu.memref_slice %arg7[%add3A_144, %dma_wait3A_148] : memref<40x128xi32, #tpu.memory_space<vmem>> -> memref<1x32xi32, #tpu.memory_space<vmem>>
        %dma_wait3A_150 = tpu.memref_squeeze %dma_wait3A_149 : memref<1x32xi32, #tpu.memory_space<vmem>> -> memref<32xi32, #tpu.memory_space<vmem>>
        %dma_wait3A_151 = arith.constant 0 : i32
        %dma_wait3A_152 = arith.constant 0 : i32
        %dma_wait3A_153 = tpu.memref_slice %arg2[%dma_wait3A_151, %dma_wait3A_152] : memref<10112x128xf32, #tpu.memory_space<hbm>> -> memref<10112x128xf32, #tpu.memory_space<hbm>>
        tpu.wait_indirect_dma semaphore(%arg13 : memref<!tpu.dma_semaphore, #tpu.memory_space<semaphore_mem>>) src(%dma_wait3A_153 : memref<10112x128xf32, #tpu.memory_space<hbm>>) dst(%dma_wait3A_147 : memref<32x128xf32, #tpu.memory_space<vmem>>)
        %dma_wait3A_154 = arith.constant 32 : i32
        %dma_wait3A_155 = arith.constant 0 : i32
        %dma_wait3A_156 = tpu.memref_slice %arg10[%dma_wait3A_154, %dma_wait3A_155] : memref<128x128xf32, #tpu.memory_space<vmem>> -> memref<32x128xf32, #tpu.memory_space<vmem>>
        %dma_wait3A_157 = arith.constant 32 : i32
        %dma_wait3A_158 = tpu.memref_slice %arg7[%add3A_144, %dma_wait3A_157] : memref<40x128xi32, #tpu.memory_space<vmem>> -> memref<1x32xi32, #tpu.memory_space<vmem>>
        %dma_wait3A_159 = tpu.memref_squeeze %dma_wait3A_158 : memref<1x32xi32, #tpu.memory_space<vmem>> -> memref<32xi32, #tpu.memory_space<vmem>>
        %dma_wait3A_160 = arith.constant 0 : i32
        %dma_wait3A_161 = arith.constant 0 : i32
        %dma_wait3A_162 = tpu.memref_slice %arg2[%dma_wait3A_160, %dma_wait3A_161] : memref<10112x128xf32, #tpu.memory_space<hbm>> -> memref<10112x128xf32, #tpu.memory_space<hbm>>
        tpu.wait_indirect_dma semaphore(%arg13 : memref<!tpu.dma_semaphore, #tpu.memory_space<semaphore_mem>>) src(%dma_wait3A_162 : memref<10112x128xf32, #tpu.memory_space<hbm>>) dst(%dma_wait3A_156 : memref<32x128xf32, #tpu.memory_space<vmem>>)
        %dma_wait3A_163 = arith.constant 64 : i32
        %dma_wait3A_164 = arith.constant 0 : i32
        %dma_wait3A_165 = tpu.memref_slice %arg10[%dma_wait3A_163, %dma_wait3A_164] : memref<128x128xf32, #tpu.memory_space<vmem>> -> memref<32x128xf32, #tpu.memory_space<vmem>>
        %dma_wait3A_166 = arith.constant 64 : i32
        %dma_wait3A_167 = tpu.memref_slice %arg7[%add3A_144, %dma_wait3A_166] : memref<40x128xi32, #tpu.memory_space<vmem>> -> memref<1x32xi32, #tpu.memory_space<vmem>>
        %dma_wait3A_168 = tpu.memref_squeeze %dma_wait3A_167 : memref<1x32xi32, #tpu.memory_space<vmem>> -> memref<32xi32, #tpu.memory_space<vmem>>
        %dma_wait3A_169 = arith.constant 0 : i32
        %dma_wait3A_170 = arith.constant 0 : i32
        %dma_wait3A_171 = tpu.memref_slice %arg2[%dma_wait3A_169, %dma_wait3A_170] : memref<10112x128xf32, #tpu.memory_space<hbm>> -> memref<10112x128xf32, #tpu.memory_space<hbm>>
        tpu.wait_indirect_dma semaphore(%arg13 : memref<!tpu.dma_semaphore, #tpu.memory_space<semaphore_mem>>) src(%dma_wait3A_171 : memref<10112x128xf32, #tpu.memory_space<hbm>>) dst(%dma_wait3A_165 : memref<32x128xf32, #tpu.memory_space<vmem>>)
        %dma_wait3A_172 = arith.constant 96 : i32
        %dma_wait3A_173 = arith.constant 0 : i32
        %dma_wait3A_174 = tpu.memref_slice %arg10[%dma_wait3A_172, %dma_wait3A_173] : memref<128x128xf32, #tpu.memory_space<vmem>> -> memref<32x128xf32, #tpu.memory_space<vmem>>
        %dma_wait3A_175 = arith.constant 96 : i32
        %dma_wait3A_176 = tpu.memref_slice %arg7[%add3A_144, %dma_wait3A_175] : memref<40x128xi32, #tpu.memory_space<vmem>> -> memref<1x32xi32, #tpu.memory_space<vmem>>
        %dma_wait3A_177 = tpu.memref_squeeze %dma_wait3A_176 : memref<1x32xi32, #tpu.memory_space<vmem>> -> memref<32xi32, #tpu.memory_space<vmem>>
        %dma_wait3A_178 = arith.constant 0 : i32
        %dma_wait3A_179 = arith.constant 0 : i32
        %dma_wait3A_180 = tpu.memref_slice %arg2[%dma_wait3A_178, %dma_wait3A_179] : memref<10112x128xf32, #tpu.memory_space<hbm>> -> memref<10112x128xf32, #tpu.memory_space<hbm>>
        tpu.wait_indirect_dma semaphore(%arg13 : memref<!tpu.dma_semaphore, #tpu.memory_space<semaphore_mem>>) src(%dma_wait3A_180 : memref<10112x128xf32, #tpu.memory_space<hbm>>) dst(%dma_wait3A_174 : memref<32x128xf32, #tpu.memory_space<vmem>>)
        %add3A_181 = arith.constant 1 : i32
        %add3A_182 = arith.addi %mul3A_65, %add3A_181 : i32
        "tpu.region"() ({
          %run_scoped3A = tpu.sem_alloc : memref<!tpu.dma_semaphore, #tpu.memory_space<semaphore_mem>>
          %dma_start3A_183 = arith.constant 0 : i32
          %dma_start3A_184 = tpu.memref_slice %arg8[%add3A_182, %dma_start3A_183] : memref<40x128xi32, #tpu.memory_space<vmem>> -> memref<1x128xi32, #tpu.memory_space<vmem>>
          %dma_start3A_185 = tpu.memref_squeeze %dma_start3A_184 : memref<1x128xi32, #tpu.memory_space<vmem>> -> memref<128xi32, #tpu.memory_space<vmem>>
          %dma_start3A_186 = arith.constant 0 : i32
          %dma_start3A_187 = arith.constant 0 : i32
          %dma_start3A_188 = tpu.memref_slice %arg11[%dma_start3A_186, %dma_start3A_187] : memref<10112x128xf32, #tpu.memory_space<vmem_shared>> -> memref<10112x128xf32, #tpu.memory_space<vmem_shared>>
          tpu.enqueue_indirect_dma source(%arg10 : memref<128x128xf32, #tpu.memory_space<vmem>>) target(%dma_start3A_188 : memref<10112x128xf32, #tpu.memory_space<vmem_shared>>) offsets(%dma_start3A_185 : memref<128xi32, #tpu.memory_space<vmem>>) semaphore(%run_scoped3A : memref<!tpu.dma_semaphore, #tpu.memory_space<semaphore_mem>>) {add = true}
          %dma_wait3A_189 = arith.constant 0 : i32
          %dma_wait3A_190 = tpu.memref_slice %arg8[%add3A_182, %dma_wait3A_189] : memref<40x128xi32, #tpu.memory_space<vmem>> -> memref<1x128xi32, #tpu.memory_space<vmem>>
          %dma_wait3A_191 = tpu.memref_squeeze %dma_wait3A_190 : memref<1x128xi32, #tpu.memory_space<vmem>> -> memref<128xi32, #tpu.memory_space<vmem>>
          %dma_wait3A_192 = arith.constant 0 : i32
          %dma_wait3A_193 = arith.constant 0 : i32
          %dma_wait3A_194 = tpu.memref_slice %arg11[%dma_wait3A_192, %dma_wait3A_193] : memref<10112x128xf32, #tpu.memory_space<vmem_shared>> -> memref<10112x128xf32, #tpu.memory_space<vmem_shared>>
          tpu.wait_indirect_dma semaphore(%run_scoped3A : memref<!tpu.dma_semaphore, #tpu.memory_space<semaphore_mem>>) src(%arg10 : memref<128x128xf32, #tpu.memory_space<vmem>>) dst(%dma_wait3A_194 : memref<10112x128xf32, #tpu.memory_space<vmem_shared>>)
          tpu.yield
        }) : () -> ()
      }
      %scan3A_62 = arith.constant 20 : i32
    }
    %scan3A_7 = arith.constant 2 : i32
    %barrier3A_8 = arith.constant 0 : index
    tpu.barrier barrier_id(%barrier3A_8)
    %mul3A_9 = arith.constant 632 : i32
    %mul3A_10 = arith.muli %arg1, %mul3A_9 : i32
    %mul3A_11 = arith.constant 632 : i32
    %mul3A_12 = arith.muli %arg1, %mul3A_11 : i32
    "tpu.region"() ({
      %run_scoped3A = tpu.sem_alloc : memref<!tpu.dma_semaphore, #tpu.memory_space<semaphore_mem>>
      %dma_start3A = arith.constant 0 : i32
      %dma_start3A_13 = arith.constant 0 : i32
      %dma_start3A_14 = tpu.memref_slice %arg6[%arg0, %dma_start3A, %dma_start3A_13] : memref<2x10112x128xf32, #tpu.memory_space<hbm>> -> memref<1x10112x128xf32, #tpu.memory_space<hbm>>
      %dma_start3A_15 = tpu.memref_squeeze %dma_start3A_14 : memref<1x10112x128xf32, #tpu.memory_space<hbm>> -> memref<10112x128xf32, #tpu.memory_space<hbm>>
      %dma_start3A_16 = arith.constant 0 : i32
      %dma_start3A_17 = tpu.memref_slice %dma_start3A_15[%mul3A_12, %dma_start3A_16] : memref<10112x128xf32, #tpu.memory_space<hbm>> -> memref<632x128xf32, #tpu.memory_space<hbm>>
      %dma_start3A_18 = arith.constant 0 : i32
      %dma_start3A_19 = tpu.memref_slice %arg11[%mul3A_10, %dma_start3A_18] : memref<10112x128xf32, #tpu.memory_space<vmem_shared>> -> memref<632x128xf32, #tpu.memory_space<vmem_shared>>
      tpu.enqueue_dma source(%dma_start3A_19 : memref<632x128xf32, #tpu.memory_space<vmem_shared>>) target(%dma_start3A_17 : memref<632x128xf32, #tpu.memory_space<hbm>>) target_semaphore(%run_scoped3A : memref<!tpu.dma_semaphore, #tpu.memory_space<semaphore_mem>>)
      %dma_wait3A = arith.constant 0 : i32
      %dma_wait3A_20 = arith.constant 0 : i32
      %dma_wait3A_21 = tpu.memref_slice %arg6[%arg0, %dma_wait3A, %dma_wait3A_20] : memref<2x10112x128xf32, #tpu.memory_space<hbm>> -> memref<1x10112x128xf32, #tpu.memory_space<hbm>>
      %dma_wait3A_22 = tpu.memref_squeeze %dma_wait3A_21 : memref<1x10112x128xf32, #tpu.memory_space<hbm>> -> memref<10112x128xf32, #tpu.memory_space<hbm>>
      %dma_wait3A_23 = arith.constant 0 : i32
      %dma_wait3A_24 = tpu.memref_slice %dma_wait3A_22[%mul3A_12, %dma_wait3A_23] : memref<10112x128xf32, #tpu.memory_space<hbm>> -> memref<632x128xf32, #tpu.memory_space<hbm>>
      %dma_wait3A_25 = arith.constant 0 : i32
      %dma_wait3A_26 = tpu.memref_slice %arg11[%mul3A_10, %dma_wait3A_25] : memref<10112x128xf32, #tpu.memory_space<vmem_shared>> -> memref<632x128xf32, #tpu.memory_space<vmem_shared>>
      tpu.wait_dma2 semaphore(%run_scoped3A : memref<!tpu.dma_semaphore, #tpu.memory_space<semaphore_mem>>) src(%dma_wait3A_26 : memref<632x128xf32, #tpu.memory_space<vmem_shared>>) dst(%dma_wait3A_24 : memref<632x128xf32, #tpu.memory_space<hbm>>)
      tpu.yield
    }) : () -> ()
    return
  }
}

#map = affine_map<(d0, d1) -> (0, 0)>
#map1 = affine_map<(d0, d1) -> (0, 0, 0)>
module attributes {stable_mosaic.version = 14 : i64} {
  func.func @_segsum_kernel(%arg0: i32, %arg1: i32, %arg2: memref<10112x128xf32, #tpu.memory_space<hbm>>, %arg3: memref<32x80x128xi32, #tpu.memory_space<hbm>>, %arg4: memref<32x80x128xi32, #tpu.memory_space<hbm>>, %arg5: memref<632x128xf32, #tpu.memory_space<hbm>>, %arg6: memref<2x10112x128xf32, #tpu.memory_space<hbm>>, %arg7: memref<40x128xi32, #tpu.memory_space<vmem>>, %arg8: memref<40x128xi32, #tpu.memory_space<vmem>>, %arg9: memref<128x128xf32, #tpu.memory_space<vmem>>, %arg10: memref<128x128xf32, #tpu.memory_space<vmem>>, %arg11: memref<10112x128xf32, #tpu.memory_space<vmem_shared>>, %arg12: memref<!tpu.dma_semaphore, #tpu.memory_space<semaphore_mem>>, %arg13: memref<!tpu.dma_semaphore, #tpu.memory_space<semaphore_mem>>) attributes {dimension_semantics = [#tpu.dimension_semantics<core_parallel>, #tpu.dimension_semantics<subcore_parallel>], iteration_bounds = array<i64: 2, 16>, scalar_prefetch = 0 : i64, scratch_operands = 7 : i64, tpu.core_type = #tpu.core_type<sc_vector_subcore>, window_params = [{transform_indices = #map}, {transform_indices = #map1}, {transform_indices = #map1}, {transform_indices = #map}, {transform_indices = #map1}]} {
    %mul3A = arith.constant 16 : i32
    %mul3A_0 = arith.muli %arg0, %mul3A : i32
    %add3A = arith.addi %mul3A_0, %arg1 : i32
    %mul3A_1 = arith.constant 632 : i32
    %mul3A_2 = arith.muli %arg1, %mul3A_1 : i32
    "tpu.region"() ({
      %run_scoped3A = tpu.sem_alloc : memref<!tpu.dma_semaphore, #tpu.memory_space<semaphore_mem>>
      %dma_start3A = arith.constant 0 : i32
      %dma_start3A_13 = tpu.memref_slice %arg11[%mul3A_2, %dma_start3A] : memref<10112x128xf32, #tpu.memory_space<vmem_shared>> -> memref<632x128xf32, #tpu.memory_space<vmem_shared>>
      tpu.enqueue_dma source(%arg5 : memref<632x128xf32, #tpu.memory_space<hbm>>) target(%dma_start3A_13 : memref<632x128xf32, #tpu.memory_space<vmem_shared>>) target_semaphore(%run_scoped3A : memref<!tpu.dma_semaphore, #tpu.memory_space<semaphore_mem>>)
      %dma_wait3A = arith.constant 0 : i32
      %dma_wait3A_14 = tpu.memref_slice %arg11[%mul3A_2, %dma_wait3A] : memref<10112x128xf32, #tpu.memory_space<vmem_shared>> -> memref<632x128xf32, #tpu.memory_space<vmem_shared>>
      tpu.wait_dma2 semaphore(%run_scoped3A : memref<!tpu.dma_semaphore, #tpu.memory_space<semaphore_mem>>) src(%arg5 : memref<632x128xf32, #tpu.memory_space<hbm>>) dst(%dma_wait3A_14 : memref<632x128xf32, #tpu.memory_space<vmem_shared>>)
      tpu.yield
    }) : () -> ()
    %barrier3A = arith.constant 0 : index
    tpu.barrier barrier_id(%barrier3A)
    %scan3A = arith.constant 0 : i32
    %scan3A_3 = arith.constant 0 : i32
    %scan3A_4 = arith.constant 2 : i32
    %scan3A_5 = arith.addi %scan3A_3, %scan3A_4 : i32
    %scan3A_6 = arith.constant 1 : i32
    scf.for %scan3A_13 = %scan3A_3 to %scan3A_5 step %scan3A_6  : i32 {
      %mul3A_14 = arith.constant 40 : i32
      %mul3A_15 = arith.muli %scan3A_13, %mul3A_14 : i32
      "tpu.region"() ({
        %run_scoped3A = tpu.sem_alloc : memref<!tpu.dma_semaphore, #tpu.memory_space<semaphore_mem>>
        %dma_start3A_63 = arith.constant 0 : i32
        %dma_start3A_64 = arith.constant 0 : i32
        %dma_start3A_65 = tpu.memref_slice %arg3[%add3A, %dma_start3A_63, %dma_start3A_64] : memref<32x80x128xi32, #tpu.memory_space<hbm>> -> memref<1x80x128xi32, #tpu.memory_space<hbm>>
        %dma_start3A_66 = tpu.memref_squeeze %dma_start3A_65 : memref<1x80x128xi32, #tpu.memory_space<hbm>> -> memref<80x128xi32, #tpu.memory_space<hbm>>
        %dma_start3A_67 = arith.constant 0 : i32
        %dma_start3A_68 = tpu.memref_slice %dma_start3A_66[%mul3A_15, %dma_start3A_67] : memref<80x128xi32, #tpu.memory_space<hbm>> -> memref<40x128xi32, #tpu.memory_space<hbm>>
        %dma_start3A_69 = arith.constant 0 : i32
        %dma_start3A_70 = arith.constant 0 : i32
        %dma_start3A_71 = tpu.memref_slice %arg3[%add3A, %dma_start3A_69, %dma_start3A_70] : memref<32x80x128xi32, #tpu.memory_space<hbm>> -> memref<1x80x128xi32, #tpu.memory_space<hbm>>
        %dma_start3A_72 = tpu.memref_squeeze %dma_start3A_71 : memref<1x80x128xi32, #tpu.memory_space<hbm>> -> memref<80x128xi32, #tpu.memory_space<hbm>>
        %dma_start3A_73 = arith.constant 0 : i32
        %dma_start3A_74 = tpu.memref_slice %dma_start3A_72[%mul3A_15, %dma_start3A_73] : memref<80x128xi32, #tpu.memory_space<hbm>> -> memref<40x128xi32, #tpu.memory_space<hbm>>
        tpu.enqueue_dma source(%dma_start3A_74 : memref<40x128xi32, #tpu.memory_space<hbm>>) target(%arg7 : memref<40x128xi32, #tpu.memory_space<vmem>>) target_semaphore(%run_scoped3A : memref<!tpu.dma_semaphore, #tpu.memory_space<semaphore_mem>>)
        %dma_wait3A = arith.constant 0 : i32
        %dma_wait3A_75 = arith.constant 0 : i32
        %dma_wait3A_76 = tpu.memref_slice %arg3[%add3A, %dma_wait3A, %dma_wait3A_75] : memref<32x80x128xi32, #tpu.memory_space<hbm>> -> memref<1x80x128xi32, #tpu.memory_space<hbm>>
        %dma_wait3A_77 = tpu.memref_squeeze %dma_wait3A_76 : memref<1x80x128xi32, #tpu.memory_space<hbm>> -> memref<80x128xi32, #tpu.memory_space<hbm>>
        %dma_wait3A_78 = arith.constant 0 : i32
        %dma_wait3A_79 = tpu.memref_slice %dma_wait3A_77[%mul3A_15, %dma_wait3A_78] : memref<80x128xi32, #tpu.memory_space<hbm>> -> memref<40x128xi32, #tpu.memory_space<hbm>>
        %dma_wait3A_80 = arith.constant 0 : i32
        %dma_wait3A_81 = arith.constant 0 : i32
        %dma_wait3A_82 = tpu.memref_slice %arg3[%add3A, %dma_wait3A_80, %dma_wait3A_81] : memref<32x80x128xi32, #tpu.memory_space<hbm>> -> memref<1x80x128xi32, #tpu.memory_space<hbm>>
        %dma_wait3A_83 = tpu.memref_squeeze %dma_wait3A_82 : memref<1x80x128xi32, #tpu.memory_space<hbm>> -> memref<80x128xi32, #tpu.memory_space<hbm>>
        %dma_wait3A_84 = arith.constant 0 : i32
        %dma_wait3A_85 = tpu.memref_slice %dma_wait3A_83[%mul3A_15, %dma_wait3A_84] : memref<80x128xi32, #tpu.memory_space<hbm>> -> memref<40x128xi32, #tpu.memory_space<hbm>>
        tpu.wait_dma2 semaphore(%run_scoped3A : memref<!tpu.dma_semaphore, #tpu.memory_space<semaphore_mem>>) src(%dma_wait3A_85 : memref<40x128xi32, #tpu.memory_space<hbm>>) dst(%arg7 : memref<40x128xi32, #tpu.memory_space<vmem>>)
        tpu.yield
      }) : () -> ()
      %mul3A_16 = arith.constant 40 : i32
      %mul3A_17 = arith.muli %scan3A_13, %mul3A_16 : i32
      "tpu.region"() ({
        %run_scoped3A = tpu.sem_alloc : memref<!tpu.dma_semaphore, #tpu.memory_space<semaphore_mem>>
        %dma_start3A_63 = arith.constant 0 : i32
        %dma_start3A_64 = arith.constant 0 : i32
        %dma_start3A_65 = tpu.memref_slice %arg4[%add3A, %dma_start3A_63, %dma_start3A_64] : memref<32x80x128xi32, #tpu.memory_space<hbm>> -> memref<1x80x128xi32, #tpu.memory_space<hbm>>
        %dma_start3A_66 = tpu.memref_squeeze %dma_start3A_65 : memref<1x80x128xi32, #tpu.memory_space<hbm>> -> memref<80x128xi32, #tpu.memory_space<hbm>>
        %dma_start3A_67 = arith.constant 0 : i32
        %dma_start3A_68 = tpu.memref_slice %dma_start3A_66[%mul3A_17, %dma_start3A_67] : memref<80x128xi32, #tpu.memory_space<hbm>> -> memref<40x128xi32, #tpu.memory_space<hbm>>
        %dma_start3A_69 = arith.constant 0 : i32
        %dma_start3A_70 = arith.constant 0 : i32
        %dma_start3A_71 = tpu.memref_slice %arg4[%add3A, %dma_start3A_69, %dma_start3A_70] : memref<32x80x128xi32, #tpu.memory_space<hbm>> -> memref<1x80x128xi32, #tpu.memory_space<hbm>>
        %dma_start3A_72 = tpu.memref_squeeze %dma_start3A_71 : memref<1x80x128xi32, #tpu.memory_space<hbm>> -> memref<80x128xi32, #tpu.memory_space<hbm>>
        %dma_start3A_73 = arith.constant 0 : i32
        %dma_start3A_74 = tpu.memref_slice %dma_start3A_72[%mul3A_17, %dma_start3A_73] : memref<80x128xi32, #tpu.memory_space<hbm>> -> memref<40x128xi32, #tpu.memory_space<hbm>>
        tpu.enqueue_dma source(%dma_start3A_74 : memref<40x128xi32, #tpu.memory_space<hbm>>) target(%arg8 : memref<40x128xi32, #tpu.memory_space<vmem>>) target_semaphore(%run_scoped3A : memref<!tpu.dma_semaphore, #tpu.memory_space<semaphore_mem>>)
        %dma_wait3A = arith.constant 0 : i32
        %dma_wait3A_75 = arith.constant 0 : i32
        %dma_wait3A_76 = tpu.memref_slice %arg4[%add3A, %dma_wait3A, %dma_wait3A_75] : memref<32x80x128xi32, #tpu.memory_space<hbm>> -> memref<1x80x128xi32, #tpu.memory_space<hbm>>
        %dma_wait3A_77 = tpu.memref_squeeze %dma_wait3A_76 : memref<1x80x128xi32, #tpu.memory_space<hbm>> -> memref<80x128xi32, #tpu.memory_space<hbm>>
        %dma_wait3A_78 = arith.constant 0 : i32
        %dma_wait3A_79 = tpu.memref_slice %dma_wait3A_77[%mul3A_17, %dma_wait3A_78] : memref<80x128xi32, #tpu.memory_space<hbm>> -> memref<40x128xi32, #tpu.memory_space<hbm>>
        %dma_wait3A_80 = arith.constant 0 : i32
        %dma_wait3A_81 = arith.constant 0 : i32
        %dma_wait3A_82 = tpu.memref_slice %arg4[%add3A, %dma_wait3A_80, %dma_wait3A_81] : memref<32x80x128xi32, #tpu.memory_space<hbm>> -> memref<1x80x128xi32, #tpu.memory_space<hbm>>
        %dma_wait3A_83 = tpu.memref_squeeze %dma_wait3A_82 : memref<1x80x128xi32, #tpu.memory_space<hbm>> -> memref<80x128xi32, #tpu.memory_space<hbm>>
        %dma_wait3A_84 = arith.constant 0 : i32
        %dma_wait3A_85 = tpu.memref_slice %dma_wait3A_83[%mul3A_17, %dma_wait3A_84] : memref<80x128xi32, #tpu.memory_space<hbm>> -> memref<40x128xi32, #tpu.memory_space<hbm>>
        tpu.wait_dma2 semaphore(%run_scoped3A : memref<!tpu.dma_semaphore, #tpu.memory_space<semaphore_mem>>) src(%dma_wait3A_85 : memref<40x128xi32, #tpu.memory_space<hbm>>) dst(%arg8 : memref<40x128xi32, #tpu.memory_space<vmem>>)
        tpu.yield
      }) : () -> ()
      %dma_start3A = arith.constant 0 : i32
      %dma_start3A_18 = arith.constant 0 : i32
      %dma_start3A_19 = arith.constant 0 : i32
      %dma_start3A_20 = tpu.memref_slice %arg9[%dma_start3A_18, %dma_start3A_19] : memref<128x128xf32, #tpu.memory_space<vmem>> -> memref<32x128xf32, #tpu.memory_space<vmem>>
      %dma_start3A_21 = arith.constant 0 : i32
      %dma_start3A_22 = tpu.memref_slice %arg7[%dma_start3A, %dma_start3A_21] : memref<40x128xi32, #tpu.memory_space<vmem>> -> memref<1x32xi32, #tpu.memory_space<vmem>>
      %dma_start3A_23 = tpu.memref_squeeze %dma_start3A_22 : memref<1x32xi32, #tpu.memory_space<vmem>> -> memref<32xi32, #tpu.memory_space<vmem>>
      %dma_start3A_24 = arith.constant 0 : i32
      %dma_start3A_25 = arith.constant 0 : i32
      %dma_start3A_26 = tpu.memref_slice %arg2[%dma_start3A_24, %dma_start3A_25] : memref<10112x128xf32, #tpu.memory_space<hbm>> -> memref<10112x128xf32, #tpu.memory_space<hbm>>
      tpu.enqueue_indirect_dma source(%dma_start3A_26 : memref<10112x128xf32, #tpu.memory_space<hbm>>) target(%dma_start3A_20 : memref<32x128xf32, #tpu.memory_space<vmem>>) offsets(%dma_start3A_23 : memref<32xi32, #tpu.memory_space<vmem>>) semaphore(%arg12 : memref<!tpu.dma_semaphore, #tpu.memory_space<semaphore_mem>>)
      %dma_start3A_27 = arith.constant 0 : i32
      %dma_start3A_28 = arith.constant 32 : i32
      %dma_start3A_29 = arith.constant 0 : i32
      %dma_start3A_30 = tpu.memref_slice %arg9[%dma_start3A_28, %dma_start3A_29] : memref<128x128xf32, #tpu.memory_space<vmem>> -> memref<32x128xf32, #tpu.memory_space<vmem>>
      %dma_start3A_31 = arith.constant 32 : i32
      %dma_start3A_32 = tpu.memref_slice %arg7[%dma_start3A_27, %dma_start3A_31] : memref<40x128xi32, #tpu.memory_space<vmem>> -> memref<1x32xi32, #tpu.memory_space<vmem>>
      %dma_start3A_33 = tpu.memref_squeeze %dma_start3A_32 : memref<1x32xi32, #tpu.memory_space<vmem>> -> memref<32xi32, #tpu.memory_space<vmem>>
      %dma_start3A_34 = arith.constant 0 : i32
      %dma_start3A_35 = arith.constant 0 : i32
      %dma_start3A_36 = tpu.memref_slice %arg2[%dma_start3A_34, %dma_start3A_35] : memref<10112x128xf32, #tpu.memory_space<hbm>> -> memref<10112x128xf32, #tpu.memory_space<hbm>>
      tpu.enqueue_indirect_dma source(%dma_start3A_36 : memref<10112x128xf32, #tpu.memory_space<hbm>>) target(%dma_start3A_30 : memref<32x128xf32, #tpu.memory_space<vmem>>) offsets(%dma_start3A_33 : memref<32xi32, #tpu.memory_space<vmem>>) semaphore(%arg12 : memref<!tpu.dma_semaphore, #tpu.memory_space<semaphore_mem>>)
      %dma_start3A_37 = arith.constant 0 : i32
      %dma_start3A_38 = arith.constant 64 : i32
      %dma_start3A_39 = arith.constant 0 : i32
      %dma_start3A_40 = tpu.memref_slice %arg9[%dma_start3A_38, %dma_start3A_39] : memref<128x128xf32, #tpu.memory_space<vmem>> -> memref<32x128xf32, #tpu.memory_space<vmem>>
      %dma_start3A_41 = arith.constant 64 : i32
      %dma_start3A_42 = tpu.memref_slice %arg7[%dma_start3A_37, %dma_start3A_41] : memref<40x128xi32, #tpu.memory_space<vmem>> -> memref<1x32xi32, #tpu.memory_space<vmem>>
      %dma_start3A_43 = tpu.memref_squeeze %dma_start3A_42 : memref<1x32xi32, #tpu.memory_space<vmem>> -> memref<32xi32, #tpu.memory_space<vmem>>
      %dma_start3A_44 = arith.constant 0 : i32
      %dma_start3A_45 = arith.constant 0 : i32
      %dma_start3A_46 = tpu.memref_slice %arg2[%dma_start3A_44, %dma_start3A_45] : memref<10112x128xf32, #tpu.memory_space<hbm>> -> memref<10112x128xf32, #tpu.memory_space<hbm>>
      tpu.enqueue_indirect_dma source(%dma_start3A_46 : memref<10112x128xf32, #tpu.memory_space<hbm>>) target(%dma_start3A_40 : memref<32x128xf32, #tpu.memory_space<vmem>>) offsets(%dma_start3A_43 : memref<32xi32, #tpu.memory_space<vmem>>) semaphore(%arg12 : memref<!tpu.dma_semaphore, #tpu.memory_space<semaphore_mem>>)
      %dma_start3A_47 = arith.constant 0 : i32
      %dma_start3A_48 = arith.constant 96 : i32
      %dma_start3A_49 = arith.constant 0 : i32
      %dma_start3A_50 = tpu.memref_slice %arg9[%dma_start3A_48, %dma_start3A_49] : memref<128x128xf32, #tpu.memory_space<vmem>> -> memref<32x128xf32, #tpu.memory_space<vmem>>
      %dma_start3A_51 = arith.constant 96 : i32
      %dma_start3A_52 = tpu.memref_slice %arg7[%dma_start3A_47, %dma_start3A_51] : memref<40x128xi32, #tpu.memory_space<vmem>> -> memref<1x32xi32, #tpu.memory_space<vmem>>
      %dma_start3A_53 = tpu.memref_squeeze %dma_start3A_52 : memref<1x32xi32, #tpu.memory_space<vmem>> -> memref<32xi32, #tpu.memory_space<vmem>>
      %dma_start3A_54 = arith.constant 0 : i32
      %dma_start3A_55 = arith.constant 0 : i32
      %dma_start3A_56 = tpu.memref_slice %arg2[%dma_start3A_54, %dma_start3A_55] : memref<10112x128xf32, #tpu.memory_space<hbm>> -> memref<10112x128xf32, #tpu.memory_space<hbm>>
      tpu.enqueue_indirect_dma source(%dma_start3A_56 : memref<10112x128xf32, #tpu.memory_space<hbm>>) target(%dma_start3A_50 : memref<32x128xf32, #tpu.memory_space<vmem>>) offsets(%dma_start3A_53 : memref<32xi32, #tpu.memory_space<vmem>>) semaphore(%arg12 : memref<!tpu.dma_semaphore, #tpu.memory_space<semaphore_mem>>)
      %scan3A_57 = arith.constant 0 : i32
      %scan3A_58 = arith.constant 0 : i32
      %scan3A_59 = arith.constant 20 : i32
      %scan3A_60 = arith.addi %scan3A_58, %scan3A_59 : i32
      %scan3A_61 = arith.constant 1 : i32
      scf.for %scan3A_63 = %scan3A_58 to %scan3A_60 step %scan3A_61  : i32 {
        %mul3A_64 = arith.constant 2 : i32
        %mul3A_65 = arith.muli %mul3A_64, %scan3A_63 : i32
        %add3A_66 = arith.constant 1 : i32
        %add3A_67 = arith.addi %mul3A_65, %add3A_66 : i32
        %dma_start3A_68 = arith.constant 0 : i32
        %dma_start3A_69 = arith.constant 0 : i32
        %dma_start3A_70 = tpu.memref_slice %arg10[%dma_start3A_68, %dma_start3A_69] : memref<128x128xf32, #tpu.memory_space<vmem>> -> memref<32x128xf32, #tpu.memory_space<vmem>>
        %dma_start3A_71 = arith.constant 0 : i32
        %dma_start3A_72 = tpu.memref_slice %arg7[%add3A_67, %dma_start3A_71] : memref<40x128xi32, #tpu.memory_space<vmem>> -> memref<1x32xi32, #tpu.memory_space<vmem>>
        %dma_start3A_73 = tpu.memref_squeeze %dma_start3A_72 : memref<1x32xi32, #tpu.memory_space<vmem>> -> memref<32xi32, #tpu.memory_space<vmem>>
        %dma_start3A_74 = arith.constant 0 : i32
        %dma_start3A_75 = arith.constant 0 : i32
        %dma_start3A_76 = tpu.memref_slice %arg2[%dma_start3A_74, %dma_start3A_75] : memref<10112x128xf32, #tpu.memory_space<hbm>> -> memref<10112x128xf32, #tpu.memory_space<hbm>>
        tpu.enqueue_indirect_dma source(%dma_start3A_76 : memref<10112x128xf32, #tpu.memory_space<hbm>>) target(%dma_start3A_70 : memref<32x128xf32, #tpu.memory_space<vmem>>) offsets(%dma_start3A_73 : memref<32xi32, #tpu.memory_space<vmem>>) semaphore(%arg13 : memref<!tpu.dma_semaphore, #tpu.memory_space<semaphore_mem>>)
        %dma_start3A_77 = arith.constant 32 : i32
        %dma_start3A_78 = arith.constant 0 : i32
        %dma_start3A_79 = tpu.memref_slice %arg10[%dma_start3A_77, %dma_start3A_78] : memref<128x128xf32, #tpu.memory_space<vmem>> -> memref<32x128xf32, #tpu.memory_space<vmem>>
        %dma_start3A_80 = arith.constant 32 : i32
        %dma_start3A_81 = tpu.memref_slice %arg7[%add3A_67, %dma_start3A_80] : memref<40x128xi32, #tpu.memory_space<vmem>> -> memref<1x32xi32, #tpu.memory_space<vmem>>
        %dma_start3A_82 = tpu.memref_squeeze %dma_start3A_81 : memref<1x32xi32, #tpu.memory_space<vmem>> -> memref<32xi32, #tpu.memory_space<vmem>>
        %dma_start3A_83 = arith.constant 0 : i32
        %dma_start3A_84 = arith.constant 0 : i32
        %dma_start3A_85 = tpu.memref_slice %arg2[%dma_start3A_83, %dma_start3A_84] : memref<10112x128xf32, #tpu.memory_space<hbm>> -> memref<10112x128xf32, #tpu.memory_space<hbm>>
        tpu.enqueue_indirect_dma source(%dma_start3A_85 : memref<10112x128xf32, #tpu.memory_space<hbm>>) target(%dma_start3A_79 : memref<32x128xf32, #tpu.memory_space<vmem>>) offsets(%dma_start3A_82 : memref<32xi32, #tpu.memory_space<vmem>>) semaphore(%arg13 : memref<!tpu.dma_semaphore, #tpu.memory_space<semaphore_mem>>)
        %dma_start3A_86 = arith.constant 64 : i32
        %dma_start3A_87 = arith.constant 0 : i32
        %dma_start3A_88 = tpu.memref_slice %arg10[%dma_start3A_86, %dma_start3A_87] : memref<128x128xf32, #tpu.memory_space<vmem>> -> memref<32x128xf32, #tpu.memory_space<vmem>>
        %dma_start3A_89 = arith.constant 64 : i32
        %dma_start3A_90 = tpu.memref_slice %arg7[%add3A_67, %dma_start3A_89] : memref<40x128xi32, #tpu.memory_space<vmem>> -> memref<1x32xi32, #tpu.memory_space<vmem>>
        %dma_start3A_91 = tpu.memref_squeeze %dma_start3A_90 : memref<1x32xi32, #tpu.memory_space<vmem>> -> memref<32xi32, #tpu.memory_space<vmem>>
        %dma_start3A_92 = arith.constant 0 : i32
        %dma_start3A_93 = arith.constant 0 : i32
        %dma_start3A_94 = tpu.memref_slice %arg2[%dma_start3A_92, %dma_start3A_93] : memref<10112x128xf32, #tpu.memory_space<hbm>> -> memref<10112x128xf32, #tpu.memory_space<hbm>>
        tpu.enqueue_indirect_dma source(%dma_start3A_94 : memref<10112x128xf32, #tpu.memory_space<hbm>>) target(%dma_start3A_88 : memref<32x128xf32, #tpu.memory_space<vmem>>) offsets(%dma_start3A_91 : memref<32xi32, #tpu.memory_space<vmem>>) semaphore(%arg13 : memref<!tpu.dma_semaphore, #tpu.memory_space<semaphore_mem>>)
        %dma_start3A_95 = arith.constant 96 : i32
        %dma_start3A_96 = arith.constant 0 : i32
        %dma_start3A_97 = tpu.memref_slice %arg10[%dma_start3A_95, %dma_start3A_96] : memref<128x128xf32, #tpu.memory_space<vmem>> -> memref<32x128xf32, #tpu.memory_space<vmem>>
        %dma_start3A_98 = arith.constant 96 : i32
        %dma_start3A_99 = tpu.memref_slice %arg7[%add3A_67, %dma_start3A_98] : memref<40x128xi32, #tpu.memory_space<vmem>> -> memref<1x32xi32, #tpu.memory_space<vmem>>
        %dma_start3A_100 = tpu.memref_squeeze %dma_start3A_99 : memref<1x32xi32, #tpu.memory_space<vmem>> -> memref<32xi32, #tpu.memory_space<vmem>>
        %dma_start3A_101 = arith.constant 0 : i32
        %dma_start3A_102 = arith.constant 0 : i32
        %dma_start3A_103 = tpu.memref_slice %arg2[%dma_start3A_101, %dma_start3A_102] : memref<10112x128xf32, #tpu.memory_space<hbm>> -> memref<10112x128xf32, #tpu.memory_space<hbm>>
        tpu.enqueue_indirect_dma source(%dma_start3A_103 : memref<10112x128xf32, #tpu.memory_space<hbm>>) target(%dma_start3A_97 : memref<32x128xf32, #tpu.memory_space<vmem>>) offsets(%dma_start3A_100 : memref<32xi32, #tpu.memory_space<vmem>>) semaphore(%arg13 : memref<!tpu.dma_semaphore, #tpu.memory_space<semaphore_mem>>)
        %dma_wait3A = arith.constant 0 : i32
        %dma_wait3A_104 = arith.constant 0 : i32
        %dma_wait3A_105 = tpu.memref_slice %arg9[%dma_wait3A, %dma_wait3A_104] : memref<128x128xf32, #tpu.memory_space<vmem>> -> memref<32x128xf32, #tpu.memory_space<vmem>>
        %dma_wait3A_106 = arith.constant 0 : i32
        %dma_wait3A_107 = tpu.memref_slice %arg7[%mul3A_65, %dma_wait3A_106] : memref<40x128xi32, #tpu.memory_space<vmem>> -> memref<1x32xi32, #tpu.memory_space<vmem>>
        %dma_wait3A_108 = tpu.memref_squeeze %dma_wait3A_107 : memref<1x32xi32, #tpu.memory_space<vmem>> -> memref<32xi32, #tpu.memory_space<vmem>>
        %dma_wait3A_109 = arith.constant 0 : i32
        %dma_wait3A_110 = arith.constant 0 : i32
        %dma_wait3A_111 = tpu.memref_slice %arg2[%dma_wait3A_109, %dma_wait3A_110] : memref<10112x128xf32, #tpu.memory_space<hbm>> -> memref<10112x128xf32, #tpu.memory_space<hbm>>
        tpu.wait_indirect_dma semaphore(%arg12 : memref<!tpu.dma_semaphore, #tpu.memory_space<semaphore_mem>>) src(%dma_wait3A_111 : memref<10112x128xf32, #tpu.memory_space<hbm>>) dst(%dma_wait3A_105 : memref<32x128xf32, #tpu.memory_space<vmem>>)
        %dma_wait3A_112 = arith.constant 32 : i32
        %dma_wait3A_113 = arith.constant 0 : i32
        %dma_wait3A_114 = tpu.memref_slice %arg9[%dma_wait3A_112, %dma_wait3A_113] : memref<128x128xf32, #tpu.memory_space<vmem>> -> memref<32x128xf32, #tpu.memory_space<vmem>>
        %dma_wait3A_115 = arith.constant 32 : i32
        %dma_wait3A_116 = tpu.memref_slice %arg7[%mul3A_65, %dma_wait3A_115] : memref<40x128xi32, #tpu.memory_space<vmem>> -> memref<1x32xi32, #tpu.memory_space<vmem>>
        %dma_wait3A_117 = tpu.memref_squeeze %dma_wait3A_116 : memref<1x32xi32, #tpu.memory_space<vmem>> -> memref<32xi32, #tpu.memory_space<vmem>>
        %dma_wait3A_118 = arith.constant 0 : i32
        %dma_wait3A_119 = arith.constant 0 : i32
        %dma_wait3A_120 = tpu.memref_slice %arg2[%dma_wait3A_118, %dma_wait3A_119] : memref<10112x128xf32, #tpu.memory_space<hbm>> -> memref<10112x128xf32, #tpu.memory_space<hbm>>
        tpu.wait_indirect_dma semaphore(%arg12 : memref<!tpu.dma_semaphore, #tpu.memory_space<semaphore_mem>>) src(%dma_wait3A_120 : memref<10112x128xf32, #tpu.memory_space<hbm>>) dst(%dma_wait3A_114 : memref<32x128xf32, #tpu.memory_space<vmem>>)
        %dma_wait3A_121 = arith.constant 64 : i32
        %dma_wait3A_122 = arith.constant 0 : i32
        %dma_wait3A_123 = tpu.memref_slice %arg9[%dma_wait3A_121, %dma_wait3A_122] : memref<128x128xf32, #tpu.memory_space<vmem>> -> memref<32x128xf32, #tpu.memory_space<vmem>>
        %dma_wait3A_124 = arith.constant 64 : i32
        %dma_wait3A_125 = tpu.memref_slice %arg7[%mul3A_65, %dma_wait3A_124] : memref<40x128xi32, #tpu.memory_space<vmem>> -> memref<1x32xi32, #tpu.memory_space<vmem>>
        %dma_wait3A_126 = tpu.memref_squeeze %dma_wait3A_125 : memref<1x32xi32, #tpu.memory_space<vmem>> -> memref<32xi32, #tpu.memory_space<vmem>>
        %dma_wait3A_127 = arith.constant 0 : i32
        %dma_wait3A_128 = arith.constant 0 : i32
        %dma_wait3A_129 = tpu.memref_slice %arg2[%dma_wait3A_127, %dma_wait3A_128] : memref<10112x128xf32, #tpu.memory_space<hbm>> -> memref<10112x128xf32, #tpu.memory_space<hbm>>
        tpu.wait_indirect_dma semaphore(%arg12 : memref<!tpu.dma_semaphore, #tpu.memory_space<semaphore_mem>>) src(%dma_wait3A_129 : memref<10112x128xf32, #tpu.memory_space<hbm>>) dst(%dma_wait3A_123 : memref<32x128xf32, #tpu.memory_space<vmem>>)
        %dma_wait3A_130 = arith.constant 96 : i32
        %dma_wait3A_131 = arith.constant 0 : i32
        %dma_wait3A_132 = tpu.memref_slice %arg9[%dma_wait3A_130, %dma_wait3A_131] : memref<128x128xf32, #tpu.memory_space<vmem>> -> memref<32x128xf32, #tpu.memory_space<vmem>>
        %dma_wait3A_133 = arith.constant 96 : i32
        %dma_wait3A_134 = tpu.memref_slice %arg7[%mul3A_65, %dma_wait3A_133] : memref<40x128xi32, #tpu.memory_space<vmem>> -> memref<1x32xi32, #tpu.memory_space<vmem>>
        %dma_wait3A_135 = tpu.memref_squeeze %dma_wait3A_134 : memref<1x32xi32, #tpu.memory_space<vmem>> -> memref<32xi32, #tpu.memory_space<vmem>>
        %dma_wait3A_136 = arith.constant 0 : i32
        %dma_wait3A_137 = arith.constant 0 : i32
        %dma_wait3A_138 = tpu.memref_slice %arg2[%dma_wait3A_136, %dma_wait3A_137] : memref<10112x128xf32, #tpu.memory_space<hbm>> -> memref<10112x128xf32, #tpu.memory_space<hbm>>
        tpu.wait_indirect_dma semaphore(%arg12 : memref<!tpu.dma_semaphore, #tpu.memory_space<semaphore_mem>>) src(%dma_wait3A_138 : memref<10112x128xf32, #tpu.memory_space<hbm>>) dst(%dma_wait3A_132 : memref<32x128xf32, #tpu.memory_space<vmem>>)
        "tpu.region"() ({
          %run_scoped3A = tpu.sem_alloc : memref<!tpu.dma_semaphore, #tpu.memory_space<semaphore_mem>>
          %dma_start3A_183 = arith.constant 0 : i32
          %dma_start3A_184 = tpu.memref_slice %arg8[%mul3A_65, %dma_start3A_183] : memref<40x128xi32, #tpu.memory_space<vmem>> -> memref<1x128xi32, #tpu.memory_space<vmem>>
          %dma_start3A_185 = tpu.memref_squeeze %dma_start3A_184 : memref<1x128xi32, #tpu.memory_space<vmem>> -> memref<128xi32, #tpu.memory_space<vmem>>
          %dma_start3A_186 = arith.constant 0 : i32
          %dma_start3A_187 = arith.constant 0 : i32
          %dma_start3A_188 = tpu.memref_slice %arg11[%dma_start3A_186, %dma_start3A_187] : memref<10112x128xf32, #tpu.memory_space<vmem_shared>> -> memref<10112x128xf32, #tpu.memory_space<vmem_shared>>
          tpu.enqueue_indirect_dma source(%arg9 : memref<128x128xf32, #tpu.memory_space<vmem>>) target(%dma_start3A_188 : memref<10112x128xf32, #tpu.memory_space<vmem_shared>>) offsets(%dma_start3A_185 : memref<128xi32, #tpu.memory_space<vmem>>) semaphore(%run_scoped3A : memref<!tpu.dma_semaphore, #tpu.memory_space<semaphore_mem>>) {add = true}
          %dma_wait3A_189 = arith.constant 0 : i32
          %dma_wait3A_190 = tpu.memref_slice %arg8[%mul3A_65, %dma_wait3A_189] : memref<40x128xi32, #tpu.memory_space<vmem>> -> memref<1x128xi32, #tpu.memory_space<vmem>>
          %dma_wait3A_191 = tpu.memref_squeeze %dma_wait3A_190 : memref<1x128xi32, #tpu.memory_space<vmem>> -> memref<128xi32, #tpu.memory_space<vmem>>
          %dma_wait3A_192 = arith.constant 0 : i32
          %dma_wait3A_193 = arith.constant 0 : i32
          %dma_wait3A_194 = tpu.memref_slice %arg11[%dma_wait3A_192, %dma_wait3A_193] : memref<10112x128xf32, #tpu.memory_space<vmem_shared>> -> memref<10112x128xf32, #tpu.memory_space<vmem_shared>>
          tpu.wait_indirect_dma semaphore(%run_scoped3A : memref<!tpu.dma_semaphore, #tpu.memory_space<semaphore_mem>>) src(%arg9 : memref<128x128xf32, #tpu.memory_space<vmem>>) dst(%dma_wait3A_194 : memref<10112x128xf32, #tpu.memory_space<vmem_shared>>)
          tpu.yield
        }) : () -> ()
        %add3A_139 = arith.constant 2 : i32
        %add3A_140 = arith.addi %mul3A_65, %add3A_139 : i32
        %lt3A = arith.constant 40 : i32
        %lt3A_141 = arith.cmpi slt, %add3A_140, %lt3A : i32
        %convert_element_type3A = arith.extui %lt3A_141 : i1 to i32
        %cond3A = arith.constant 0 : i32
        %cond3A_142 = arith.cmpi ne, %convert_element_type3A, %cond3A : i32
        scf.if %cond3A_142 {
          %add3A_183 = arith.constant 2 : i32
          %add3A_184 = arith.addi %mul3A_65, %add3A_183 : i32
          %dma_start3A_185 = arith.constant 0 : i32
          %dma_start3A_186 = arith.constant 0 : i32
          %dma_start3A_187 = tpu.memref_slice %arg9[%dma_start3A_185, %dma_start3A_186] : memref<128x128xf32, #tpu.memory_space<vmem>> -> memref<32x128xf32, #tpu.memory_space<vmem>>
          %dma_start3A_188 = arith.constant 0 : i32
          %dma_start3A_189 = tpu.memref_slice %arg7[%add3A_184, %dma_start3A_188] : memref<40x128xi32, #tpu.memory_space<vmem>> -> memref<1x32xi32, #tpu.memory_space<vmem>>
          %dma_start3A_190 = tpu.memref_squeeze %dma_start3A_189 : memref<1x32xi32, #tpu.memory_space<vmem>> -> memref<32xi32, #tpu.memory_space<vmem>>
          %dma_start3A_191 = arith.constant 0 : i32
          %dma_start3A_192 = arith.constant 0 : i32
          %dma_start3A_193 = tpu.memref_slice %arg2[%dma_start3A_191, %dma_start3A_192] : memref<10112x128xf32, #tpu.memory_space<hbm>> -> memref<10112x128xf32, #tpu.memory_space<hbm>>
          tpu.enqueue_indirect_dma source(%dma_start3A_193 : memref<10112x128xf32, #tpu.memory_space<hbm>>) target(%dma_start3A_187 : memref<32x128xf32, #tpu.memory_space<vmem>>) offsets(%dma_start3A_190 : memref<32xi32, #tpu.memory_space<vmem>>) semaphore(%arg12 : memref<!tpu.dma_semaphore, #tpu.memory_space<semaphore_mem>>)
          %dma_start3A_194 = arith.constant 32 : i32
          %dma_start3A_195 = arith.constant 0 : i32
          %dma_start3A_196 = tpu.memref_slice %arg9[%dma_start3A_194, %dma_start3A_195] : memref<128x128xf32, #tpu.memory_space<vmem>> -> memref<32x128xf32, #tpu.memory_space<vmem>>
          %dma_start3A_197 = arith.constant 32 : i32
          %dma_start3A_198 = tpu.memref_slice %arg7[%add3A_184, %dma_start3A_197] : memref<40x128xi32, #tpu.memory_space<vmem>> -> memref<1x32xi32, #tpu.memory_space<vmem>>
          %dma_start3A_199 = tpu.memref_squeeze %dma_start3A_198 : memref<1x32xi32, #tpu.memory_space<vmem>> -> memref<32xi32, #tpu.memory_space<vmem>>
          %dma_start3A_200 = arith.constant 0 : i32
          %dma_start3A_201 = arith.constant 0 : i32
          %dma_start3A_202 = tpu.memref_slice %arg2[%dma_start3A_200, %dma_start3A_201] : memref<10112x128xf32, #tpu.memory_space<hbm>> -> memref<10112x128xf32, #tpu.memory_space<hbm>>
          tpu.enqueue_indirect_dma source(%dma_start3A_202 : memref<10112x128xf32, #tpu.memory_space<hbm>>) target(%dma_start3A_196 : memref<32x128xf32, #tpu.memory_space<vmem>>) offsets(%dma_start3A_199 : memref<32xi32, #tpu.memory_space<vmem>>) semaphore(%arg12 : memref<!tpu.dma_semaphore, #tpu.memory_space<semaphore_mem>>)
          %dma_start3A_203 = arith.constant 64 : i32
          %dma_start3A_204 = arith.constant 0 : i32
          %dma_start3A_205 = tpu.memref_slice %arg9[%dma_start3A_203, %dma_start3A_204] : memref<128x128xf32, #tpu.memory_space<vmem>> -> memref<32x128xf32, #tpu.memory_space<vmem>>
          %dma_start3A_206 = arith.constant 64 : i32
          %dma_start3A_207 = tpu.memref_slice %arg7[%add3A_184, %dma_start3A_206] : memref<40x128xi32, #tpu.memory_space<vmem>> -> memref<1x32xi32, #tpu.memory_space<vmem>>
          %dma_start3A_208 = tpu.memref_squeeze %dma_start3A_207 : memref<1x32xi32, #tpu.memory_space<vmem>> -> memref<32xi32, #tpu.memory_space<vmem>>
          %dma_start3A_209 = arith.constant 0 : i32
          %dma_start3A_210 = arith.constant 0 : i32
          %dma_start3A_211 = tpu.memref_slice %arg2[%dma_start3A_209, %dma_start3A_210] : memref<10112x128xf32, #tpu.memory_space<hbm>> -> memref<10112x128xf32, #tpu.memory_space<hbm>>
          tpu.enqueue_indirect_dma source(%dma_start3A_211 : memref<10112x128xf32, #tpu.memory_space<hbm>>) target(%dma_start3A_205 : memref<32x128xf32, #tpu.memory_space<vmem>>) offsets(%dma_start3A_208 : memref<32xi32, #tpu.memory_space<vmem>>) semaphore(%arg12 : memref<!tpu.dma_semaphore, #tpu.memory_space<semaphore_mem>>)
          %dma_start3A_212 = arith.constant 96 : i32
          %dma_start3A_213 = arith.constant 0 : i32
          %dma_start3A_214 = tpu.memref_slice %arg9[%dma_start3A_212, %dma_start3A_213] : memref<128x128xf32, #tpu.memory_space<vmem>> -> memref<32x128xf32, #tpu.memory_space<vmem>>
          %dma_start3A_215 = arith.constant 96 : i32
          %dma_start3A_216 = tpu.memref_slice %arg7[%add3A_184, %dma_start3A_215] : memref<40x128xi32, #tpu.memory_space<vmem>> -> memref<1x32xi32, #tpu.memory_space<vmem>>
          %dma_start3A_217 = tpu.memref_squeeze %dma_start3A_216 : memref<1x32xi32, #tpu.memory_space<vmem>> -> memref<32xi32, #tpu.memory_space<vmem>>
          %dma_start3A_218 = arith.constant 0 : i32
          %dma_start3A_219 = arith.constant 0 : i32
          %dma_start3A_220 = tpu.memref_slice %arg2[%dma_start3A_218, %dma_start3A_219] : memref<10112x128xf32, #tpu.memory_space<hbm>> -> memref<10112x128xf32, #tpu.memory_space<hbm>>
          tpu.enqueue_indirect_dma source(%dma_start3A_220 : memref<10112x128xf32, #tpu.memory_space<hbm>>) target(%dma_start3A_214 : memref<32x128xf32, #tpu.memory_space<vmem>>) offsets(%dma_start3A_217 : memref<32xi32, #tpu.memory_space<vmem>>) semaphore(%arg12 : memref<!tpu.dma_semaphore, #tpu.memory_space<semaphore_mem>>)
        } else {
        }
        %add3A_143 = arith.constant 1 : i32
        %add3A_144 = arith.addi %mul3A_65, %add3A_143 : i32
        %dma_wait3A_145 = arith.constant 0 : i32
        %dma_wait3A_146 = arith.constant 0 : i32
        %dma_wait3A_147 = tpu.memref_slice %arg10[%dma_wait3A_145, %dma_wait3A_146] : memref<128x128xf32, #tpu.memory_space<vmem>> -> memref<32x128xf32, #tpu.memory_space<vmem>>
        %dma_wait3A_148 = arith.constant 0 : i32
        %dma_wait3A_149 = tpu.memref_slice %arg7[%add3A_144, %dma_wait3A_148] : memref<40x128xi32, #tpu.memory_space<vmem>> -> memref<1x32xi32, #tpu.memory_space<vmem>>
        %dma_wait3A_150 = tpu.memref_squeeze %dma_wait3A_149 : memref<1x32xi32, #tpu.memory_space<vmem>> -> memref<32xi32, #tpu.memory_space<vmem>>
        %dma_wait3A_151 = arith.constant 0 : i32
        %dma_wait3A_152 = arith.constant 0 : i32
        %dma_wait3A_153 = tpu.memref_slice %arg2[%dma_wait3A_151, %dma_wait3A_152] : memref<10112x128xf32, #tpu.memory_space<hbm>> -> memref<10112x128xf32, #tpu.memory_space<hbm>>
        tpu.wait_indirect_dma semaphore(%arg13 : memref<!tpu.dma_semaphore, #tpu.memory_space<semaphore_mem>>) src(%dma_wait3A_153 : memref<10112x128xf32, #tpu.memory_space<hbm>>) dst(%dma_wait3A_147 : memref<32x128xf32, #tpu.memory_space<vmem>>)
        %dma_wait3A_154 = arith.constant 32 : i32
        %dma_wait3A_155 = arith.constant 0 : i32
        %dma_wait3A_156 = tpu.memref_slice %arg10[%dma_wait3A_154, %dma_wait3A_155] : memref<128x128xf32, #tpu.memory_space<vmem>> -> memref<32x128xf32, #tpu.memory_space<vmem>>
        %dma_wait3A_157 = arith.constant 32 : i32
        %dma_wait3A_158 = tpu.memref_slice %arg7[%add3A_144, %dma_wait3A_157] : memref<40x128xi32, #tpu.memory_space<vmem>> -> memref<1x32xi32, #tpu.memory_space<vmem>>
        %dma_wait3A_159 = tpu.memref_squeeze %dma_wait3A_158 : memref<1x32xi32, #tpu.memory_space<vmem>> -> memref<32xi32, #tpu.memory_space<vmem>>
        %dma_wait3A_160 = arith.constant 0 : i32
        %dma_wait3A_161 = arith.constant 0 : i32
        %dma_wait3A_162 = tpu.memref_slice %arg2[%dma_wait3A_160, %dma_wait3A_161] : memref<10112x128xf32, #tpu.memory_space<hbm>> -> memref<10112x128xf32, #tpu.memory_space<hbm>>
        tpu.wait_indirect_dma semaphore(%arg13 : memref<!tpu.dma_semaphore, #tpu.memory_space<semaphore_mem>>) src(%dma_wait3A_162 : memref<10112x128xf32, #tpu.memory_space<hbm>>) dst(%dma_wait3A_156 : memref<32x128xf32, #tpu.memory_space<vmem>>)
        %dma_wait3A_163 = arith.constant 64 : i32
        %dma_wait3A_164 = arith.constant 0 : i32
        %dma_wait3A_165 = tpu.memref_slice %arg10[%dma_wait3A_163, %dma_wait3A_164] : memref<128x128xf32, #tpu.memory_space<vmem>> -> memref<32x128xf32, #tpu.memory_space<vmem>>
        %dma_wait3A_166 = arith.constant 64 : i32
        %dma_wait3A_167 = tpu.memref_slice %arg7[%add3A_144, %dma_wait3A_166] : memref<40x128xi32, #tpu.memory_space<vmem>> -> memref<1x32xi32, #tpu.memory_space<vmem>>
        %dma_wait3A_168 = tpu.memref_squeeze %dma_wait3A_167 : memref<1x32xi32, #tpu.memory_space<vmem>> -> memref<32xi32, #tpu.memory_space<vmem>>
        %dma_wait3A_169 = arith.constant 0 : i32
        %dma_wait3A_170 = arith.constant 0 : i32
        %dma_wait3A_171 = tpu.memref_slice %arg2[%dma_wait3A_169, %dma_wait3A_170] : memref<10112x128xf32, #tpu.memory_space<hbm>> -> memref<10112x128xf32, #tpu.memory_space<hbm>>
        tpu.wait_indirect_dma semaphore(%arg13 : memref<!tpu.dma_semaphore, #tpu.memory_space<semaphore_mem>>) src(%dma_wait3A_171 : memref<10112x128xf32, #tpu.memory_space<hbm>>) dst(%dma_wait3A_165 : memref<32x128xf32, #tpu.memory_space<vmem>>)
        %dma_wait3A_172 = arith.constant 96 : i32
        %dma_wait3A_173 = arith.constant 0 : i32
        %dma_wait3A_174 = tpu.memref_slice %arg10[%dma_wait3A_172, %dma_wait3A_173] : memref<128x128xf32, #tpu.memory_space<vmem>> -> memref<32x128xf32, #tpu.memory_space<vmem>>
        %dma_wait3A_175 = arith.constant 96 : i32
        %dma_wait3A_176 = tpu.memref_slice %arg7[%add3A_144, %dma_wait3A_175] : memref<40x128xi32, #tpu.memory_space<vmem>> -> memref<1x32xi32, #tpu.memory_space<vmem>>
        %dma_wait3A_177 = tpu.memref_squeeze %dma_wait3A_176 : memref<1x32xi32, #tpu.memory_space<vmem>> -> memref<32xi32, #tpu.memory_space<vmem>>
        %dma_wait3A_178 = arith.constant 0 : i32
        %dma_wait3A_179 = arith.constant 0 : i32
        %dma_wait3A_180 = tpu.memref_slice %arg2[%dma_wait3A_178, %dma_wait3A_179] : memref<10112x128xf32, #tpu.memory_space<hbm>> -> memref<10112x128xf32, #tpu.memory_space<hbm>>
        tpu.wait_indirect_dma semaphore(%arg13 : memref<!tpu.dma_semaphore, #tpu.memory_space<semaphore_mem>>) src(%dma_wait3A_180 : memref<10112x128xf32, #tpu.memory_space<hbm>>) dst(%dma_wait3A_174 : memref<32x128xf32, #tpu.memory_space<vmem>>)
        %add3A_181 = arith.constant 1 : i32
        %add3A_182 = arith.addi %mul3A_65, %add3A_181 : i32
        "tpu.region"() ({
          %run_scoped3A = tpu.sem_alloc : memref<!tpu.dma_semaphore, #tpu.memory_space<semaphore_mem>>
          %dma_start3A_183 = arith.constant 0 : i32
          %dma_start3A_184 = tpu.memref_slice %arg8[%add3A_182, %dma_start3A_183] : memref<40x128xi32, #tpu.memory_space<vmem>> -> memref<1x128xi32, #tpu.memory_space<vmem>>
          %dma_start3A_185 = tpu.memref_squeeze %dma_start3A_184 : memref<1x128xi32, #tpu.memory_space<vmem>> -> memref<128xi32, #tpu.memory_space<vmem>>
          %dma_start3A_186 = arith.constant 0 : i32
          %dma_start3A_187 = arith.constant 0 : i32
          %dma_start3A_188 = tpu.memref_slice %arg11[%dma_start3A_186, %dma_start3A_187] : memref<10112x128xf32, #tpu.memory_space<vmem_shared>> -> memref<10112x128xf32, #tpu.memory_space<vmem_shared>>
          tpu.enqueue_indirect_dma source(%arg10 : memref<128x128xf32, #tpu.memory_space<vmem>>) target(%dma_start3A_188 : memref<10112x128xf32, #tpu.memory_space<vmem_shared>>) offsets(%dma_start3A_185 : memref<128xi32, #tpu.memory_space<vmem>>) semaphore(%run_scoped3A : memref<!tpu.dma_semaphore, #tpu.memory_space<semaphore_mem>>) {add = true}
          %dma_wait3A_189 = arith.constant 0 : i32
          %dma_wait3A_190 = tpu.memref_slice %arg8[%add3A_182, %dma_wait3A_189] : memref<40x128xi32, #tpu.memory_space<vmem>> -> memref<1x128xi32, #tpu.memory_space<vmem>>
          %dma_wait3A_191 = tpu.memref_squeeze %dma_wait3A_190 : memref<1x128xi32, #tpu.memory_space<vmem>> -> memref<128xi32, #tpu.memory_space<vmem>>
          %dma_wait3A_192 = arith.constant 0 : i32
          %dma_wait3A_193 = arith.constant 0 : i32
          %dma_wait3A_194 = tpu.memref_slice %arg11[%dma_wait3A_192, %dma_wait3A_193] : memref<10112x128xf32, #tpu.memory_space<vmem_shared>> -> memref<10112x128xf32, #tpu.memory_space<vmem_shared>>
          tpu.wait_indirect_dma semaphore(%run_scoped3A : memref<!tpu.dma_semaphore, #tpu.memory_space<semaphore_mem>>) src(%arg10 : memref<128x128xf32, #tpu.memory_space<vmem>>) dst(%dma_wait3A_194 : memref<10112x128xf32, #tpu.memory_space<vmem_shared>>)
          tpu.yield
        }) : () -> ()
      }
      %scan3A_62 = arith.constant 20 : i32
    }
    %scan3A_7 = arith.constant 2 : i32
    %barrier3A_8 = arith.constant 0 : index
    tpu.barrier barrier_id(%barrier3A_8)
    %mul3A_9 = arith.constant 632 : i32
    %mul3A_10 = arith.muli %arg1, %mul3A_9 : i32
    %mul3A_11 = arith.constant 632 : i32
    %mul3A_12 = arith.muli %arg1, %mul3A_11 : i32
    "tpu.region"() ({
      %run_scoped3A = tpu.sem_alloc : memref<!tpu.dma_semaphore, #tpu.memory_space<semaphore_mem>>
      %dma_start3A = arith.constant 0 : i32
      %dma_start3A_13 = arith.constant 0 : i32
      %dma_start3A_14 = tpu.memref_slice %arg6[%arg0, %dma_start3A, %dma_start3A_13] : memref<2x10112x128xf32, #tpu.memory_space<hbm>> -> memref<1x10112x128xf32, #tpu.memory_space<hbm>>
      %dma_start3A_15 = tpu.memref_squeeze %dma_start3A_14 : memref<1x10112x128xf32, #tpu.memory_space<hbm>> -> memref<10112x128xf32, #tpu.memory_space<hbm>>
      %dma_start3A_16 = arith.constant 0 : i32
      %dma_start3A_17 = tpu.memref_slice %dma_start3A_15[%mul3A_12, %dma_start3A_16] : memref<10112x128xf32, #tpu.memory_space<hbm>> -> memref<632x128xf32, #tpu.memory_space<hbm>>
      %dma_start3A_18 = arith.constant 0 : i32
      %dma_start3A_19 = tpu.memref_slice %arg11[%mul3A_10, %dma_start3A_18] : memref<10112x128xf32, #tpu.memory_space<vmem_shared>> -> memref<632x128xf32, #tpu.memory_space<vmem_shared>>
      tpu.enqueue_dma source(%dma_start3A_19 : memref<632x128xf32, #tpu.memory_space<vmem_shared>>) target(%dma_start3A_17 : memref<632x128xf32, #tpu.memory_space<hbm>>) target_semaphore(%run_scoped3A : memref<!tpu.dma_semaphore, #tpu.memory_space<semaphore_mem>>)
      %dma_wait3A = arith.constant 0 : i32
      %dma_wait3A_20 = arith.constant 0 : i32
      %dma_wait3A_21 = tpu.memref_slice %arg6[%arg0, %dma_wait3A, %dma_wait3A_20] : memref<2x10112x128xf32, #tpu.memory_space<hbm>> -> memref<1x10112x128xf32, #tpu.memory_space<hbm>>
      %dma_wait3A_22 = tpu.memref_squeeze %dma_wait3A_21 : memref<1x10112x128xf32, #tpu.memory_space<hbm>> -> memref<10112x128xf32, #tpu.memory_space<hbm>>
      %dma_wait3A_23 = arith.constant 0 : i32
      %dma_wait3A_24 = tpu.memref_slice %dma_wait3A_22[%mul3A_12, %dma_wait3A_23] : memref<10112x128xf32, #tpu.memory_space<hbm>> -> memref<632x128xf32, #tpu.memory_space<hbm>>
      %dma_wait3A_25 = arith.constant 0 : i32
      %dma_wait3A_26 = tpu.memref_slice %arg11[%mul3A_10, %dma_wait3A_25] : memref<10112x128xf32, #tpu.memory_space<vmem_shared>> -> memref<632x128xf32, #tpu.memory_space<vmem_shared>>
      tpu.wait_dma2 semaphore(%run_scoped3A : memref<!tpu.dma_semaphore, #tpu.memory_space<semaphore_mem>>) src(%dma_wait3A_26 : memref<632x128xf32, #tpu.memory_space<vmem_shared>>) dst(%dma_wait3A_24 : memref<632x128xf32, #tpu.memory_space<hbm>>)
      tpu.yield
    }) : () -> ()
    return
  }
}

module attributes {stable_mosaic.version = 14 : i64} {
  func.func @body(%arg0: i32, %arg1: memref<2528x128xf32, #tpu.memory_space<vmem>>, %arg2: memref<128x128xf32, #tpu.memory_space<vmem>>, %arg3: memref<2528x128xf32, #tpu.memory_space<vmem>>) attributes {dimension_semantics = [#tpu.dimension_semantics<arbitrary>], iteration_bounds = array<i64: 4>, scalar_prefetch = 0 : i64, scratch_operands = 0 : i64, tpu.core_type = #tpu.core_type<tc>, window_params = [{transform_indices = @transform_0, window_bounds = array<i64: 2528, 128>}, {pipeline_mode = #tpu.pipeline_mode<synchronous>, transform_indices = @transform_1, window_bounds = array<i64: 128, 128>}, {transform_indices = @transform_2, window_bounds = array<i64: 2528, 128>}]} {
    %get3A = arith.constant 0 : index
    %get3A_0 = arith.constant 0 : index
    %get3A_1 = vector.load %arg1[%get3A, %get3A_0] : memref<2528x128xf32, #tpu.memory_space<vmem>>, vector<2528x128xf32>
    %get3A_2 = arith.constant 0 : index
    %get3A_3 = arith.constant 0 : index
    %get3A_4 = vector.load %arg2[%get3A_2, %get3A_3] : memref<128x128xf32, #tpu.memory_space<vmem>>, vector<128x128xf32>
    %dot_general3A = arith.constant dense<0.000000e+00> : vector<2528x128xf32>
    %dot_general3A_5 = tpu.matmul %get3A_1, %get3A_4, %dot_general3A {dimension_numbers = #tpu.dot_dimension_numbers<[1], [0], [0], [1], [0, 0, 1, 1], [], []>, transpose_lhs_hint = false} : vector<2528x128xf32>, vector<128x128xf32>, vector<2528x128xf32> -> vector<2528x128xf32>
    %swap3A = arith.constant 0 : index
    %swap3A_6 = arith.constant 0 : index
    %swap3A_7 = vector.load %arg3[%swap3A, %swap3A_6] : memref<2528x128xf32, #tpu.memory_space<vmem>>, vector<2528x128xf32>
    tpu.vector_store %arg3[%swap3A, %swap3A_6], %dot_general3A_5 {strides = array<i32>} : memref<2528x128xf32, #tpu.memory_space<vmem>>, vector<2528x128xf32>,
    return
  }
  func.func @transform_0(%arg0: i32) -> (i32, i32) {
    %c0_i32 = arith.constant 0 : i32
    %c0_i32_0 = arith.constant 0 : i32
    return %arg0, %c0_i32 : i32, i32
  }
  func.func @transform_1(%arg0: i32) -> (i32, i32) {
    %c0_i32 = arith.constant 0 : i32
    %c0_i32_0 = arith.constant 0 : i32
    %c0_i32_1 = arith.constant 0 : i32
    return %c0_i32, %c0_i32_0 : i32, i32
  }
  func.func @transform_2(%arg0: i32) -> (i32, i32) {
    %c0_i32 = arith.constant 0 : i32
    %c0_i32_0 = arith.constant 0 : i32
    return %arg0, %c0_i32 : i32, i32
  }
}

module attributes {stable_mosaic.version = 14 : i64} {
  func.func @body(%arg0: i32, %arg1: memref<2x2528x128xf32, #tpu.memory_space<vmem>>, %arg2: memref<2528x128xf32, #tpu.memory_space<vmem>>, %arg3: memref<2528x16xf32, #tpu.memory_space<vmem>>, %arg4: memref<2528x128xf32, #tpu.memory_space<vmem>>) attributes {dimension_semantics = [#tpu.dimension_semantics<arbitrary>], iteration_bounds = array<i64: 4>, scalar_prefetch = 0 : i64, scratch_operands = 0 : i64, tpu.core_type = #tpu.core_type<tc>, window_params = [{transform_indices = @transform_0, window_bounds = array<i64: 2, 2528, 128>}, {transform_indices = @transform_1, window_bounds = array<i64: 2528, 128>}, {transform_indices = @transform_2, window_bounds = array<i64: 2528, 16>}, {transform_indices = @transform_3, window_bounds = array<i64: 2528, 128>}]} {
    %get3A = arith.constant 0 : index
    %get3A_0 = arith.constant 0 : index
    %get3A_1 = arith.constant 0 : index
    %get3A_2 = vector.load %arg1[%get3A, %get3A_0, %get3A_1] : memref<2x2528x128xf32, #tpu.memory_space<vmem>>, vector<1x2528x1xf32>
    %get3A_3 = vector.shape_cast %get3A_2 : vector<1x2528x1xf32> to vector<2528x1xf32>
    %get3A_4 = arith.constant 1 : index
    %get3A_5 = arith.constant 0 : index
    %get3A_6 = arith.constant 0 : index
    %get3A_7 = vector.load %arg1[%get3A_4, %get3A_5, %get3A_6] : memref<2x2528x128xf32, #tpu.memory_space<vmem>>, vector<1x2528x1xf32>
    %get3A_8 = vector.shape_cast %get3A_7 : vector<1x2528x1xf32> to vector<2528x1xf32>
    %add3A = arith.addf %get3A_3, %get3A_8 : vector<2528x1xf32>
    %add3A_9 = arith.constant 1.000000e+00 : f32
    %add3A_10 = vector.broadcast %add3A_9 : f32 to vector<2528x1xf32>
    %add3A_11 = arith.addf %add3A, %add3A_10 : vector<2528x1xf32>
    %rsqrt3A = math.rsqrt %add3A_11 : vector<2528x1xf32>
    %broadcast_in_dim3A = vector.shape_cast %rsqrt3A : vector<2528x1xf32> to vector<2528x1xf32>
    %broadcast_in_dim3A_12 = vector.broadcast %broadcast_in_dim3A : vector<2528x1xf32> to vector<2528x16xf32>
    %swap3A = arith.constant 0 : index
    %swap3A_13 = arith.constant 0 : index
    %swap3A_14 = vector.load %arg3[%swap3A, %swap3A_13] : memref<2528x16xf32, #tpu.memory_space<vmem>>, vector<2528x16xf32>
    tpu.vector_store %arg3[%swap3A, %swap3A_13], %broadcast_in_dim3A_12 {strides = array<i32>} : memref<2528x16xf32, #tpu.memory_space<vmem>>, vector<2528x16xf32>,
    %get3A_15 = arith.constant 0 : index
    %get3A_16 = arith.constant 0 : index
    %get3A_17 = vector.load %arg2[%get3A_15, %get3A_16] : memref<2528x128xf32, #tpu.memory_space<vmem>>, vector<2528x128xf32>
    %mul3A = vector.broadcast %rsqrt3A : vector<2528x1xf32> to vector<2528x128xf32>
    %mul3A_18 = arith.mulf %mul3A, %get3A_17 : vector<2528x128xf32>
    %swap3A_19 = arith.constant 0 : index
    %swap3A_20 = arith.constant 0 : index
    %swap3A_21 = vector.load %arg4[%swap3A_19, %swap3A_20] : memref<2528x128xf32, #tpu.memory_space<vmem>>, vector<2528x128xf32>
    tpu.vector_store %arg4[%swap3A_19, %swap3A_20], %mul3A_18 {strides = array<i32>} : memref<2528x128xf32, #tpu.memory_space<vmem>>, vector<2528x128xf32>,
    return
  }
  func.func @transform_0(%arg0: i32) -> (i32, i32, i32) {
    %c0_i32 = arith.constant 0 : i32
    %c0_i32_0 = arith.constant 0 : i32
    %c0_i32_1 = arith.constant 0 : i32
    return %c0_i32, %arg0, %c0_i32_0 : i32, i32, i32
  }
  func.func @transform_1(%arg0: i32) -> (i32, i32) {
    %c0_i32 = arith.constant 0 : i32
    %c0_i32_0 = arith.constant 0 : i32
    return %arg0, %c0_i32 : i32, i32
  }
  func.func @transform_2(%arg0: i32) -> (i32, i32) {
    %c0_i32 = arith.constant 0 : i32
    %c0_i32_0 = arith.constant 0 : i32
    return %arg0, %c0_i32 : i32, i32
  }
  func.func @transform_3(%arg0: i32) -> (i32, i32) {
    %c0_i32 = arith.constant 0 : i32
    %c0_i32_0 = arith.constant 0 : i32
    return %arg0, %c0_i32 : i32, i32
  }
}

module attributes {stable_mosaic.version = 14 : i64} {
  func.func @body(%arg0: i32, %arg1: memref<2x2528x128xf32, #tpu.memory_space<vmem>>, %arg2: memref<2528x128xf32, #tpu.memory_space<vmem>>, %arg3: memref<2528x16xf32, #tpu.memory_space<vmem>>, %arg4: memref<1x128xf32, #tpu.memory_space<vmem>>, %arg5: memref<128x128xf32, #tpu.memory_space<vmem>>, %arg6: memref<2528x128xf32, #tpu.memory_space<vmem>>) attributes {dimension_semantics = [#tpu.dimension_semantics<arbitrary>], iteration_bounds = array<i64: 4>, scalar_prefetch = 0 : i64, scratch_operands = 0 : i64, tpu.core_type = #tpu.core_type<tc>, window_params = [{transform_indices = @transform_0, window_bounds = array<i64: 2, 2528, 128>}, {transform_indices = @transform_1, window_bounds = array<i64: 2528, 128>}, {transform_indices = @transform_2, window_bounds = array<i64: 2528, 16>}, {pipeline_mode = #tpu.pipeline_mode<synchronous>, transform_indices = @transform_3, window_bounds = array<i64: 1, 128>}, {pipeline_mode = #tpu.pipeline_mode<synchronous>, transform_indices = @transform_4, window_bounds = array<i64: 128, 128>}, {transform_indices = @transform_5, window_bounds = array<i64: 2528, 128>}]} {
    %get3A = arith.constant 0 : index
    %get3A_0 = arith.constant 0 : index
    %get3A_1 = vector.load %arg3[%get3A, %get3A_0] : memref<2528x16xf32, #tpu.memory_space<vmem>>, vector<2528x1xf32>
    %get3A_2 = arith.constant 0 : index
    %get3A_3 = arith.constant 0 : index
    %get3A_4 = arith.constant 0 : index
    %get3A_5 = vector.load %arg1[%get3A_2, %get3A_3, %get3A_4] : memref<2x2528x128xf32, #tpu.memory_space<vmem>>, vector<1x2528x128xf32>
    %get3A_6 = vector.shape_cast %get3A_5 : vector<1x2528x128xf32> to vector<2528x128xf32>
    %get3A_7 = arith.constant 1 : index
    %get3A_8 = arith.constant 0 : index
    %get3A_9 = arith.constant 0 : index
    %get3A_10 = vector.load %arg1[%get3A_7, %get3A_8, %get3A_9] : memref<2x2528x128xf32, #tpu.memory_space<vmem>>, vector<1x2528x128xf32>
    %get3A_11 = vector.shape_cast %get3A_10 : vector<1x2528x128xf32> to vector<2528x128xf32>
    %add3A = arith.addf %get3A_6, %get3A_11 : vector<2528x128xf32>
    %get3A_12 = arith.constant 0 : index
    %get3A_13 = arith.constant 0 : index
    %get3A_14 = vector.load %arg2[%get3A_12, %get3A_13] : memref<2528x128xf32, #tpu.memory_space<vmem>>, vector<2528x128xf32>
    %add3A_15 = arith.addf %add3A, %get3A_14 : vector<2528x128xf32>
    %mul3A = vector.broadcast %get3A_1 : vector<2528x1xf32> to vector<2528x128xf32>
    %mul3A_16 = arith.mulf %mul3A, %add3A_15 : vector<2528x128xf32>
    %get3A_17 = arith.constant 0 : index
    %get3A_18 = arith.constant 0 : index
    %get3A_19 = vector.load %arg4[%get3A_17, %get3A_18] : memref<1x128xf32, #tpu.memory_space<vmem>>, vector<1x128xf32>
    %add3A_20 = vector.broadcast %get3A_19 : vector<1x128xf32> to vector<2528x128xf32>
    %add3A_21 = arith.addf %mul3A_16, %add3A_20 : vector<2528x128xf32>
    %get3A_22 = arith.constant 0 : index
    %get3A_23 = arith.constant 0 : index
    %get3A_24 = vector.load %arg5[%get3A_22, %get3A_23] : memref<128x128xf32, #tpu.memory_space<vmem>>, vector<128x128xf32>
    %dot_general3A = arith.constant dense<0.000000e+00> : vector<2528x128xf32>
    %dot_general3A_25 = tpu.matmul %add3A_21, %get3A_24, %dot_general3A {dimension_numbers = #tpu.dot_dimension_numbers<[1], [0], [0], [1], [0, 0, 1, 1], [], []>, transpose_lhs_hint = false} : vector<2528x128xf32>, vector<128x128xf32>, vector<2528x128xf32> -> vector<2528x128xf32>
    %mul3A_26 = vector.broadcast %get3A_1 : vector<2528x1xf32> to vector<2528x128xf32>
    %mul3A_27 = arith.mulf %mul3A_26, %dot_general3A_25 : vector<2528x128xf32>
    %swap3A = arith.constant 0 : index
    %swap3A_28 = arith.constant 0 : index
    %swap3A_29 = vector.load %arg6[%swap3A, %swap3A_28] : memref<2528x128xf32, #tpu.memory_space<vmem>>, vector<2528x128xf32>
    tpu.vector_store %arg6[%swap3A, %swap3A_28], %mul3A_27 {strides = array<i32>} : memref<2528x128xf32, #tpu.memory_space<vmem>>, vector<2528x128xf32>,
    return
  }
  func.func @transform_0(%arg0: i32) -> (i32, i32, i32) {
    %c0_i32 = arith.constant 0 : i32
    %c0_i32_0 = arith.constant 0 : i32
    %c0_i32_1 = arith.constant 0 : i32
    return %c0_i32, %arg0, %c0_i32_0 : i32, i32, i32
  }
  func.func @transform_1(%arg0: i32) -> (i32, i32) {
    %c0_i32 = arith.constant 0 : i32
    %c0_i32_0 = arith.constant 0 : i32
    return %arg0, %c0_i32 : i32, i32
  }
  func.func @transform_2(%arg0: i32) -> (i32, i32) {
    %c0_i32 = arith.constant 0 : i32
    %c0_i32_0 = arith.constant 0 : i32
    return %arg0, %c0_i32 : i32, i32
  }
  func.func @transform_3(%arg0: i32) -> (i32, i32) {
    %c0_i32 = arith.constant 0 : i32
    %c0_i32_0 = arith.constant 0 : i32
    %c0_i32_1 = arith.constant 0 : i32
    return %c0_i32, %c0_i32_0 : i32, i32
  }
  func.func @transform_4(%arg0: i32) -> (i32, i32) {
    %c0_i32 = arith.constant 0 : i32
    %c0_i32_0 = arith.constant 0 : i32
    %c0_i32_1 = arith.constant 0 : i32
    return %c0_i32, %c0_i32_0 : i32, i32
  }
  func.func @transform_5(%arg0: i32) -> (i32, i32) {
    %c0_i32 = arith.constant 0 : i32
    %c0_i32_0 = arith.constant 0 : i32
    return %arg0, %c0_i32 : i32, i32
  }
}

module attributes {stable_mosaic.version = 14 : i64} {
  func.func @body(%arg0: i32, %arg1: memref<2x2000x128xf32, #tpu.memory_space<vmem>>, %arg2: memref<2000x128xf32, #tpu.memory_space<vmem>>, %arg3: memref<2000x16xf32, #tpu.memory_space<vmem>>, %arg4: memref<1x128xf32, #tpu.memory_space<vmem>>, %arg5: memref<128x128xf32, #tpu.memory_space<vmem>>, %arg6: memref<1x128xf32, #tpu.memory_space<vmem>>, %arg7: memref<128x64xf32, #tpu.memory_space<vmem>>, %arg8: memref<1x64xf32, #tpu.memory_space<vmem>>, %arg9: memref<2000x128xf32, #tpu.memory_space<vmem>>, %arg10: memref<2000x64xf32, #tpu.memory_space<vmem>>) attributes {dimension_semantics = [#tpu.dimension_semantics<arbitrary>], iteration_bounds = array<i64: 5>, scalar_prefetch = 0 : i64, scratch_operands = 0 : i64, tpu.core_type = #tpu.core_type<tc>, window_params = [{transform_indices = @transform_0, window_bounds = array<i64: 2, 2000, 128>}, {transform_indices = @transform_1, window_bounds = array<i64: 2000, 128>}, {transform_indices = @transform_2, window_bounds = array<i64: 2000, 16>}, {pipeline_mode = #tpu.pipeline_mode<synchronous>, transform_indices = @transform_3, window_bounds = array<i64: 1, 128>}, {pipeline_mode = #tpu.pipeline_mode<synchronous>, transform_indices = @transform_4, window_bounds = array<i64: 128, 128>}, {pipeline_mode = #tpu.pipeline_mode<synchronous>, transform_indices = @transform_5, window_bounds = array<i64: 1, 128>}, {pipeline_mode = #tpu.pipeline_mode<synchronous>, transform_indices = @transform_6, window_bounds = array<i64: 128, 64>}, {pipeline_mode = #tpu.pipeline_mode<synchronous>, transform_indices = @transform_7, window_bounds = array<i64: 1, 64>}, {transform_indices = @transform_8, window_bounds = array<i64: 2000, 128>}, {transform_indices = @transform_9, window_bounds = array<i64: 2000, 64>}]} {
    %get3A = arith.constant 0 : index
    %get3A_0 = arith.constant 0 : index
    %get3A_1 = vector.load %arg3[%get3A, %get3A_0] : memref<2000x16xf32, #tpu.memory_space<vmem>>, vector<2000x1xf32>
    %get3A_2 = arith.constant 0 : index
    %get3A_3 = arith.constant 0 : index
    %get3A_4 = arith.constant 0 : index
    %get3A_5 = vector.load %arg1[%get3A_2, %get3A_3, %get3A_4] : memref<2x2000x128xf32, #tpu.memory_space<vmem>>, vector<1x2000x128xf32>
    %get3A_6 = vector.shape_cast %get3A_5 : vector<1x2000x128xf32> to vector<2000x128xf32>
    %get3A_7 = arith.constant 1 : index
    %get3A_8 = arith.constant 0 : index
    %get3A_9 = arith.constant 0 : index
    %get3A_10 = vector.load %arg1[%get3A_7, %get3A_8, %get3A_9] : memref<2x2000x128xf32, #tpu.memory_space<vmem>>, vector<1x2000x128xf32>
    %get3A_11 = vector.shape_cast %get3A_10 : vector<1x2000x128xf32> to vector<2000x128xf32>
    %add3A = arith.addf %get3A_6, %get3A_11 : vector<2000x128xf32>
    %get3A_12 = arith.constant 0 : index
    %get3A_13 = arith.constant 0 : index
    %get3A_14 = vector.load %arg2[%get3A_12, %get3A_13] : memref<2000x128xf32, #tpu.memory_space<vmem>>, vector<2000x128xf32>
    %add3A_15 = arith.addf %add3A, %get3A_14 : vector<2000x128xf32>
    %mul3A = vector.broadcast %get3A_1 : vector<2000x1xf32> to vector<2000x128xf32>
    %mul3A_16 = arith.mulf %mul3A, %add3A_15 : vector<2000x128xf32>
    %get3A_17 = arith.constant 0 : index
    %get3A_18 = arith.constant 0 : index
    %get3A_19 = vector.load %arg4[%get3A_17, %get3A_18] : memref<1x128xf32, #tpu.memory_space<vmem>>, vector<1x128xf32>
    %add3A_20 = vector.broadcast %get3A_19 : vector<1x128xf32> to vector<2000x128xf32>
    %add3A_21 = arith.addf %mul3A_16, %add3A_20 : vector<2000x128xf32>
    %swap3A = arith.constant 0 : index
    %swap3A_22 = arith.constant 0 : index
    %swap3A_23 = vector.load %arg9[%swap3A, %swap3A_22] : memref<2000x128xf32, #tpu.memory_space<vmem>>, vector<2000x128xf32>
    tpu.vector_store %arg9[%swap3A, %swap3A_22], %add3A_21 {strides = array<i32>} : memref<2000x128xf32, #tpu.memory_space<vmem>>, vector<2000x128xf32>,
    %get3A_24 = arith.constant 0 : index
    %get3A_25 = arith.constant 0 : index
    %get3A_26 = vector.load %arg5[%get3A_24, %get3A_25] : memref<128x128xf32, #tpu.memory_space<vmem>>, vector<128x128xf32>
    %dot_general3A = arith.constant dense<0.000000e+00> : vector<2000x128xf32>
    %dot_general3A_27 = tpu.matmul %add3A_21, %get3A_26, %dot_general3A {dimension_numbers = #tpu.dot_dimension_numbers<[1], [0], [0], [1], [0, 0, 1, 1], [], []>, transpose_lhs_hint = false} : vector<2000x128xf32>, vector<128x128xf32>, vector<2000x128xf32> -> vector<2000x128xf32>
    %get3A_28 = arith.constant 0 : index
    %get3A_29 = arith.constant 0 : index
    %get3A_30 = vector.load %arg6[%get3A_28, %get3A_29] : memref<1x128xf32, #tpu.memory_space<vmem>>, vector<1x128xf32>
    %add3A_31 = vector.broadcast %get3A_30 : vector<1x128xf32> to vector<2000x128xf32>
    %add3A_32 = arith.addf %dot_general3A_27, %add3A_31 : vector<2000x128xf32>
    %get3A_33 = arith.constant 0 : index
    %get3A_34 = arith.constant 0 : index
    %get3A_35 = vector.load %arg7[%get3A_33, %get3A_34] : memref<128x64xf32, #tpu.memory_space<vmem>>, vector<128x64xf32>
    %dot_general3A_36 = arith.constant dense<0.000000e+00> : vector<2000x64xf32>
    %dot_general3A_37 = tpu.matmul %add3A_32, %get3A_35, %dot_general3A_36 {dimension_numbers = #tpu.dot_dimension_numbers<[1], [0], [0], [1], [0, 0, 1, 1], [], []>, transpose_lhs_hint = false} : vector<2000x128xf32>, vector<128x64xf32>, vector<2000x64xf32> -> vector<2000x64xf32>
    %get3A_38 = arith.constant 0 : index
    %get3A_39 = arith.constant 0 : index
    %get3A_40 = vector.load %arg8[%get3A_38, %get3A_39] : memref<1x64xf32, #tpu.memory_space<vmem>>, vector<1x64xf32>
    %add3A_41 = vector.broadcast %get3A_40 : vector<1x64xf32> to vector<2000x64xf32>
    %add3A_42 = arith.addf %dot_general3A_37, %add3A_41 : vector<2000x64xf32>
    %reduce_max3A = arith.constant dense<0xFF800000> : vector<2000xf32>
    %reduce_max3A_43 = vector.multi_reduction <maximumf>, %add3A_42, %reduce_max3A [1] : vector<2000x64xf32> to vector<2000xf32>
    %broadcast_in_dim3A = vector.shape_cast %reduce_max3A_43 : vector<2000xf32> to vector<2000x1xf32>
    %sub3A = vector.broadcast %broadcast_in_dim3A : vector<2000x1xf32> to vector<2000x64xf32>
    %sub3A_44 = arith.subf %add3A_42, %sub3A : vector<2000x64xf32>
    %exp3A = math.exp %sub3A_44 : vector<2000x64xf32>
    %reduce_sum3A = arith.constant dense<0.000000e+00> : vector<2000xf32>
    %reduce_sum3A_45 = vector.multi_reduction <add>, %exp3A, %reduce_sum3A [1] : vector<2000x64xf32> to vector<2000xf32>
    %broadcast_in_dim3A_46 = vector.shape_cast %reduce_sum3A_45 : vector<2000xf32> to vector<2000x1xf32>
    %log3A = math.log %broadcast_in_dim3A_46 : vector<2000x1xf32>
    %sub3A_47 = vector.broadcast %log3A : vector<2000x1xf32> to vector<2000x64xf32>
    %sub3A_48 = arith.subf %sub3A_44, %sub3A_47 : vector<2000x64xf32>
    %swap3A_49 = arith.constant 0 : index
    %swap3A_50 = arith.constant 0 : index
    %swap3A_51 = vector.load %arg10[%swap3A_49, %swap3A_50] : memref<2000x64xf32, #tpu.memory_space<vmem>>, vector<2000x64xf32>
    tpu.vector_store %arg10[%swap3A_49, %swap3A_50], %sub3A_48 {strides = array<i32>} : memref<2000x64xf32, #tpu.memory_space<vmem>>, vector<2000x64xf32>,
    return
  }
  func.func @transform_0(%arg0: i32) -> (i32, i32, i32) {
    %c0_i32 = arith.constant 0 : i32
    %c0_i32_0 = arith.constant 0 : i32
    %c0_i32_1 = arith.constant 0 : i32
    return %c0_i32, %arg0, %c0_i32_0 : i32, i32, i32
  }
  func.func @transform_1(%arg0: i32) -> (i32, i32) {
    %c0_i32 = arith.constant 0 : i32
    %c0_i32_0 = arith.constant 0 : i32
    return %arg0, %c0_i32 : i32, i32
  }
  func.func @transform_2(%arg0: i32) -> (i32, i32) {
    %c0_i32 = arith.constant 0 : i32
    %c0_i32_0 = arith.constant 0 : i32
    return %arg0, %c0_i32 : i32, i32
  }
  func.func @transform_3(%arg0: i32) -> (i32, i32) {
    %c0_i32 = arith.constant 0 : i32
    %c0_i32_0 = arith.constant 0 : i32
    %c0_i32_1 = arith.constant 0 : i32
    return %c0_i32, %c0_i32_0 : i32, i32
  }
  func.func @transform_4(%arg0: i32) -> (i32, i32) {
    %c0_i32 = arith.constant 0 : i32
    %c0_i32_0 = arith.constant 0 : i32
    %c0_i32_1 = arith.constant 0 : i32
    return %c0_i32, %c0_i32_0 : i32, i32
  }
  func.func @transform_5(%arg0: i32) -> (i32, i32) {
    %c0_i32 = arith.constant 0 : i32
    %c0_i32_0 = arith.constant 0 : i32
    %c0_i32_1 = arith.constant 0 : i32
    return %c0_i32, %c0_i32_0 : i32, i32
  }
  func.func @transform_6(%arg0: i32) -> (i32, i32) {
    %c0_i32 = arith.constant 0 : i32
    %c0_i32_0 = arith.constant 0 : i32
    %c0_i32_1 = arith.constant 0 : i32
    return %c0_i32, %c0_i32_0 : i32, i32
  }
  func.func @transform_7(%arg0: i32) -> (i32, i32) {
    %c0_i32 = arith.constant 0 : i32
    %c0_i32_0 = arith.constant 0 : i32
    %c0_i32_1 = arith.constant 0 : i32
    return %c0_i32, %c0_i32_0 : i32, i32
  }
  func.func @transform_8(%arg0: i32) -> (i32, i32) {
    %c0_i32 = arith.constant 0 : i32
    %c0_i32_0 = arith.constant 0 : i32
    return %arg0, %c0_i32 : i32, i32
  }
  func.func @transform_9(%arg0: i32) -> (i32, i32) {
    %c0_i32 = arith.constant 0 : i32
    %c0_i32_0 = arith.constant 0 : i32
    return %arg0, %c0_i32 : i32, i32
  }
}

</mosaic_0001>

<sc_bundles>
// kernel: kernel.11.cloned.1.call-start
scs
__scs_entry_jumppad:
0x0: {  	(pc) =	sbr.rel $0x88, $3  }
0x1: {  	(tag) =	ssettag $0x0;
	lr =	simm.s32 $0x1  }
0x2: {  	[smem:$0x3F95] =	sst lr;
	_ =	strace $0xD0000000  }
0x3: {  	_ = 	snop  }
0x4: {  	_ = 	snop  }
0x5: {  	_ = 	snop  }
0x6: {  	_ = 	snop  }
0x7: {  	_ = 	snop  }
__scs_overlays_trampoline_lowered:
0x8: {  	[smem:$0x3FA4] =	sst s0  }
0x9: {  	[smem:$0x3FA5] =	sst s1  }
0xa: {  	[smem:$0x3FA6] =	sst s2  }
0xb: {  	[smem:$0x3FA7] =	sst s3  }
0xc: {  	[smem:$0x3FA8] =	sst s4  }
0xd: {  	[smem:$0x3FA9] =	sst s5  }
0xe: {  	[smem:$0x3FAA] =	sst s6  }
0xf: {  	[smem:$0x3FAB] =	sst s7  }
0x10: {  	[smem:$0x3FAC] =	sst s8  }
0x11: {  	[smem:$0x3FAD] =	sst s9;
	s0 =	simm.s32 @!p0 $0x0  }
0x12: {  	s1 =	sld [smem:$0x3F93];
	s0 =	simm.s32 @p0 $0x1  }
0x13: {  	[smem:$0x3FAE] =	sst s0;
	s0 =	simm.s32 @!p1 $0x0  }
0x14: {  	s2 =	sld [smem:$0x3F92];
	s0 =	simm.s32 @p1 $0x1  }
0x15: {  	[smem:$0x3FAF] =	sst s0;
	s0 =	simm.s32 @!p2 $0x0  }
0x16: {  	s3 =	sld [smem:$0x3FDB];
	s0 =	simm.s32 @p2 $0x1  }
0x17: {  	s4 =	simm.s32 $0x1BF5;
	[smem:$0x3FB1] =	sst s0  }
0x18: {  	s0 =	sld [smem:$0x3F94];
	_ =	swait.ge [sflag:s4], $0x0  }
0x19: {  	s7 =	sld [smem:$0x3F95]  }
0x1a: {  	s8 =	sadd.s32 $0xFFFFE003, lr  }
0x1b: {  	s9 =	sadd.s32 $0xFFFFFEF7, lr;
	s5 =	simm.s32 $0xFFFFFFFF;
	p2 =	slt.u32 s8, $0xFFFFF086  }
0x1c: {  	p1 =	slt.u32 s9, $0xF7A;
	s5 =	simm.s32 @!p2 $0x0  }
0x1d: {  	s5 =	simm.s32 @p1 $0x1;
	p0 =	seq.s32 s7, s2  }
0x1e: {  	s7 =	smul.u32 @!p0 $0xF7A, s2;
	p2 =	seq.s32 @!p0 s5, $0x0  }
0x1f: {  	s9 =	smul.u32 $0xF7A, s1;
	s8 =	simm.s32 @!p0 $0x1BF5;
	p2 =	por !p2, p0  }
0x20: {  	[sflag:s8] =	ssyncset.s32 @!p0 $0xFFFFF086;
	s6 =	sadd.s32 @!p0 s3, s7;
	s7 =	simm.s32 @!p0 $0x108  }
0x21: {  	s3 =	sadd.s32 s3, s9;
	s6 =	sadd.s32 @!p0 $0x88, s6;
	s7 =	simm.s32 @p2 $0x1082  }
0x22: {  	[simem:s7], [sflag:s8] =	dma.local @!p0 [hbm:s6], $0xF7A  }
0x23: {  	s9 =	sor.u32 $0xD0000000, s2;
	s6 =	simm.s32 $0x108;
	_ =	swait.ge @!p0 [sflag:s8], $0x0  }
0x24: {  	s3 =	sadd.s32 $0x88, s3;
	s6 =	simm.s32 @!p1 $0x1082;
	[sflag:s4] =	ssyncset.s32 $0xFFFFF086  }
0x25: {  	[simem:s6], [sflag:s4] =	dma.local [hbm:s3], $0xF7A  }
0x26: {  	[smem:$0x3F95] =	sst s1;
	(tag) =	ssettag s2;
	_ =	strace s9  }
0x27: {  	s1 =	sld [smem:$0x3FA5]  }
0x28: {  	s2 =	sld [smem:$0x3FA6]  }
0x29: {  	s4 =	sld [smem:$0x3FA8]  }
0x2a: {  	p0 =	seq.s32 s5, $0x0;
	s5 =	sld [smem:$0x3FA9]  }
0x2b: {  	s6 =	sld [smem:$0x3FAA]  }
0x2c: {  	s7 =	sld [smem:$0x3FAB]  }
0x2d: {  	s3 =	simm.s32 $0x108;
	s8 =	sld [smem:$0x3FAC]  }
0x2e: {  	s3 =	simm.s32 @!p0 $0x1082;
	s9 =	sld [smem:$0x3FAD]  }
0x2f: {  	lr =	sadd.s32 s0, s3;
	s0 =	sld [smem:$0x3FA4]  }
0x30: {  	s3 =	sld [smem:$0x3FA7]  }
0x31: {  	[smem:$0x3FB0] =	sst s10  }
0x32: {  	s10 =	sld [smem:$0x3FAE];
	_ =	sdelay $0x3  }
0x33: {  	p0 =	seq.s32 s10, $0x1;
	s10 =	sld [smem:$0x3FB0];
	_ =	sdelay $0x3  }
0x34: {  	[smem:$0x3FB0] =	sst s10  }
0x35: {  	s10 =	sld [smem:$0x3FAF];
	_ =	sdelay $0x3  }
0x36: {  	p1 =	seq.s32 s10, $0x1;
	s10 =	sld [smem:$0x3FB0];
	_ =	sdelay $0x3  }
0x37: {  	[smem:$0x3FB0] =	sst s10  }
0x38: {  	s10 =	sld [smem:$0x3FB1]  }
0x39: {  	_ = 	snop;
	(pc) =	sbr.ind lr, $3  }
0x3a: {  	_ = 	snop  }
0x3b: {  	_ = 	snop  }
0x3c: {  	p2 =	seq.s32 s10, $0x1;
	s10 =	sld [smem:$0x3FB0]  }
0x3d: {  	_ =	shalt  }
0x3e: {  	_ =	shalt  }
0x3f: {  	_ =	shalt  }
0x40: {  	_ =	shalt  }
0x41: {  	_ =	shalt  }
0x42: {  	_ =	shalt  }
0x43: {  	_ =	shalt  }
0x44: {  	_ =	shalt  }
0x45: {  	_ =	shalt  }
0x46: {  	_ =	shalt  }
0x47: {  	_ =	shalt  }
0x48: {  	_ =	shalt  }
0x49: {  	_ =	shalt  }
0x4a: {  	_ =	shalt  }
0x4b: {  	_ =	shalt  }
0x4c: {  	_ =	shalt  }
0x4d: {  	_ =	shalt  }
0x4e: {  	_ =	shalt  }
0x4f: {  	_ =	shalt  }
0x50: {  	_ =	shalt  }
0x51: {  	_ =	shalt  }
0x52: {  	_ =	shalt  }
0x53: {  	_ =	shalt  }
0x54: {  	_ =	shalt  }
0x55: {  	_ =	shalt  }
0x56: {  	_ =	shalt  }
0x57: {  	_ =	shalt  }
0x58: {  	_ =	shalt  }
0x59: {  	_ =	shalt  }
0x5a: {  	_ =	shalt  }
0x5b: {  	_ =	shalt  }
0x5c: {  	_ =	shalt  }
0x5d: {  	_ =	shalt  }
0x5e: {  	_ =	shalt  }
0x5f: {  	_ =	shalt  }
0x60: {  	_ =	shalt  }
0x61: {  	_ =	shalt  }
0x62: {  	_ =	shalt  }
0x63: {  	_ =	shalt  }
0x64: {  	_ =	shalt  }
0x65: {  	_ =	shalt  }
0x66: {  	_ =	shalt  }
0x67: {  	_ =	shalt  }
0x68: {  	_ =	shalt  }
0x69: {  	_ =	shalt  }
0x6a: {  	_ =	shalt  }
0x6b: {  	_ =	shalt  }
0x6c: {  	_ =	shalt  }
0x6d: {  	_ =	shalt  }
0x6e: {  	_ =	shalt  }
0x6f: {  	_ =	shalt  }
0x70: {  	_ =	shalt  }
0x71: {  	_ =	shalt  }
0x72: {  	_ =	shalt  }
0x73: {  	_ =	shalt  }
0x74: {  	_ =	shalt  }
0x75: {  	_ =	shalt  }
0x76: {  	_ =	shalt  }
0x77: {  	_ =	shalt  }
0x78: {  	_ =	shalt  }
0x79: {  	_ =	shalt  }
0x7a: {  	_ =	shalt  }
0x7b: {  	_ =	shalt  }
0x7c: {  	_ =	shalt  }
0x7d: {  	_ =	shalt  }
0x7e: {  	_ =	shalt  }
0x7f: {  	_ =	shalt  }
0x80: {  	_ =	shalt  }
0x81: {  	_ =	shalt  }
0x82: {  	_ =	shalt  }
0x83: {  	_ =	shalt  }
0x84: {  	_ =	shalt  }
0x85: {  	_ =	shalt  }
0x86: {  	_ =	shalt  }
0x87: {  	_ =	shalt  }
.Lfunc_end0:
.L_simem_size_0:
called_computation_lowered:
.L_overlay_start_0:
0x88: {  	s2 =	sld [smem:$0x3FD9]  }
0x89: {  	s3 =	sld [smem:$0x3FFE];
	_ =	sdelay $0x1  }
0x8a: {  	s1 =	srdreg.scid  }
0x8b: {  	s0 =	sand.u32 $0x1, s1  }
0x8c: {  	s14 =	sshll.u32 s0, $0xA;
	s2 =	sadd.s32 s3, s2  }
0x8d: {  	s2 =	sadd.s32 s2, s14  }
0x8e: {  	[smem:$0x3FBC] =	sst s2  }
0x8f: {  	_ = 	snop  }
0x90: {  	s2 =	sld [smem:$0x3FD0];
	_ =	sdelay $0x2  }
0x91: {  	s15 =	simm.s32 $0xA;
	s4 =	simm.s32 $0x10  }
0x92: {  	[smem:s4], [sflag:s15] =	dma.local [hbm:s2], $0x1  }
0x93: {  	_ =	swait.eq [sflag:s15], $0x1  }
0x94: {  	[sflag:s15] =	ssyncset.done $0x0  }
0x95: {  	[sflag:s15] =	ssyncadd.s32 $0xFFFFFFFF  }
0x96: {  	s16 =	sld [smem:$0x11];
	(tm) =	ssettm $0x1  }
0x97: {  	s17 =	sld [smem:$0x3FFB];
	_ =	sdelay $0x3  }
0x98: {  	_ =	strace s17  }
0x99: {  	s3 =	sld [smem:$0x3FFC];
	_ =	sdelay $0x3  }
0x9a: {  	_ =	strace s3  }
0x9b: {  	s3 =	sld [smem:$0x3FFD];
	_ =	sdelay $0x3  }
0x9c: {  	_ =	strace s3  }
0x9d: {  	_ =	strace $0x8FFFFFFF  }
0x9e: {  	s18 =	sld [smem:$0x3FDB];
	_ =	sdelay $0x1  }
0x9f: {  	s19 =	simm.s32 $_scs_section_size  }
0xa0: {  	s5 =	simm.s32 $_size__tile_overlayer_lowered;
	s6 =	simm.s32 $_tile_overlayer_lowered  }
0xa1: {  	s22 =	simm.s32 $0x1BFF;
	s21 =	sshll.u32 s6, $0x1;
	s3 =	sadd.s32 s19, s18  }
0xa2: {  	s7 =	simm.s32 $0x0;
	s20 =	sshll.u32 s5, $0x1;
	s5 =	sadd.s32 s21, s3  }
0xa3: {  	[timem:s7], [sflag:s22] =	dma.local [hbm:s5], s20  }
0xa4: {  	_ =	swait.ge [sflag:s22], s20  }
0xa5: {  	s4 =	ssub.s32 $0x0, s20;
	[sflag:s22] =	ssyncset.done $0x0  }
0xa6: {  	[sflag:s22] =	ssyncadd.s32 s4;
	_ =	sdelay $0x1  }
0xa7: {  	s23 =	simm.s32 $0x1B8B  }
0xa8: {  	_ =	swait.ge [sflag:s23], $0x1  }
0xa9: {  	[sflag:s23] =	ssyncset.done $0x0  }
0xaa: {  	s25 =	simm.s32 $0x1B8E;
	s24 =	sld [smem:$0x3FFE];
	[sflag:s23] =	ssyncadd.s32 $0xFFFFFFFF  }
0xab: {  	s26 =	simm.s32 $execute0_lowered;
	[smem:$0x3FD2] =	sst s25  }
0xac: {  	s5 =	sshll.u32 s26, $0x1;
	_ =	strace $0x80000046;
	[dreg:$0x1] =	wrdreg $0xFFFFFFFF  }
0xad: {  	s28 =	simm.s32 $_size_execute0_lowered;
	s3 =	sadd.s32 s3, s5;
	[dreg:$0x0] =	wrdreg $0x0  }
0xae: {  	s5 =	sshll.u32 s28, $0x1;
	[dreg:$0x2] =	wrdreg s3  }
0xaf: {  	[dreg:$0x3] =	wrdreg s5  }
0xb0: {  	[dreg:$0x4] =	wrdreg $0xC0  }
0xb1: {  	_ =	task [dreg:s7], $0x5FFFF  }
0xb2: {  	[dreg:$0x1] =	wrdreg $0xFFFFFFFF  }
0xb3: {  	[dreg:$0x0] =	wrdreg $0x60  }
0xb4: {  	[dreg:$0x2] =	wrdreg s16  }
0xb5: {  	[dreg:$0x3] =	wrdreg s24  }
0xb6: {  	[dreg:$0x4] =	wrdreg $0x54000  }
0xb7: {  	[dreg:$0x5] =	wrdreg $0x9  }
0xb8: {  	_ =	task.clear_ibuf [dreg:s7], $0x6FFFF;
	_ =	strace $0x90000046  }
0xb9: {  	s29 =	simm.s32 $0x9;
	_ =	strace $0x80000048  }
0xba: {  	_ =	swait.ge [sflag:s29], $0x1  }
0xbb: {  	[sflag:s29] =	ssyncadd.s32 $0xFFFFFFFF  }
0xbc: {  	_ =	strace $0x90000048  }
0xbd: {  	_ =	sfence  }
0xbe: {  	s30 =	sld [smem:$0x0];
	_ =	sdelay $0x2  }
0xbf: {  	s31 =	sshll.u32 s1, $0xD;
	s1 =	sshrl.u32 s1, $0x2  }
0xc0: {  	s3 =	sand.u32 $0x4000, s31;
	s1 =	sadd.s32 s1, s30  }
0xc1: {  	s0 =	sor.u32 s3, s0;
	s1 =	sshll.u32 s1, $0x11  }
0xc2: {  	s0 =	sor.u32 s1, s0  }
0xc3: {  	s0 =	sadd.s32 $0x8F2B, s0  }
0xc4: {  	[sflag:s0] =	ssyncadd.remote.s32 $0x1  }
0xc5: {  	_ =	sfence.sel $0xFFFF  }
0xc6: {  	[dreg:$0x0] =	wrdreg $0xFFFFFFFF;
	(pc) =	sbr.abs _section_cstart, $3  }
0xc7: {  	[dreg:$0x1] =	wrdreg $0xFFFFFFFF  }
0xc8: {  	_ =	task.clear_ibuf [dreg:s7], $0x2FFFF;
	_ =	strace $0x9FFFFFFF  }
0xc9: {  	(tm) =	ssettm $0x7FFFFFFF  }
tec
execute0_lowered:
.L_overlay_start_1:
0x0: {  	(tag) =	ssettag $0x1  }
0x1: {  	s6 =	rddreg [dreg:$0x0]  }
0x2: {  	s7 =	rddreg [dreg:$0x1]  }
0x3: {  	s1 =	rddreg [dreg:$0x2]  }
0x4: {  	s0 =	rddreg [dreg:$0x3];
	s2 =	simm.s32 $0x0;
	s3 =	srdreg.scid  }
0x5: {  	s12 =	simm.s32 $0x80;
	[smem:$0x7FF] =	sst s2;
	s8 =	sand.u32 $0x1, s3  }
0x6: {  	s3 =	stileid.u32;
	s4 =	sadd.s32 $0x3A00, s7;
	s9 =	smul.u32 $0x27800, s8  }
0x7: {  	_ =	strace $0x80000047;
	s5 =	sshll.u32 s8, $0x4;
	s11 =	smul.u32 $0x4F000, s3  }
0x8: {  	s8 =	ssub.s32 $0x2, s8;
	s15 =	smul.u32 $0x2780, s3;
	s31 =	sshll.u32 s3, $0x6  }
0x9: {  	s10 =	sor.u32 s3, s5;
	s5 =	sadd.s32 $0x4200, s7;
	s30 =	sshrl.u32 s8, $0x1  }
0xa: {  	s10 =	smul.u32 $0x500, s10;
	s7 =	sadd.s32 s9, s7;
	s11 =	sshrl.u32 s11, $0x2  }
0xb: {  	s8 =	ssub.s32 s8, s30;
	s9 =	simm.s32 $0x1;
	s11 =	sadd.s32 s11, s1  }
0xc: {  	s14 =	sadd.s32 $0x6A00, s7;
	s7 =	smax.u32 s8, $0x1;
	s8 =	simm.s32 $0x1400  }
0xd: {  	s6 =	sadd.s32 s6, s10;
	s10 =	sor.u32 $0x1C01, s31;
	s11 =	sshrl.u32 s11, $0x3  }
0xe: {  	s14 =	sadd.s32 s15, s14;
	s15 =	simm.s32 $0x0;
	s13 =	sadd.s32 $0x280, s6  }
.LBB2_1:
0xf: {  	[tilespmem:s8], [sflag:$0x1] =	stream.linear.gather [hbm4b:s4+s2], $0x4000, $0x38;
	[tilespmem:$0x19000] =	vst v63  }
0x10: {  	_ =	swait.ge [sflag:s9], $0x4000  }
0x11: {  	[sflag:s9] =	ssyncset.done $0x0  }
0x12: {  	[sflag:s9] =	ssyncadd.s32 $0xFFFFC000  }
0x13: {  	[spmem:s11], [sflag:s10] =	dma.local [hbm:s5], $0x2780  }
0x14: {  	_ =	swait.ge [sflag:s9], $0x2780  }
0x15: {  	[sflag:s9] =	ssyncset.done $0x0  }
0x16: {  	[sflag:s9] =	ssyncadd.s32 $0xFFFFD880  }
0x17: {  	[bflag:$0x0] =	sbarrier.arrive $0xFFFF  }
0x18: {  	[tilespmem:s2], [sflag:$0x1] =	stream.linear.gather [hbm4b:s6+s2], $0x1400, $0x38;
	[tilespmem:$0x19000] =	vst v63  }
0x19: {  	_ =	swait.ge [sflag:s9], $0x1400  }
0x1a: {  	[sflag:s9] =	ssyncset.done $0x0  }
0x1b: {  	s16 =	simm.s32 $0x0;
	[sflag:s9] =	ssyncadd.s32 $0xFFFFEC00  }
0x1c: {  	[spmem:s1] =	stream.indirect.scatter.add.f32 [tilespmem:s8], [sflag:$0x1], $0x80, s16, s12, $0xb8;
	[tilespmem:$0x19000] =	vst v63  }
0x1d: {  	_ =	swait.ge [sflag:s9], $0x4000  }
0x1e: {  	s16 =	simm.s32 $0x200;
	[sflag:s9] =	ssyncset.done $0x0  }
.LBB2_2:
0x1f: {  	s17 =	sshra.s32 s16, $0x2;
	[sflag:s9] =	ssyncadd.s32 $0xFFFFC000;
	p0 =	sne.s32 s16, $0x4E00  }
0x20: {  	[spmem:s1] =	stream.indirect.scatter.add.f32 [tilespmem:s8], [sflag:$0x1], $0x80, s17, s12, $0xb8;
	[tilespmem:$0x19000] =	vst v63  }
.Ltmp0:
0x21: {  	_ = 	snop;
	(pc) =	sbr.rel @p0 .LBB2_2-.Ltmp0, $4  }
0x22: {  	_ = 	snop  }
0x23: {  	s16 =	sadd.s32 $0x200, s16  }
0x24: {  	_ =	swait.ge [sflag:s9], $0x4000  }
0x25: {  	[sflag:s9] =	ssyncset.done $0x0  }
0x26: {  	[sflag:s9] =	ssyncadd.s32 $0xFFFFC000;
	s16 =	simm.s32 $0x0  }
0x27: {  	[tilespmem:s16], [sflag:$0x1] =	stream.linear.gather [hbm4b:s13+s16], $0x1400, $0x38;
	[tilespmem:$0x19000] =	vst v63  }
0x28: {  	_ =	swait.ge [sflag:s9], $0x1400  }
0x29: {  	[sflag:s9] =	ssyncset.done $0x0  }
0x2a: {  	s31 =	simm.s32 $0x0;
	[sflag:s9] =	ssyncadd.s32 $0xFFFFEC00  }
0x2b: {  	[spmem:s1] =	stream.indirect.scatter.add.f32 [tilespmem:s8], [sflag:$0x1], $0x80, s31, s12, $0xb8;
	[tilespmem:$0x19000] =	vst v63  }
0x2c: {  	_ =	swait.ge [sflag:s9], $0x4000  }
0x2d: {  	s16 =	simm.s32 $0x200;
	[sflag:s9] =	ssyncset.done $0x0  }
.LBB2_4:
0x2e: {  	s17 =	sshra.s32 s16, $0x2;
	[sflag:s9] =	ssyncadd.s32 $0xFFFFC000;
	p0 =	sne.s32 s16, $0x4E00  }
0x2f: {  	[spmem:s1] =	stream.indirect.scatter.add.f32 [tilespmem:s8], [sflag:$0x1], $0x80, s17, s12, $0xb8;
	[tilespmem:$0x19000] =	vst v63  }
.Ltmp1:
0x30: {  	_ = 	snop;
	(pc) =	sbr.rel @p0 .LBB2_4-.Ltmp1, $4  }
0x31: {  	_ = 	snop  }
0x32: {  	s16 =	sadd.s32 $0x200, s16  }
0x33: {  	_ =	swait.ge [sflag:s9], $0x4000  }
0x34: {  	[sflag:s9] =	ssyncset.done $0x0  }
0x35: {  	s15 =	sadd.s32 $0x1, s15  }
0x36: {  	[sflag:s9] =	ssyncadd.s32 $0xFFFFC000;
	p0 =	sne.s32 s15, s7  }
.Ltmp2:
0x37: {  	[bflag:$0x0] =	sbarrier.arrive $0xFFFF;
	(pc) =	sbr.rel @p0 .LBB2_1-.Ltmp2, $4  }
0x38: {  	[hbm:s14], [sflag:s10] =	dma.local [spmem:s11], $0x2780  }
0x39: {  	_ =	swait.ge [sflag:s9], $0x2780  }
0x3a: {  	[sflag:s9] =	ssyncset.done $0x0  }
0x3b: {  	[sflag:s9] =	ssyncadd.s32 $0xFFFFD880  }
0x3c: {  	_ =	sfence.sel $0x180000  }
0x3d: {  	[bflag:$0x0] =	sbarrier.arrive $0xFFFF  }
0x3e: {  	p0 =	sne.s32 s3, $0x0;
	_ =	strace $0x90000047  }
0x3f: {  	s0 =	sadd.s32 @!p0 $0x100000, s0;
	[bflag:$0x2] =	sbarrier.arrive $0xFFFF  }
0x40: {  	[sflag:s0] =	ssyncadd.tile.s32 @!p0 $0x1;
	_ =	shalt  }
.Lfunc_end2:
_tile_overlayer_lowered:
.L_overlay_start_2:
0x41: {  	(tag) =	ssettag $0x2  }
0x42: {  	s0 =	rddreg [dreg:$0x0];
	s2 =	stileid.u32  }
0x43: {  	s1 =	rddreg [dreg:$0x1];
	p0 =	sne.s32 s2, $0x0  }
0x44: {  	s3 =	rddreg [dreg:$0x2];
	[bflag:$0x3] =	sbarrier.arrive $0xFFFF;
	s2 =	simm.s32 @!p0 $0x1C01  }
0x45: {  	[timem:s3], [sflag:s2] =	dma.local @!p0 [hbm:s0], s1  }
0x46: {  	s0 =	simm.s32 @!p0 $0x1  }
0x47: {  	_ =	swait.ge @!p0 [sflag:s0], s1  }
0x48: {  	s1 =	ssub.s32 @!p0 $0x0, s1;
	[sflag:s0] =	ssyncset.done @!p0 $0x0  }
0x49: {  	[sflag:s0] =	ssyncadd.s32 @!p0 s1  }
0x4a: {  	[bflag:$0x3] =	sbarrier.arrive $0xFFFF  }
0x4b: {  	_ =	shalt  }

// kernel: kernel.14.cloned.1.call-start
scs
__scs_entry_jumppad:
0x0: {  	(pc) =	sbr.rel $0x88, $3  }
0x1: {  	(tag) =	ssettag $0x0;
	lr =	simm.s32 $0x1  }
0x2: {  	[smem:$0x3F95] =	sst lr;
	_ =	strace $0xD0000000  }
0x3: {  	_ = 	snop  }
0x4: {  	_ = 	snop  }
0x5: {  	_ = 	snop  }
0x6: {  	_ = 	snop  }
0x7: {  	_ = 	snop  }
__scs_overlays_trampoline_lowered:
0x8: {  	[smem:$0x3FA4] =	sst s0  }
0x9: {  	[smem:$0x3FA5] =	sst s1  }
0xa: {  	[smem:$0x3FA6] =	sst s2  }
0xb: {  	[smem:$0x3FA7] =	sst s3  }
0xc: {  	[smem:$0x3FA8] =	sst s4  }
0xd: {  	[smem:$0x3FA9] =	sst s5  }
0xe: {  	[smem:$0x3FAA] =	sst s6  }
0xf: {  	[smem:$0x3FAB] =	sst s7  }
0x10: {  	[smem:$0x3FAC] =	sst s8  }
0x11: {  	[smem:$0x3FAD] =	sst s9;
	s0 =	simm.s32 @!p0 $0x0  }
0x12: {  	s1 =	sld [smem:$0x3F93];
	s0 =	simm.s32 @p0 $0x1  }
0x13: {  	[smem:$0x3FAE] =	sst s0;
	s0 =	simm.s32 @!p1 $0x0  }
0x14: {  	s2 =	sld [smem:$0x3F92];
	s0 =	simm.s32 @p1 $0x1  }
0x15: {  	[smem:$0x3FAF] =	sst s0;
	s0 =	simm.s32 @!p2 $0x0  }
0x16: {  	s3 =	sld [smem:$0x3FDB];
	s0 =	simm.s32 @p2 $0x1  }
0x17: {  	s4 =	simm.s32 $0x1BF5;
	[smem:$0x3FB1] =	sst s0  }
0x18: {  	s0 =	sld [smem:$0x3F94];
	_ =	swait.ge [sflag:s4], $0x0  }
0x19: {  	s7 =	sld [smem:$0x3F95]  }
0x1a: {  	s8 =	sadd.s32 $0xFFFFE003, lr  }
0x1b: {  	s9 =	sadd.s32 $0xFFFFFEF7, lr;
	s5 =	simm.s32 $0xFFFFFFFF;
	p2 =	slt.u32 s8, $0xFFFFF086  }
0x1c: {  	p1 =	slt.u32 s9, $0xF7A;
	s5 =	simm.s32 @!p2 $0x0  }
0x1d: {  	s5 =	simm.s32 @p1 $0x1;
	p0 =	seq.s32 s7, s2  }
0x1e: {  	s7 =	smul.u32 @!p0 $0xF7A, s2;
	p2 =	seq.s32 @!p0 s5, $0x0  }
0x1f: {  	s9 =	smul.u32 $0xF7A, s1;
	s8 =	simm.s32 @!p0 $0x1BF5;
	p2 =	por !p2, p0  }
0x20: {  	[sflag:s8] =	ssyncset.s32 @!p0 $0xFFFFF086;
	s6 =	sadd.s32 @!p0 s3, s7;
	s7 =	simm.s32 @!p0 $0x108  }
0x21: {  	s3 =	sadd.s32 s3, s9;
	s6 =	sadd.s32 @!p0 $0x88, s6;
	s7 =	simm.s32 @p2 $0x1082  }
0x22: {  	[simem:s7], [sflag:s8] =	dma.local @!p0 [hbm:s6], $0xF7A  }
0x23: {  	s9 =	sor.u32 $0xD0000000, s2;
	s6 =	simm.s32 $0x108;
	_ =	swait.ge @!p0 [sflag:s8], $0x0  }
0x24: {  	s3 =	sadd.s32 $0x88, s3;
	s6 =	simm.s32 @!p1 $0x1082;
	[sflag:s4] =	ssyncset.s32 $0xFFFFF086  }
0x25: {  	[simem:s6], [sflag:s4] =	dma.local [hbm:s3], $0xF7A  }
0x26: {  	[smem:$0x3F95] =	sst s1;
	(tag) =	ssettag s2;
	_ =	strace s9  }
0x27: {  	s1 =	sld [smem:$0x3FA5]  }
0x28: {  	s2 =	sld [smem:$0x3FA6]  }
0x29: {  	s4 =	sld [smem:$0x3FA8]  }
0x2a: {  	p0 =	seq.s32 s5, $0x0;
	s5 =	sld [smem:$0x3FA9]  }
0x2b: {  	s6 =	sld [smem:$0x3FAA]  }
0x2c: {  	s7 =	sld [smem:$0x3FAB]  }
0x2d: {  	s3 =	simm.s32 $0x108;
	s8 =	sld [smem:$0x3FAC]  }
0x2e: {  	s3 =	simm.s32 @!p0 $0x1082;
	s9 =	sld [smem:$0x3FAD]  }
0x2f: {  	lr =	sadd.s32 s0, s3;
	s0 =	sld [smem:$0x3FA4]  }
0x30: {  	s3 =	sld [smem:$0x3FA7]  }
0x31: {  	[smem:$0x3FB0] =	sst s10  }
0x32: {  	s10 =	sld [smem:$0x3FAE];
	_ =	sdelay $0x3  }
0x33: {  	p0 =	seq.s32 s10, $0x1;
	s10 =	sld [smem:$0x3FB0];
	_ =	sdelay $0x3  }
0x34: {  	[smem:$0x3FB0] =	sst s10  }
0x35: {  	s10 =	sld [smem:$0x3FAF];
	_ =	sdelay $0x3  }
0x36: {  	p1 =	seq.s32 s10, $0x1;
	s10 =	sld [smem:$0x3FB0];
	_ =	sdelay $0x3  }
0x37: {  	[smem:$0x3FB0] =	sst s10  }
0x38: {  	s10 =	sld [smem:$0x3FB1]  }
0x39: {  	_ = 	snop;
	(pc) =	sbr.ind lr, $3  }
0x3a: {  	_ = 	snop  }
0x3b: {  	_ = 	snop  }
0x3c: {  	p2 =	seq.s32 s10, $0x1;
	s10 =	sld [smem:$0x3FB0]  }
0x3d: {  	_ =	shalt  }
0x3e: {  	_ =	shalt  }
0x3f: {  	_ =	shalt  }
0x40: {  	_ =	shalt  }
0x41: {  	_ =	shalt  }
0x42: {  	_ =	shalt  }
0x43: {  	_ =	shalt  }
0x44: {  	_ =	shalt  }
0x45: {  	_ =	shalt  }
0x46: {  	_ =	shalt  }
0x47: {  	_ =	shalt  }
0x48: {  	_ =	shalt  }
0x49: {  	_ =	shalt  }
0x4a: {  	_ =	shalt  }
0x4b: {  	_ =	shalt  }
0x4c: {  	_ =	shalt  }
0x4d: {  	_ =	shalt  }
0x4e: {  	_ =	shalt  }
0x4f: {  	_ =	shalt  }
0x50: {  	_ =	shalt  }
0x51: {  	_ =	shalt  }
0x52: {  	_ =	shalt  }
0x53: {  	_ =	shalt  }
0x54: {  	_ =	shalt  }
0x55: {  	_ =	shalt  }
0x56: {  	_ =	shalt  }
0x57: {  	_ =	shalt  }
0x58: {  	_ =	shalt  }
0x59: {  	_ =	shalt  }
0x5a: {  	_ =	shalt  }
0x5b: {  	_ =	shalt  }
0x5c: {  	_ =	shalt  }
0x5d: {  	_ =	shalt  }
0x5e: {  	_ =	shalt  }
0x5f: {  	_ =	shalt  }
0x60: {  	_ =	shalt  }
0x61: {  	_ =	shalt  }
0x62: {  	_ =	shalt  }
0x63: {  	_ =	shalt  }
0x64: {  	_ =	shalt  }
0x65: {  	_ =	shalt  }
0x66: {  	_ =	shalt  }
0x67: {  	_ =	shalt  }
0x68: {  	_ =	shalt  }
0x69: {  	_ =	shalt  }
0x6a: {  	_ =	shalt  }
0x6b: {  	_ =	shalt  }
0x6c: {  	_ =	shalt  }
0x6d: {  	_ =	shalt  }
0x6e: {  	_ =	shalt  }
0x6f: {  	_ =	shalt  }
0x70: {  	_ =	shalt  }
0x71: {  	_ =	shalt  }
0x72: {  	_ =	shalt  }
0x73: {  	_ =	shalt  }
0x74: {  	_ =	shalt  }
0x75: {  	_ =	shalt  }
0x76: {  	_ =	shalt  }
0x77: {  	_ =	shalt  }
0x78: {  	_ =	shalt  }
0x79: {  	_ =	shalt  }
0x7a: {  	_ =	shalt  }
0x7b: {  	_ =	shalt  }
0x7c: {  	_ =	shalt  }
0x7d: {  	_ =	shalt  }
0x7e: {  	_ =	shalt  }
0x7f: {  	_ =	shalt  }
0x80: {  	_ =	shalt  }
0x81: {  	_ =	shalt  }
0x82: {  	_ =	shalt  }
0x83: {  	_ =	shalt  }
0x84: {  	_ =	shalt  }
0x85: {  	_ =	shalt  }
0x86: {  	_ =	shalt  }
0x87: {  	_ =	shalt  }
.Lfunc_end0:
.L_simem_size_0:
called_computation.1_lowered:
.L_overlay_start_0:
0x88: {  	s2 =	sld [smem:$0x3FD9]  }
0x89: {  	s3 =	sld [smem:$0x3FFE];
	_ =	sdelay $0x1  }
0x8a: {  	s1 =	srdreg.scid  }
0x8b: {  	s0 =	sand.u32 $0x1, s1  }
0x8c: {  	s14 =	sshll.u32 s0, $0xA;
	s2 =	sadd.s32 s3, s2  }
0x8d: {  	s2 =	sadd.s32 s2, s14  }
0x8e: {  	[smem:$0x3FBC] =	sst s2  }
0x8f: {  	_ = 	snop  }
0x90: {  	s2 =	sld [smem:$0x3FD0];
	_ =	sdelay $0x2  }
0x91: {  	s15 =	simm.s32 $0xA;
	s4 =	simm.s32 $0x10  }
0x92: {  	[smem:s4], [sflag:s15] =	dma.local [hbm:s2], $0x1  }
0x93: {  	_ =	swait.eq [sflag:s15], $0x1  }
0x94: {  	[sflag:s15] =	ssyncset.done $0x0  }
0x95: {  	s16 =	sld [smem:$0x10];
	[sflag:s15] =	ssyncadd.s32 $0xFFFFFFFF  }
0x96: {  	s17 =	sld [smem:$0x11];
	(tm) =	ssettm $0x1  }
0x97: {  	s18 =	sld [smem:$0x3FFB];
	_ =	sdelay $0x3  }
0x98: {  	_ =	strace s18  }
0x99: {  	s4 =	sld [smem:$0x3FFC];
	_ =	sdelay $0x3  }
0x9a: {  	_ =	strace s4  }
0x9b: {  	s4 =	sld [smem:$0x3FFD];
	_ =	sdelay $0x3  }
0x9c: {  	_ =	strace s4  }
0x9d: {  	_ =	strace $0x8FFFFFFF  }
0x9e: {  	s19 =	sld [smem:$0x3FDB];
	_ =	sdelay $0x1  }
0x9f: {  	s5 =	simm.s32 $_scs_section_size  }
0xa0: {  	s6 =	simm.s32 $_size__tile_overlayer_lowered;
	s7 =	simm.s32 $_tile_overlayer_lowered  }
0xa1: {  	s22 =	simm.s32 $0x1BFF;
	s21 =	sshll.u32 s7, $0x1;
	s4 =	sadd.s32 s5, s19  }
0xa2: {  	s8 =	simm.s32 $0x0;
	s20 =	sshll.u32 s6, $0x1;
	s6 =	sadd.s32 s21, s4  }
0xa3: {  	[timem:s8], [sflag:s22] =	dma.local [hbm:s6], s20  }
0xa4: {  	_ =	swait.ge [sflag:s22], s20  }
0xa5: {  	s5 =	ssub.s32 $0x0, s20;
	[sflag:s22] =	ssyncset.done $0x0  }
0xa6: {  	[sflag:s22] =	ssyncadd.s32 s5;
	_ =	sdelay $0x1  }
0xa7: {  	s23 =	simm.s32 $0x1B8B  }
0xa8: {  	_ =	swait.ge [sflag:s23], $0x1  }
0xa9: {  	[sflag:s23] =	ssyncset.done $0x0  }
0xaa: {  	s25 =	simm.s32 $0x1B8E;
	s24 =	sld [smem:$0x3FFE];
	[sflag:s23] =	ssyncadd.s32 $0xFFFFFFFF  }
0xab: {  	s26 =	simm.s32 $execute0_lowered;
	[smem:$0x3FD2] =	sst s25  }
0xac: {  	s6 =	sshll.u32 s26, $0x1;
	_ =	strace $0x80000049;
	[dreg:$0x1] =	wrdreg $0xFFFFFFFF  }
0xad: {  	s28 =	simm.s32 $_size_execute0_lowered;
	s4 =	sadd.s32 s4, s6;
	[dreg:$0x0] =	wrdreg $0x0  }
0xae: {  	s6 =	sshll.u32 s28, $0x1;
	[dreg:$0x2] =	wrdreg s4  }
0xaf: {  	[dreg:$0x3] =	wrdreg s6  }
0xb0: {  	[dreg:$0x4] =	wrdreg $0xC0  }
0xb1: {  	_ =	task [dreg:s8], $0x5FFFF  }
0xb2: {  	[dreg:$0x1] =	wrdreg $0xFFFFFFFF  }
0xb3: {  	[dreg:$0x0] =	wrdreg $0x60  }
0xb4: {  	[dreg:$0x2] =	wrdreg s24  }
0xb5: {  	[dreg:$0x3] =	wrdreg s16  }
0xb6: {  	[dreg:$0x4] =	wrdreg s17  }
0xb7: {  	[dreg:$0x5] =	wrdreg $0xA8000  }
0xb8: {  	[dreg:$0x6] =	wrdreg $0x9  }
0xb9: {  	_ =	task.clear_ibuf [dreg:s8], $0x7FFFF;
	_ =	strace $0x90000049  }
0xba: {  	s29 =	simm.s32 $0x9;
	_ =	strace $0x8000004B  }
0xbb: {  	_ =	swait.ge [sflag:s29], $0x1  }
0xbc: {  	[sflag:s29] =	ssyncadd.s32 $0xFFFFFFFF  }
0xbd: {  	_ =	strace $0x9000004B  }
0xbe: {  	_ =	sfence  }
0xbf: {  	s30 =	sld [smem:$0x0];
	_ =	sdelay $0x2  }
0xc0: {  	s31 =	sshll.u32 s1, $0xD;
	s1 =	sshrl.u32 s1, $0x2  }
0xc1: {  	s3 =	sand.u32 $0x4000, s31;
	s1 =	sadd.s32 s1, s30  }
0xc2: {  	s0 =	sor.u32 s3, s0;
	s1 =	sshll.u32 s1, $0x11  }
0xc3: {  	s0 =	sor.u32 s1, s0  }
0xc4: {  	s0 =	sadd.s32 $0x8F2B, s0  }
0xc5: {  	[sflag:s0] =	ssyncadd.remote.s32 $0x1  }
0xc6: {  	_ =	sfence.sel $0xFFFF  }
0xc7: {  	[dreg:$0x0] =	wrdreg $0xFFFFFFFF;
	(pc) =	sbr.abs _section_cstart, $3  }
0xc8: {  	[dreg:$0x1] =	wrdreg $0xFFFFFFFF  }
0xc9: {  	_ =	task.clear_ibuf [dreg:s8], $0x2FFFF;
	_ =	strace $0x9FFFFFFF  }
0xca: {  	(tm) =	ssettm $0x7FFFFFFF  }
0xcb: {  	_ =	shalt  }
tec
execute0_lowered:
.L_overlay_start_1:
0x0: {  	(tag) =	ssettag $0x1  }
0x1: {  	s0 =	rddreg [dreg:$0x0]  }
0x2: {  	s3 =	rddreg [dreg:$0x1]  }
0x3: {  	s5 =	rddreg [dreg:$0x2]  }
0x4: {  	s1 =	rddreg [dreg:$0x3];
	s2 =	simm.s32 $0x0  }
0x5: {  	s4 =	srdreg.scid;
	s11 =	stileid.u32;
	s12 =	simm.s32 $0x1400  }
0x6: {  	s13 =	simm.s32 $0x20;
	s14 =	simm.s32 $0x2800;
	s15 =	simm.s32 $0x3800  }
0x7: {  	s16 =	simm.s32 $0x40;
	s17 =	simm.s32 $0x4800;
	s18 =	simm.s32 $0x60  }
0x8: {  	s19 =	simm.s32 $0x5800;
	s20 =	simm.s32 $0x6800;
	s28 =	simm.s32 $0x2  }
0x9: {  	s29 =	simm.s32 $0x1380;
	s30 =	simm.s32 $0x13A0;
	s31 =	simm.s32 $0x13C0  }
0xa: {  	[smem:$0x7FF] =	sst s2;
	s6 =	sand.u32 $0x1, s4;
	s9 =	smul.u32 $0x4F000, s11  }
0xb: {  	s4 =	sadd.s32 $0x6A00, s0;
	s8 =	sadd.s32 $0x4200, s0;
	s25 =	smul.u32 $0x2780, s11  }
0xc: {  	s24 =	sshll.u32 s11, $0x6;
	_ =	strace $0x8000004A;
	s7 =	smul.u32 $0x27800, s6  }
0xd: {  	[dreg:$0x6] =	wrdreg s8;
	s21 =	sshll.u32 s6, $0x4;
	s6 =	ssub.s32 $0x2, s6  }
0xe: {  	s24 =	sor.u32 $0x1C03, s24;
	s22 =	sor.u32 s11, s21;
	s23 =	sshrl.u32 s6, $0x1  }
0xf: {  	s9 =	sshrl.u32 s9, $0x2;
	s11 =	simm.s32 $0x3;
	s21 =	simm.s32 $0x7800  }
0x10: {  	[dreg:$0x7] =	wrdreg s24;
	s0 =	sadd.s32 s7, s0;
	s10 =	smul.u32 $0x500, s22  }
0x11: {  	s6 =	ssub.s32 s6, s23;
	s9 =	sadd.s32 s9, s1;
	s22 =	simm.s32 $0x8800  }
0x12: {  	s23 =	simm.s32 $0x9800;
	s0 =	sadd.s32 $0x2E200, s0;
	s26 =	smax.u32 s6, $0x1  }
0x13: {  	s9 =	sshrl.u32 s9, $0x3;
	s7 =	sadd.s32 s3, s10;
	s8 =	sadd.s32 s5, s10  }
0x14: {  	[dreg:$0x8] =	wrdreg s26;
	s0 =	sadd.s32 s25, s0;
	s25 =	simm.s32 $0x1  }
0x15: {  	s26 =	simm.s32 $0x80;
	s3 =	simm.s32 $0x2700;
	[dreg:$0x9] =	wrdreg s9  }
0x16: {  	s5 =	simm.s32 $0x2780;
	[dreg:$0xa] =	wrdreg s0;
	s0 =	simm.s32 $0x13E0  }
.LBB2_1:
0x17: {  	[dreg:$0x5] =	wrdreg s2  }
0x18: {  	s10 =	rddreg [dreg:$0x6]  }
0x19: {  	[spmem:s9], [sflag:s24] =	dma.local [hbm:s10], $0x2780  }
0x1a: {  	_ =	swait.ge [sflag:s11], $0x2780  }
0x1b: {  	[sflag:s11] =	ssyncset.done $0x0  }
0x1c: {  	[sflag:s11] =	ssyncadd.s32 $0xFFFFD880  }
0x1d: {  	p1 =	por $0x1, $0x1;
	s6 =	simm.s32 $0x0;
	[bflag:$0x0] =	sbarrier.arrive $0xFFFF  }
.LBB2_2:
0x1e: {  	s9 =	sadd.s32 s6, s7;
	s10 =	simm.s32 $0x0  }
0x1f: {  	[tilespmem:s10], [sflag:$0x3] =	stream.linear.gather [hbm4b:s9+s10], $0x1400, $0x38;
	[tilespmem:$0x1E400] =	vst v63  }
0x20: {  	_ =	swait.ge [sflag:s11], $0x1400  }
0x21: {  	[sflag:s11] =	ssyncset.done $0x0  }
0x22: {  	s9 =	sadd.s32 s6, s8;
	[sflag:s11] =	ssyncadd.s32 $0xFFFFEC00  }
0x23: {  	[tilespmem:s12], [sflag:$0x3] =	stream.linear.gather [hbm4b:s9+s10], $0x1400, $0x38;
	[tilespmem:$0x1E400] =	vst v63  }
0x24: {  	_ =	swait.ge [sflag:s11], $0x1400  }
0x25: {  	[sflag:s11] =	ssyncset.done $0x0  }
0x26: {  	[sflag:s11] =	ssyncadd.s32 $0xFFFFEC00  }
0x27: {  	[tilespmem:s14], [sflag:$0x1] =	stream.indirect.gather [hbm4b:s4+s13], $0x80, s10, s13, $0xb8;
	[tilespmem:$0x1E400] =	vst v63  }
0x28: {  	_ = 	snop  }
0x29: {  	[tilespmem:s15], [sflag:$0x1] =	stream.indirect.gather [hbm4b:s4+s13], $0x80, s13, s13, $0xb8;
	[tilespmem:$0x1E400] =	vst v63  }
0x2a: {  	_ = 	snop  }
0x2b: {  	[tilespmem:s17], [sflag:$0x1] =	stream.indirect.gather [hbm4b:s4+s13], $0x80, s16, s13, $0xb8;
	[tilespmem:$0x1E400] =	vst v63  }
0x2c: {  	_ = 	snop  }
0x2d: {  	[tilespmem:s19], [sflag:$0x1] =	stream.indirect.gather [hbm4b:s4+s13], $0x80, s18, s13, $0xb8;
	[tilespmem:$0x1E400] =	vst v63  }
0x2e: {  	s10 =	simm.s32 $0x80  }
0x2f: {  	[tilespmem:s20], [sflag:$0x2] =	stream.indirect.gather [hbm4b:s4+s13], $0x80, s10, s13, $0xb8;
	[tilespmem:$0x1E400] =	vst v63  }
0x30: {  	s24 =	simm.s32 $0xA0  }
0x31: {  	[tilespmem:s21], [sflag:$0x2] =	stream.indirect.gather [hbm4b:s4+s13], $0x80, s24, s13, $0xb8;
	[tilespmem:$0x1E400] =	vst v63  }
0x32: {  	s2 =	simm.s32 $0xC0  }
0x33: {  	[tilespmem:s22], [sflag:$0x2] =	stream.indirect.gather [hbm4b:s4+s13], $0x80, s2, s13, $0xb8;
	[tilespmem:$0x1E400] =	vst v63  }
0x34: {  	s9 =	simm.s32 $0xE0  }
0x35: {  	[tilespmem:s23], [sflag:$0x2] =	stream.indirect.gather [hbm4b:s4+s13], $0x80, s9, s13, $0xb8;
	[tilespmem:$0x1E400] =	vst v63  }
0x36: {  	_ =	swait.ge [sflag:s25], $0x1000  }
0x37: {  	[sflag:s25] =	ssyncset.done $0x0  }
0x38: {  	[sflag:s25] =	ssyncadd.s32 $0xFFFFF000  }
0x39: {  	_ =	swait.ge [sflag:s25], $0x1000  }
0x3a: {  	[sflag:s25] =	ssyncset.done $0x0  }
0x3b: {  	[sflag:s25] =	ssyncadd.s32 $0xFFFFF000  }
0x3c: {  	_ =	swait.ge [sflag:s25], $0x1000  }
0x3d: {  	[sflag:s25] =	ssyncset.done $0x0  }
0x3e: {  	[sflag:s25] =	ssyncadd.s32 $0xFFFFF000  }
0x3f: {  	_ =	swait.ge [sflag:s25], $0x1000  }
0x40: {  	[sflag:s25] =	ssyncset.done $0x0  }
0x41: {  	s10 =	simm.s32 $0x1400;
	[sflag:s25] =	ssyncadd.s32 $0xFFFFF000  }
0x42: {  	[spmem:s1] =	stream.indirect.scatter.add.f32 [tilespmem:s14], [sflag:$0x3], $0x80, s10, s26, $0xb8;
	[tilespmem:$0x1E400] =	vst v63  }
0x43: {  	_ =	swait.ge [sflag:s11], $0x4000  }
0x44: {  	[sflag:s11] =	ssyncset.done $0x0  }
0x45: {  	s24 =	simm.s32 $0x100;
	[sflag:s11] =	ssyncadd.s32 $0xFFFFC000  }
0x46: {  	[tilespmem:s14], [sflag:$0x1] =	stream.indirect.gather [hbm4b:s4+s13], $0x80, s24, s13, $0xb8;
	[tilespmem:$0x1E400] =	vst v63  }
0x47: {  	s2 =	simm.s32 $0x120  }
0x48: {  	[tilespmem:s15], [sflag:$0x1] =	stream.indirect.gather [hbm4b:s4+s13], $0x80, s2, s13, $0xb8;
	[tilespmem:$0x1E400] =	vst v63  }
0x49: {  	s9 =	simm.s32 $0x140  }
0x4a: {  	[tilespmem:s17], [sflag:$0x1] =	stream.indirect.gather [hbm4b:s4+s13], $0x80, s9, s13, $0xb8;
	[tilespmem:$0x1E400] =	vst v63  }
0x4b: {  	s10 =	simm.s32 $0x160  }
0x4c: {  	[tilespmem:s19], [sflag:$0x1] =	stream.indirect.gather [hbm4b:s4+s13], $0x80, s10, s13, $0xb8;
	[tilespmem:$0x1E400] =	vst v63  }
0x4d: {  	_ =	swait.ge [sflag:s28], $0x1000  }
0x4e: {  	[sflag:s28] =	ssyncset.done $0x0  }
0x4f: {  	[sflag:s28] =	ssyncadd.s32 $0xFFFFF000  }
0x50: {  	_ =	swait.ge [sflag:s28], $0x1000  }
0x51: {  	[sflag:s28] =	ssyncset.done $0x0  }
0x52: {  	[sflag:s28] =	ssyncadd.s32 $0xFFFFF000  }
0x53: {  	_ =	swait.ge [sflag:s28], $0x1000  }
0x54: {  	[sflag:s28] =	ssyncset.done $0x0  }
0x55: {  	[sflag:s28] =	ssyncadd.s32 $0xFFFFF000  }
0x56: {  	_ =	swait.ge [sflag:s28], $0x1000  }
0x57: {  	[sflag:s28] =	ssyncset.done $0x0  }
0x58: {  	s24 =	simm.s32 $0x1480;
	[sflag:s28] =	ssyncadd.s32 $0xFFFFF000  }
0x59: {  	[spmem:s1] =	stream.indirect.scatter.add.f32 [tilespmem:s20], [sflag:$0x3], $0x80, s24, s26, $0xb8;
	[tilespmem:$0x1E400] =	vst v63  }
0x5a: {  	p0 =	por p1, p1;
	_ =	swait.ge [sflag:s11], $0x4000  }
0x5b: {  	s9 =	simm.s32 $0x100;
	s24 =	simm.s32 $0x800;
	[sflag:s11] =	ssyncset.done $0x0  }
.LBB2_3:
0x5c: {  	s2 =	sadd.s32 $0x80, s9  }
0x5d: {  	[sflag:s11] =	ssyncadd.s32 $0xFFFFC000;
	s6 =	smov.u32 s24;
	s10 =	sadd.s32 $0x400, s24  }
0x5e: {  	[tilespmem:s20], [sflag:$0x2] =	stream.indirect.gather [hbm4b:s4+s13], $0x80, s2, s13, $0xb8;
	[tilespmem:$0x1E400] =	vst v63  }
0x5f: {  	p1 =	sne.s32 s24, $0x4800;
	s2 =	sadd.s32 $0xA0, s9  }
0x60: {  	[tilespmem:s21], [sflag:$0x2] =	stream.indirect.gather [hbm4b:s4+s13], $0x80, s2, s13, $0xb8;
	[tilespmem:$0x1E400] =	vst v63  }
0x61: {  	s2 =	sadd.s32 $0xC0, s9  }
0x62: {  	[tilespmem:s22], [sflag:$0x2] =	stream.indirect.gather [hbm4b:s4+s13], $0x80, s2, s13, $0xb8;
	[tilespmem:$0x1E400] =	vst v63  }
0x63: {  	s2 =	sadd.s32 $0xE0, s9  }
0x64: {  	[tilespmem:s23], [sflag:$0x2] =	stream.indirect.gather [hbm4b:s4+s13], $0x80, s2, s13, $0xb8;
	[tilespmem:$0x1E400] =	vst v63  }
0x65: {  	_ =	swait.ge [sflag:s25], $0x1000  }
0x66: {  	[sflag:s25] =	ssyncset.done $0x0  }
0x67: {  	[sflag:s25] =	ssyncadd.s32 $0xFFFFF000  }
0x68: {  	_ =	swait.ge [sflag:s25], $0x1000  }
0x69: {  	[sflag:s25] =	ssyncset.done $0x0  }
0x6a: {  	[sflag:s25] =	ssyncadd.s32 $0xFFFFF000  }
0x6b: {  	_ =	swait.ge [sflag:s25], $0x1000  }
0x6c: {  	[sflag:s25] =	ssyncset.done $0x0  }
0x6d: {  	[sflag:s25] =	ssyncadd.s32 $0xFFFFF000  }
0x6e: {  	_ =	swait.ge [sflag:s25], $0x1000  }
0x6f: {  	[sflag:s25] =	ssyncset.done $0x0  }
0x70: {  	s2 =	sadd.s32 $0x1400, s9;
	[sflag:s25] =	ssyncadd.s32 $0xFFFFF000  }
0x71: {  	[spmem:s1] =	stream.indirect.scatter.add.f32 [tilespmem:s14], [sflag:$0x3], $0x80, s2, s26, $0xb8;
	[tilespmem:$0x1E400] =	vst v63  }
0x72: {  	_ =	swait.ge [sflag:s11], $0x4000  }
0x73: {  	[sflag:s11] =	ssyncset.done $0x0  }
0x74: {  	s2 =	sadd.s32 $0x100, s9;
	[sflag:s11] =	ssyncadd.s32 $0xFFFFC000  }
0x75: {  	[tilespmem:s14], [sflag:$0x1] =	stream.indirect.gather [hbm4b:s4+s13], $0x80, s2, s13, $0xb8;
	[tilespmem:$0x1E400] =	vst v63  }
0x76: {  	s2 =	sadd.s32 $0x120, s9  }
0x77: {  	[tilespmem:s15], [sflag:$0x1] =	stream.indirect.gather [hbm4b:s4+s13], $0x80, s2, s13, $0xb8;
	[tilespmem:$0x1E400] =	vst v63  }
0x78: {  	s2 =	sadd.s32 $0x140, s9  }
0x79: {  	[tilespmem:s17], [sflag:$0x1] =	stream.indirect.gather [hbm4b:s4+s13], $0x80, s2, s13, $0xb8;
	[tilespmem:$0x1E400] =	vst v63  }
0x7a: {  	s2 =	sadd.s32 $0x160, s9  }
0x7b: {  	[tilespmem:s19], [sflag:$0x1] =	stream.indirect.gather [hbm4b:s4+s13], $0x80, s2, s13, $0xb8;
	[tilespmem:$0x1E400] =	vst v63  }
0x7c: {  	_ =	swait.ge [sflag:s28], $0x1000  }
0x7d: {  	[sflag:s28] =	ssyncset.done $0x0  }
0x7e: {  	[sflag:s28] =	ssyncadd.s32 $0xFFFFF000  }
0x7f: {  	_ =	swait.ge [sflag:s28], $0x1000  }
0x80: {  	[sflag:s28] =	ssyncset.done $0x0  }
0x81: {  	[sflag:s28] =	ssyncadd.s32 $0xFFFFF000  }
0x82: {  	_ =	swait.ge [sflag:s28], $0x1000  }
0x83: {  	[sflag:s28] =	ssyncset.done $0x0  }
0x84: {  	[sflag:s28] =	ssyncadd.s32 $0xFFFFF000  }
0x85: {  	_ =	swait.ge [sflag:s28], $0x1000  }
.Ltmp0:
0x86: {  	[sflag:s28] =	ssyncset.done $0x0;
	(pc) =	sbr.rel @p1 .LBB2_3-.Ltmp0, $4  }
0x87: {  	s2 =	sadd.s32 $0x1480, s9;
	[sflag:s28] =	ssyncadd.s32 $0xFFFFF000  }
0x88: {  	[spmem:s1] =	stream.indirect.scatter.add.f32 [tilespmem:s20], [sflag:$0x3], $0x80, s2, s26, $0xb8;
	[tilespmem:$0x1E400] =	vst v63  }
0x89: {  	_ =	swait.ge [sflag:s11], $0x4000  }
0x8a: {  	s24 =	smov.u32 s10;
	s9 =	sshra.s32 s6, $0x2;
	[sflag:s11] =	ssyncset.done $0x0  }
0x8b: {  	s2 =	sadd.s32 $0x80, s9;
	[sflag:s11] =	ssyncadd.s32 $0xFFFFC000  }
0x8c: {  	[tilespmem:s20], [sflag:$0x2] =	stream.indirect.gather [hbm4b:s4+s13], $0x80, s2, s13, $0xb8;
	[tilespmem:$0x1E400] =	vst v63  }
0x8d: {  	s6 =	sadd.s32 $0xA0, s9  }
0x8e: {  	[tilespmem:s21], [sflag:$0x2] =	stream.indirect.gather [hbm4b:s4+s13], $0x80, s6, s13, $0xb8;
	[tilespmem:$0x1E400] =	vst v63  }
0x8f: {  	s10 =	sadd.s32 $0xC0, s9  }
0x90: {  	[tilespmem:s22], [sflag:$0x2] =	stream.indirect.gather [hbm4b:s4+s13], $0x80, s10, s13, $0xb8;
	[tilespmem:$0x1E400] =	vst v63  }
0x91: {  	s24 =	sadd.s32 $0xE0, s9  }
0x92: {  	[tilespmem:s23], [sflag:$0x2] =	stream.indirect.gather [hbm4b:s4+s13], $0x80, s24, s13, $0xb8;
	[tilespmem:$0x1E400] =	vst v63  }
0x93: {  	_ =	swait.ge [sflag:s25], $0x1000  }
0x94: {  	[sflag:s25] =	ssyncset.done $0x0  }
0x95: {  	[sflag:s25] =	ssyncadd.s32 $0xFFFFF000  }
0x96: {  	_ =	swait.ge [sflag:s25], $0x1000  }
0x97: {  	[sflag:s25] =	ssyncset.done $0x0  }
0x98: {  	[sflag:s25] =	ssyncadd.s32 $0xFFFFF000  }
0x99: {  	_ =	swait.ge [sflag:s25], $0x1000  }
0x9a: {  	[sflag:s25] =	ssyncset.done $0x0  }
0x9b: {  	[sflag:s25] =	ssyncadd.s32 $0xFFFFF000  }
0x9c: {  	_ =	swait.ge [sflag:s25], $0x1000  }
0x9d: {  	[sflag:s25] =	ssyncset.done $0x0  }
0x9e: {  	s6 =	sadd.s32 $0x1400, s9;
	[sflag:s25] =	ssyncadd.s32 $0xFFFFF000  }
0x9f: {  	[spmem:s1] =	stream.indirect.scatter.add.f32 [tilespmem:s14], [sflag:$0x3], $0x80, s6, s26, $0xb8;
	[tilespmem:$0x1E400] =	vst v63  }
0xa0: {  	_ =	swait.ge [sflag:s11], $0x4000  }
0xa1: {  	[sflag:s11] =	ssyncset.done $0x0  }
0xa2: {  	s10 =	sadd.s32 $0x100, s9;
	[sflag:s11] =	ssyncadd.s32 $0xFFFFC000  }
0xa3: {  	[tilespmem:s14], [sflag:$0x1] =	stream.indirect.gather [hbm4b:s4+s13], $0x80, s10, s13, $0xb8;
	[tilespmem:$0x1E400] =	vst v63  }
0xa4: {  	s24 =	sadd.s32 $0x120, s9  }
0xa5: {  	[tilespmem:s15], [sflag:$0x1] =	stream.indirect.gather [hbm4b:s4+s13], $0x80, s24, s13, $0xb8;
	[tilespmem:$0x1E400] =	vst v63  }
0xa6: {  	s6 =	sadd.s32 $0x140, s9  }
0xa7: {  	[tilespmem:s17], [sflag:$0x1] =	stream.indirect.gather [hbm4b:s4+s13], $0x80, s6, s13, $0xb8;
	[tilespmem:$0x1E400] =	vst v63  }
0xa8: {  	s10 =	sadd.s32 $0x160, s9  }
0xa9: {  	[tilespmem:s19], [sflag:$0x1] =	stream.indirect.gather [hbm4b:s4+s13], $0x80, s10, s13, $0xb8;
	[tilespmem:$0x1E400] =	vst v63  }
0xaa: {  	_ =	swait.ge [sflag:s28], $0x1000  }
0xab: {  	[sflag:s28] =	ssyncset.done $0x0  }
0xac: {  	[sflag:s28] =	ssyncadd.s32 $0xFFFFF000  }
0xad: {  	_ =	swait.ge [sflag:s28], $0x1000  }
0xae: {  	[sflag:s28] =	ssyncset.done $0x0  }
0xaf: {  	[sflag:s28] =	ssyncadd.s32 $0xFFFFF000  }
0xb0: {  	_ =	swait.ge [sflag:s28], $0x1000  }
0xb1: {  	[sflag:s28] =	ssyncset.done $0x0  }
0xb2: {  	[sflag:s28] =	ssyncadd.s32 $0xFFFFF000  }
0xb3: {  	_ =	swait.ge [sflag:s28], $0x1000  }
0xb4: {  	[sflag:s28] =	ssyncset.done $0x0  }
0xb5: {  	s24 =	sadd.s32 $0x1480, s9;
	[sflag:s28] =	ssyncadd.s32 $0xFFFFF000  }
0xb6: {  	[spmem:s1] =	stream.indirect.scatter.add.f32 [tilespmem:s20], [sflag:$0x3], $0x80, s24, s26, $0xb8;
	[tilespmem:$0x1E400] =	vst v63  }
0xb7: {  	_ =	swait.ge [sflag:s11], $0x4000  }
0xb8: {  	[sflag:s11] =	ssyncset.done $0x0  }
0xb9: {  	[sflag:s11] =	ssyncadd.s32 $0xFFFFC000  }
0xba: {  	[tilespmem:s20], [sflag:$0x2] =	stream.indirect.gather [hbm4b:s4+s13], $0x80, s29, s13, $0xb8;
	[tilespmem:$0x1E400] =	vst v63  }
0xbb: {  	_ = 	snop  }
0xbc: {  	[tilespmem:s21], [sflag:$0x2] =	stream.indirect.gather [hbm4b:s4+s13], $0x80, s30, s13, $0xb8;
	[tilespmem:$0x1E400] =	vst v63  }
0xbd: {  	_ = 	snop  }
0xbe: {  	[tilespmem:s22], [sflag:$0x2] =	stream.indirect.gather [hbm4b:s4+s13], $0x80, s31, s13, $0xb8;
	[tilespmem:$0x1E400] =	vst v63  }
0xbf: {  	_ = 	snop  }
0xc0: {  	[tilespmem:s23], [sflag:$0x2] =	stream.indirect.gather [hbm4b:s4+s13], $0x80, s0, s13, $0xb8;
	[tilespmem:$0x1E400] =	vst v63  }
0xc1: {  	_ =	swait.ge [sflag:s25], $0x1000  }
0xc2: {  	[sflag:s25] =	ssyncset.done $0x0  }
0xc3: {  	[sflag:s25] =	ssyncadd.s32 $0xFFFFF000  }
0xc4: {  	_ =	swait.ge [sflag:s25], $0x1000  }
0xc5: {  	[sflag:s25] =	ssyncset.done $0x0  }
0xc6: {  	[sflag:s25] =	ssyncadd.s32 $0xFFFFF000  }
0xc7: {  	_ =	swait.ge [sflag:s25], $0x1000  }
0xc8: {  	[sflag:s25] =	ssyncset.done $0x0  }
0xc9: {  	[sflag:s25] =	ssyncadd.s32 $0xFFFFF000  }
0xca: {  	_ =	swait.ge [sflag:s25], $0x1000  }
0xcb: {  	[sflag:s25] =	ssyncset.done $0x0  }
0xcc: {  	[sflag:s25] =	ssyncadd.s32 $0xFFFFF000  }
0xcd: {  	[spmem:s1] =	stream.indirect.scatter.add.f32 [tilespmem:s14], [sflag:$0x3], $0x80, s3, s26, $0xb8;
	[tilespmem:$0x1E400] =	vst v63  }
0xce: {  	_ =	swait.ge [sflag:s11], $0x4000  }
0xcf: {  	[sflag:s11] =	ssyncset.done $0x0  }
0xd0: {  	[sflag:s11] =	ssyncadd.s32 $0xFFFFC000  }
0xd1: {  	_ =	swait.ge [sflag:s28], $0x1000  }
0xd2: {  	[sflag:s28] =	ssyncset.done $0x0  }
0xd3: {  	[sflag:s28] =	ssyncadd.s32 $0xFFFFF000  }
0xd4: {  	_ =	swait.ge [sflag:s28], $0x1000  }
0xd5: {  	[sflag:s28] =	ssyncset.done $0x0  }
0xd6: {  	[sflag:s28] =	ssyncadd.s32 $0xFFFFF000  }
0xd7: {  	_ =	swait.ge [sflag:s28], $0x1000  }
0xd8: {  	[sflag:s28] =	ssyncset.done $0x0  }
0xd9: {  	[sflag:s28] =	ssyncadd.s32 $0xFFFFF000  }
0xda: {  	_ =	swait.ge [sflag:s28], $0x1000  }
0xdb: {  	[sflag:s28] =	ssyncset.done $0x0  }
.Ltmp1:
0xdc: {  	[sflag:s28] =	ssyncadd.s32 $0xFFFFF000;
	(pc) =	sbr.rel @p0 .LBB2_2-.Ltmp1, $4  }
0xdd: {  	[spmem:s1] =	stream.indirect.scatter.add.f32 [tilespmem:s20], [sflag:$0x3], $0x80, s5, s26, $0xb8;
	[tilespmem:$0x1E400] =	vst v63  }
0xde: {  	_ =	swait.ge [sflag:s11], $0x4000  }
0xdf: {  	[sflag:s11] =	ssyncset.done $0x0  }
0xe0: {  	p1 =	por $0x0, $0x0;
	s6 =	simm.s32 $0x280;
	[sflag:s11] =	ssyncadd.s32 $0xFFFFC000  }
0xe1: {  	[bflag:$0x0] =	sbarrier.arrive $0xFFFF  }
0xe2: {  	s24 =	rddreg [dreg:$0x7]  }
0xe3: {  	s9 =	rddreg [dreg:$0x9]  }
0xe4: {  	s2 =	rddreg [dreg:$0xa]  }
0xe5: {  	[hbm:s2], [sflag:s24] =	dma.local [spmem:s9], $0x2780  }
0xe6: {  	_ =	swait.ge [sflag:s11], $0x2780  }
0xe7: {  	s10 =	rddreg [dreg:$0x5]  }
0xe8: {  	s6 =	rddreg [dreg:$0x8];
	s2 =	sadd.s32 $0x1, s10  }
0xe9: {  	p0 =	sne.s32 s2, s6  }
.Ltmp2:
0xea: {  	_ = 	snop;
	(pc) =	sbr.rel @p0 .LBB2_1-.Ltmp2, $3  }
0xeb: {  	_ =	sdelay $0x1  }
0xec: {  	[sflag:s11] =	ssyncset.done $0x0  }
0xed: {  	[sflag:s11] =	ssyncadd.s32 $0xFFFFD880  }
0xee: {  	_ =	sfence.sel $0x180000  }
0xef: {  	[bflag:$0x0] =	sbarrier.arrive $0xFFFF  }
0xf0: {  	_ =	strace $0x9000004A  }
0xf1: {  	s0 =	stileid.u32;
	[bflag:$0x2] =	sbarrier.arrive $0xFFFF  }
0xf2: {  	p0 =	sne.s32 s0, $0x0;
	s0 =	rddreg [dreg:$0x4]  }
0xf3: {  	s0 =	sadd.s32 @!p0 $0x100000, s0  }
0xf4: {  	[sflag:s0] =	ssyncadd.tile.s32 @!p0 $0x1;
	_ =	shalt  }
.Lfunc_end2:
_tile_overlayer_lowered:
.L_overlay_start_2:
0xf5: {  	(tag) =	ssettag $0x2  }
0xf6: {  	s0 =	rddreg [dreg:$0x0];
	s2 =	stileid.u32  }
0xf7: {  	s1 =	rddreg [dreg:$0x1];
	p0 =	sne.s32 s2, $0x0  }
0xf8: {  	s3 =	rddreg [dreg:$0x2];
	[bflag:$0x3] =	sbarrier.arrive $0xFFFF;
	s2 =	simm.s32 @!p0 $0x1C03  }
0xf9: {  	[timem:s3], [sflag:s2] =	dma.local @!p0 [hbm:s0], s1  }
0xfa: {  	s0 =	simm.s32 @!p0 $0x3  }
0xfb: {  	_ =	swait.ge @!p0 [sflag:s0], s1  }
0xfc: {  	s1 =	ssub.s32 @!p0 $0x0, s1;
	[sflag:s0] =	ssyncset.done @!p0 $0x0  }
0xfd: {  	[sflag:s0] =	ssyncadd.s32 @!p0 s1  }
0xfe: {  	[bflag:$0x3] =	sbarrier.arrive $0xFFFF  }
0xff: {  	_ =	shalt  }

// kernel: kernel.17.cloned.1.call-start
scs
__scs_entry_jumppad:
0x0: {  	(pc) =	sbr.rel $0x88, $3  }
0x1: {  	(tag) =	ssettag $0x0;
	lr =	simm.s32 $0x1  }
0x2: {  	[smem:$0x3F95] =	sst lr;
	_ =	strace $0xD0000000  }
0x3: {  	_ = 	snop  }
0x4: {  	_ = 	snop  }
0x5: {  	_ = 	snop  }
0x6: {  	_ = 	snop  }
0x7: {  	_ = 	snop  }
__scs_overlays_trampoline_lowered:
0x8: {  	[smem:$0x3FA4] =	sst s0  }
0x9: {  	[smem:$0x3FA5] =	sst s1  }
0xa: {  	[smem:$0x3FA6] =	sst s2  }
0xb: {  	[smem:$0x3FA7] =	sst s3  }
0xc: {  	[smem:$0x3FA8] =	sst s4  }
0xd: {  	[smem:$0x3FA9] =	sst s5  }
0xe: {  	[smem:$0x3FAA] =	sst s6  }
0xf: {  	[smem:$0x3FAB] =	sst s7  }
0x10: {  	[smem:$0x3FAC] =	sst s8  }
0x11: {  	[smem:$0x3FAD] =	sst s9;
	s0 =	simm.s32 @!p0 $0x0  }
0x12: {  	s1 =	sld [smem:$0x3F93];
	s0 =	simm.s32 @p0 $0x1  }
0x13: {  	[smem:$0x3FAE] =	sst s0;
	s0 =	simm.s32 @!p1 $0x0  }
0x14: {  	s2 =	sld [smem:$0x3F92];
	s0 =	simm.s32 @p1 $0x1  }
0x15: {  	[smem:$0x3FAF] =	sst s0;
	s0 =	simm.s32 @!p2 $0x0  }
0x16: {  	s3 =	sld [smem:$0x3FDB];
	s0 =	simm.s32 @p2 $0x1  }
0x17: {  	s4 =	simm.s32 $0x1BF5;
	[smem:$0x3FB1] =	sst s0  }
0x18: {  	s0 =	sld [smem:$0x3F94];
	_ =	swait.ge [sflag:s4], $0x0  }
0x19: {  	s7 =	sld [smem:$0x3F95]  }
0x1a: {  	s8 =	sadd.s32 $0xFFFFE003, lr  }
0x1b: {  	s9 =	sadd.s32 $0xFFFFFEF7, lr;
	s5 =	simm.s32 $0xFFFFFFFF;
	p2 =	slt.u32 s8, $0xFFFFF086  }
0x1c: {  	p1 =	slt.u32 s9, $0xF7A;
	s5 =	simm.s32 @!p2 $0x0  }
0x1d: {  	s5 =	simm.s32 @p1 $0x1;
	p0 =	seq.s32 s7, s2  }
0x1e: {  	s7 =	smul.u32 @!p0 $0xF7A, s2;
	p2 =	seq.s32 @!p0 s5, $0x0  }
0x1f: {  	s9 =	smul.u32 $0xF7A, s1;
	s8 =	simm.s32 @!p0 $0x1BF5;
	p2 =	por !p2, p0  }
0x20: {  	[sflag:s8] =	ssyncset.s32 @!p0 $0xFFFFF086;
	s6 =	sadd.s32 @!p0 s3, s7;
	s7 =	simm.s32 @!p0 $0x108  }
0x21: {  	s3 =	sadd.s32 s3, s9;
	s6 =	sadd.s32 @!p0 $0x88, s6;
	s7 =	simm.s32 @p2 $0x1082  }
0x22: {  	[simem:s7], [sflag:s8] =	dma.local @!p0 [hbm:s6], $0xF7A  }
0x23: {  	s9 =	sor.u32 $0xD0000000, s2;
	s6 =	simm.s32 $0x108;
	_ =	swait.ge @!p0 [sflag:s8], $0x0  }
0x24: {  	s3 =	sadd.s32 $0x88, s3;
	s6 =	simm.s32 @!p1 $0x1082;
	[sflag:s4] =	ssyncset.s32 $0xFFFFF086  }
0x25: {  	[simem:s6], [sflag:s4] =	dma.local [hbm:s3], $0xF7A  }
0x26: {  	[smem:$0x3F95] =	sst s1;
	(tag) =	ssettag s2;
	_ =	strace s9  }
0x27: {  	s1 =	sld [smem:$0x3FA5]  }
0x28: {  	s2 =	sld [smem:$0x3FA6]  }
0x29: {  	s4 =	sld [smem:$0x3FA8]  }
0x2a: {  	p0 =	seq.s32 s5, $0x0;
	s5 =	sld [smem:$0x3FA9]  }
0x2b: {  	s6 =	sld [smem:$0x3FAA]  }
0x2c: {  	s7 =	sld [smem:$0x3FAB]  }
0x2d: {  	s3 =	simm.s32 $0x108;
	s8 =	sld [smem:$0x3FAC]  }
0x2e: {  	s3 =	simm.s32 @!p0 $0x1082;
	s9 =	sld [smem:$0x3FAD]  }
0x2f: {  	lr =	sadd.s32 s0, s3;
	s0 =	sld [smem:$0x3FA4]  }
0x30: {  	s3 =	sld [smem:$0x3FA7]  }
0x31: {  	[smem:$0x3FB0] =	sst s10  }
0x32: {  	s10 =	sld [smem:$0x3FAE];
	_ =	sdelay $0x3  }
0x33: {  	p0 =	seq.s32 s10, $0x1;
	s10 =	sld [smem:$0x3FB0];
	_ =	sdelay $0x3  }
0x34: {  	[smem:$0x3FB0] =	sst s10  }
0x35: {  	s10 =	sld [smem:$0x3FAF];
	_ =	sdelay $0x3  }
0x36: {  	p1 =	seq.s32 s10, $0x1;
	s10 =	sld [smem:$0x3FB0];
	_ =	sdelay $0x3  }
0x37: {  	[smem:$0x3FB0] =	sst s10  }
0x38: {  	s10 =	sld [smem:$0x3FB1]  }
0x39: {  	_ = 	snop;
	(pc) =	sbr.ind lr, $3  }
0x3a: {  	_ = 	snop  }
0x3b: {  	_ = 	snop  }
0x3c: {  	p2 =	seq.s32 s10, $0x1;
	s10 =	sld [smem:$0x3FB0]  }
0x3d: {  	_ =	shalt  }
0x3e: {  	_ =	shalt  }
0x3f: {  	_ =	shalt  }
0x40: {  	_ =	shalt  }
0x41: {  	_ =	shalt  }
0x42: {  	_ =	shalt  }
0x43: {  	_ =	shalt  }
0x44: {  	_ =	shalt  }
0x45: {  	_ =	shalt  }
0x46: {  	_ =	shalt  }
0x47: {  	_ =	shalt  }
0x48: {  	_ =	shalt  }
0x49: {  	_ =	shalt  }
0x4a: {  	_ =	shalt  }
0x4b: {  	_ =	shalt  }
0x4c: {  	_ =	shalt  }
0x4d: {  	_ =	shalt  }
0x4e: {  	_ =	shalt  }
0x4f: {  	_ =	shalt  }
0x50: {  	_ =	shalt  }
0x51: {  	_ =	shalt  }
0x52: {  	_ =	shalt  }
0x53: {  	_ =	shalt  }
0x54: {  	_ =	shalt  }
0x55: {  	_ =	shalt  }
0x56: {  	_ =	shalt  }
0x57: {  	_ =	shalt  }
0x58: {  	_ =	shalt  }
0x59: {  	_ =	shalt  }
0x5a: {  	_ =	shalt  }
0x5b: {  	_ =	shalt  }
0x5c: {  	_ =	shalt  }
0x5d: {  	_ =	shalt  }
0x5e: {  	_ =	shalt  }
0x5f: {  	_ =	shalt  }
0x60: {  	_ =	shalt  }
0x61: {  	_ =	shalt  }
0x62: {  	_ =	shalt  }
0x63: {  	_ =	shalt  }
0x64: {  	_ =	shalt  }
0x65: {  	_ =	shalt  }
0x66: {  	_ =	shalt  }
0x67: {  	_ =	shalt  }
0x68: {  	_ =	shalt  }
0x69: {  	_ =	shalt  }
0x6a: {  	_ =	shalt  }
0x6b: {  	_ =	shalt  }
0x6c: {  	_ =	shalt  }
0x6d: {  	_ =	shalt  }
0x6e: {  	_ =	shalt  }
0x6f: {  	_ =	shalt  }
0x70: {  	_ =	shalt  }
0x71: {  	_ =	shalt  }
0x72: {  	_ =	shalt  }
0x73: {  	_ =	shalt  }
0x74: {  	_ =	shalt  }
0x75: {  	_ =	shalt  }
0x76: {  	_ =	shalt  }
0x77: {  	_ =	shalt  }
0x78: {  	_ =	shalt  }
0x79: {  	_ =	shalt  }
0x7a: {  	_ =	shalt  }
0x7b: {  	_ =	shalt  }
0x7c: {  	_ =	shalt  }
0x7d: {  	_ =	shalt  }
0x7e: {  	_ =	shalt  }
0x7f: {  	_ =	shalt  }
0x80: {  	_ =	shalt  }
0x81: {  	_ =	shalt  }
0x82: {  	_ =	shalt  }
0x83: {  	_ =	shalt  }
0x84: {  	_ =	shalt  }
0x85: {  	_ =	shalt  }
0x86: {  	_ =	shalt  }
0x87: {  	_ =	shalt  }
.Lfunc_end0:
.L_simem_size_0:
called_computation.2_lowered:
.L_overlay_start_0:
0x88: {  	s2 =	sld [smem:$0x3FD9]  }
0x89: {  	s3 =	sld [smem:$0x3FFE];
	_ =	sdelay $0x1  }
0x8a: {  	s1 =	srdreg.scid  }
0x8b: {  	s0 =	sand.u32 $0x1, s1  }
0x8c: {  	s14 =	sshll.u32 s0, $0xA;
	s2 =	sadd.s32 s3, s2  }
0x8d: {  	s2 =	sadd.s32 s2, s14  }
0x8e: {  	[smem:$0x3FBC] =	sst s2  }
0x8f: {  	_ = 	snop  }
0x90: {  	s2 =	sld [smem:$0x3FD0];
	_ =	sdelay $0x2  }
0x91: {  	s15 =	simm.s32 $0xA;
	s4 =	simm.s32 $0x10  }
0x92: {  	[smem:s4], [sflag:s15] =	dma.local [hbm:s2], $0x1  }
0x93: {  	_ =	swait.eq [sflag:s15], $0x1  }
0x94: {  	[sflag:s15] =	ssyncset.done $0x0  }
0x95: {  	s16 =	sld [smem:$0x10];
	[sflag:s15] =	ssyncadd.s32 $0xFFFFFFFF  }
0x96: {  	s17 =	sld [smem:$0x11];
	(tm) =	ssettm $0x1  }
0x97: {  	s18 =	sld [smem:$0x3FFB];
	_ =	sdelay $0x3  }
0x98: {  	_ =	strace s18  }
0x99: {  	s4 =	sld [smem:$0x3FFC];
	_ =	sdelay $0x3  }
0x9a: {  	_ =	strace s4  }
0x9b: {  	s4 =	sld [smem:$0x3FFD];
	_ =	sdelay $0x3  }
0x9c: {  	_ =	strace s4  }
0x9d: {  	_ =	strace $0x8FFFFFFF  }
0x9e: {  	s19 =	sld [smem:$0x3FDB];
	_ =	sdelay $0x1  }
0x9f: {  	s5 =	simm.s32 $_scs_section_size  }
0xa0: {  	s6 =	simm.s32 $_size__tile_overlayer_lowered;
	s7 =	simm.s32 $_tile_overlayer_lowered  }
0xa1: {  	s22 =	simm.s32 $0x1BFF;
	s21 =	sshll.u32 s7, $0x1;
	s4 =	sadd.s32 s5, s19  }
0xa2: {  	s8 =	simm.s32 $0x0;
	s20 =	sshll.u32 s6, $0x1;
	s6 =	sadd.s32 s21, s4  }
0xa3: {  	[timem:s8], [sflag:s22] =	dma.local [hbm:s6], s20  }
0xa4: {  	_ =	swait.ge [sflag:s22], s20  }
0xa5: {  	s5 =	ssub.s32 $0x0, s20;
	[sflag:s22] =	ssyncset.done $0x0  }
0xa6: {  	[sflag:s22] =	ssyncadd.s32 s5;
	_ =	sdelay $0x1  }
0xa7: {  	s23 =	simm.s32 $0x1B8B  }
0xa8: {  	_ =	swait.ge [sflag:s23], $0x1  }
0xa9: {  	[sflag:s23] =	ssyncset.done $0x0  }
0xaa: {  	s25 =	simm.s32 $0x1B8E;
	s24 =	sld [smem:$0x3FFE];
	[sflag:s23] =	ssyncadd.s32 $0xFFFFFFFF  }
0xab: {  	s26 =	simm.s32 $execute0_lowered;
	[smem:$0x3FD2] =	sst s25  }
0xac: {  	s6 =	sshll.u32 s26, $0x1;
	_ =	strace $0x8000004C;
	[dreg:$0x1] =	wrdreg $0xFFFFFFFF  }
0xad: {  	s28 =	simm.s32 $_size_execute0_lowered;
	s4 =	sadd.s32 s4, s6;
	[dreg:$0x0] =	wrdreg $0x0  }
0xae: {  	s6 =	sshll.u32 s28, $0x1;
	[dreg:$0x2] =	wrdreg s4  }
0xaf: {  	[dreg:$0x3] =	wrdreg s6  }
0xb0: {  	[dreg:$0x4] =	wrdreg $0xC0  }
0xb1: {  	_ =	task [dreg:s8], $0x5FFFF  }
0xb2: {  	[dreg:$0x1] =	wrdreg $0xFFFFFFFF  }
0xb3: {  	[dreg:$0x0] =	wrdreg $0x60  }
0xb4: {  	[dreg:$0x2] =	wrdreg s24  }
0xb5: {  	[dreg:$0x3] =	wrdreg s16  }
0xb6: {  	[dreg:$0x4] =	wrdreg s17  }
0xb7: {  	[dreg:$0x5] =	wrdreg $0xA8000  }
0xb8: {  	[dreg:$0x6] =	wrdreg $0x9  }
0xb9: {  	_ =	task.clear_ibuf [dreg:s8], $0x7FFFF;
	_ =	strace $0x9000004C  }
0xba: {  	s29 =	simm.s32 $0x9;
	_ =	strace $0x8000004E  }
0xbb: {  	_ =	swait.ge [sflag:s29], $0x1  }
0xbc: {  	[sflag:s29] =	ssyncadd.s32 $0xFFFFFFFF  }
0xbd: {  	_ =	strace $0x9000004E  }
0xbe: {  	_ =	sfence  }
0xbf: {  	s30 =	sld [smem:$0x0];
	_ =	sdelay $0x2  }
0xc0: {  	s31 =	sshll.u32 s1, $0xD;
	s1 =	sshrl.u32 s1, $0x2  }
0xc1: {  	s3 =	sand.u32 $0x4000, s31;
	s1 =	sadd.s32 s1, s30  }
0xc2: {  	s0 =	sor.u32 s3, s0;
	s1 =	sshll.u32 s1, $0x11  }
0xc3: {  	s0 =	sor.u32 s1, s0  }
0xc4: {  	s0 =	sadd.s32 $0x8F2B, s0  }
0xc5: {  	[sflag:s0] =	ssyncadd.remote.s32 $0x1  }
0xc6: {  	_ =	sfence.sel $0xFFFF  }
0xc7: {  	[dreg:$0x0] =	wrdreg $0xFFFFFFFF;
	(pc) =	sbr.abs _section_cstart, $3  }
0xc8: {  	[dreg:$0x1] =	wrdreg $0xFFFFFFFF  }
0xc9: {  	_ =	task.clear_ibuf [dreg:s8], $0x2FFFF;
	_ =	strace $0x9FFFFFFF  }
0xca: {  	(tm) =	ssettm $0x7FFFFFFF  }
0xcb: {  	_ =	shalt  }
tec
execute0_lowered:
.L_overlay_start_1:
0x0: {  	(tag) =	ssettag $0x1  }
0x1: {  	s0 =	rddreg [dreg:$0x0]  }
0x2: {  	s3 =	rddreg [dreg:$0x1]  }
0x3: {  	s5 =	rddreg [dreg:$0x2]  }
0x4: {  	s1 =	rddreg [dreg:$0x3];
	s2 =	simm.s32 $0x0  }
0x5: {  	s4 =	srdreg.scid;
	s11 =	stileid.u32;
	s12 =	simm.s32 $0x1400  }
0x6: {  	s13 =	simm.s32 $0x20;
	s14 =	simm.s32 $0x2800;
	s15 =	simm.s32 $0x3800  }
0x7: {  	s16 =	simm.s32 $0x40;
	s17 =	simm.s32 $0x4800;
	s18 =	simm.s32 $0x60  }
0x8: {  	s19 =	simm.s32 $0x5800;
	s20 =	simm.s32 $0x6800;
	s28 =	simm.s32 $0x2  }
0x9: {  	s29 =	simm.s32 $0x1380;
	s30 =	simm.s32 $0x13A0;
	s31 =	simm.s32 $0x13C0  }
0xa: {  	[smem:$0x7FF] =	sst s2;
	s6 =	sand.u32 $0x1, s4;
	s9 =	smul.u32 $0x4F000, s11  }
0xb: {  	s4 =	sadd.s32 $0x6A00, s0;
	s8 =	sadd.s32 $0x4200, s0;
	s25 =	smul.u32 $0x2780, s11  }
0xc: {  	s24 =	sshll.u32 s11, $0x6;
	_ =	strace $0x8000004D;
	s7 =	smul.u32 $0x27800, s6  }
0xd: {  	[dreg:$0x6] =	wrdreg s8;
	s21 =	sshll.u32 s6, $0x4;
	s6 =	ssub.s32 $0x2, s6  }
0xe: {  	s24 =	sor.u32 $0x1C03, s24;
	s22 =	sor.u32 s11, s21;
	s23 =	sshrl.u32 s6, $0x1  }
0xf: {  	s9 =	sshrl.u32 s9, $0x2;
	s11 =	simm.s32 $0x3;
	s21 =	simm.s32 $0x7800  }
0x10: {  	[dreg:$0x7] =	wrdreg s24;
	s0 =	sadd.s32 s7, s0;
	s10 =	smul.u32 $0x500, s22  }
0x11: {  	s6 =	ssub.s32 s6, s23;
	s9 =	sadd.s32 s9, s1;
	s22 =	simm.s32 $0x8800  }
0x12: {  	s23 =	simm.s32 $0x9800;
	s0 =	sadd.s32 $0x2E200, s0;
	s26 =	smax.u32 s6, $0x1  }
0x13: {  	s9 =	sshrl.u32 s9, $0x3;
	s7 =	sadd.s32 s3, s10;
	s8 =	sadd.s32 s5, s10  }
0x14: {  	[dreg:$0x8] =	wrdreg s26;
	s0 =	sadd.s32 s25, s0;
	s25 =	simm.s32 $0x1  }
0x15: {  	s26 =	simm.s32 $0x80;
	s3 =	simm.s32 $0x2700;
	[dreg:$0x9] =	wrdreg s9  }
0x16: {  	s5 =	simm.s32 $0x2780;
	[dreg:$0xa] =	wrdreg s0;
	s0 =	simm.s32 $0x13E0  }
.LBB2_1:
0x17: {  	[dreg:$0x5] =	wrdreg s2  }
0x18: {  	s10 =	rddreg [dreg:$0x6]  }
0x19: {  	[spmem:s9], [sflag:s24] =	dma.local [hbm:s10], $0x2780  }
0x1a: {  	_ =	swait.ge [sflag:s11], $0x2780  }
0x1b: {  	[sflag:s11] =	ssyncset.done $0x0  }
0x1c: {  	[sflag:s11] =	ssyncadd.s32 $0xFFFFD880  }
0x1d: {  	p1 =	por $0x1, $0x1;
	s6 =	simm.s32 $0x0;
	[bflag:$0x0] =	sbarrier.arrive $0xFFFF  }
.LBB2_2:
0x1e: {  	s9 =	sadd.s32 s6, s7;
	s10 =	simm.s32 $0x0  }
0x1f: {  	[tilespmem:s10], [sflag:$0x3] =	stream.linear.gather [hbm4b:s9+s10], $0x1400, $0x38;
	[tilespmem:$0x1E400] =	vst v63  }
0x20: {  	_ =	swait.ge [sflag:s11], $0x1400  }
0x21: {  	[sflag:s11] =	ssyncset.done $0x0  }
0x22: {  	s9 =	sadd.s32 s6, s8;
	[sflag:s11] =	ssyncadd.s32 $0xFFFFEC00  }
0x23: {  	[tilespmem:s12], [sflag:$0x3] =	stream.linear.gather [hbm4b:s9+s10], $0x1400, $0x38;
	[tilespmem:$0x1E400] =	vst v63  }
0x24: {  	_ =	swait.ge [sflag:s11], $0x1400  }
0x25: {  	[sflag:s11] =	ssyncset.done $0x0  }
0x26: {  	[sflag:s11] =	ssyncadd.s32 $0xFFFFEC00  }
0x27: {  	[tilespmem:s14], [sflag:$0x1] =	stream.indirect.gather [hbm4b:s4+s13], $0x80, s10, s13, $0xb8;
	[tilespmem:$0x1E400] =	vst v63  }
0x28: {  	_ = 	snop  }
0x29: {  	[tilespmem:s15], [sflag:$0x1] =	stream.indirect.gather [hbm4b:s4+s13], $0x80, s13, s13, $0xb8;
	[tilespmem:$0x1E400] =	vst v63  }
0x2a: {  	_ = 	snop  }
0x2b: {  	[tilespmem:s17], [sflag:$0x1] =	stream.indirect.gather [hbm4b:s4+s13], $0x80, s16, s13, $0xb8;
	[tilespmem:$0x1E400] =	vst v63  }
0x2c: {  	_ = 	snop  }
0x2d: {  	[tilespmem:s19], [sflag:$0x1] =	stream.indirect.gather [hbm4b:s4+s13], $0x80, s18, s13, $0xb8;
	[tilespmem:$0x1E400] =	vst v63  }
0x2e: {  	s10 =	simm.s32 $0x80  }
0x2f: {  	[tilespmem:s20], [sflag:$0x2] =	stream.indirect.gather [hbm4b:s4+s13], $0x80, s10, s13, $0xb8;
	[tilespmem:$0x1E400] =	vst v63  }
0x30: {  	s24 =	simm.s32 $0xA0  }
0x31: {  	[tilespmem:s21], [sflag:$0x2] =	stream.indirect.gather [hbm4b:s4+s13], $0x80, s24, s13, $0xb8;
	[tilespmem:$0x1E400] =	vst v63  }
0x32: {  	s2 =	simm.s32 $0xC0  }
0x33: {  	[tilespmem:s22], [sflag:$0x2] =	stream.indirect.gather [hbm4b:s4+s13], $0x80, s2, s13, $0xb8;
	[tilespmem:$0x1E400] =	vst v63  }
0x34: {  	s9 =	simm.s32 $0xE0  }
0x35: {  	[tilespmem:s23], [sflag:$0x2] =	stream.indirect.gather [hbm4b:s4+s13], $0x80, s9, s13, $0xb8;
	[tilespmem:$0x1E400] =	vst v63  }
0x36: {  	_ =	swait.ge [sflag:s25], $0x1000  }
0x37: {  	[sflag:s25] =	ssyncset.done $0x0  }
0x38: {  	[sflag:s25] =	ssyncadd.s32 $0xFFFFF000  }
0x39: {  	_ =	swait.ge [sflag:s25], $0x1000  }
0x3a: {  	[sflag:s25] =	ssyncset.done $0x0  }
0x3b: {  	[sflag:s25] =	ssyncadd.s32 $0xFFFFF000  }
0x3c: {  	_ =	swait.ge [sflag:s25], $0x1000  }
0x3d: {  	[sflag:s25] =	ssyncset.done $0x0  }
0x3e: {  	[sflag:s25] =	ssyncadd.s32 $0xFFFFF000  }
0x3f: {  	_ =	swait.ge [sflag:s25], $0x1000  }
0x40: {  	[sflag:s25] =	ssyncset.done $0x0  }
0x41: {  	s10 =	simm.s32 $0x1400;
	[sflag:s25] =	ssyncadd.s32 $0xFFFFF000  }
0x42: {  	[spmem:s1] =	stream.indirect.scatter.add.f32 [tilespmem:s14], [sflag:$0x3], $0x80, s10, s26, $0xb8;
	[tilespmem:$0x1E400] =	vst v63  }
0x43: {  	_ =	swait.ge [sflag:s11], $0x4000  }
0x44: {  	[sflag:s11] =	ssyncset.done $0x0  }
0x45: {  	s24 =	simm.s32 $0x100;
	[sflag:s11] =	ssyncadd.s32 $0xFFFFC000  }
0x46: {  	[tilespmem:s14], [sflag:$0x1] =	stream.indirect.gather [hbm4b:s4+s13], $0x80, s24, s13, $0xb8;
	[tilespmem:$0x1E400] =	vst v63  }
0x47: {  	s2 =	simm.s32 $0x120  }
0x48: {  	[tilespmem:s15], [sflag:$0x1] =	stream.indirect.gather [hbm4b:s4+s13], $0x80, s2, s13, $0xb8;
	[tilespmem:$0x1E400] =	vst v63  }
0x49: {  	s9 =	simm.s32 $0x140  }
0x4a: {  	[tilespmem:s17], [sflag:$0x1] =	stream.indirect.gather [hbm4b:s4+s13], $0x80, s9, s13, $0xb8;
	[tilespmem:$0x1E400] =	vst v63  }
0x4b: {  	s10 =	simm.s32 $0x160  }
0x4c: {  	[tilespmem:s19], [sflag:$0x1] =	stream.indirect.gather [hbm4b:s4+s13], $0x80, s10, s13, $0xb8;
	[tilespmem:$0x1E400] =	vst v63  }
0x4d: {  	_ =	swait.ge [sflag:s28], $0x1000  }
0x4e: {  	[sflag:s28] =	ssyncset.done $0x0  }
0x4f: {  	[sflag:s28] =	ssyncadd.s32 $0xFFFFF000  }
0x50: {  	_ =	swait.ge [sflag:s28], $0x1000  }
0x51: {  	[sflag:s28] =	ssyncset.done $0x0  }
0x52: {  	[sflag:s28] =	ssyncadd.s32 $0xFFFFF000  }
0x53: {  	_ =	swait.ge [sflag:s28], $0x1000  }
0x54: {  	[sflag:s28] =	ssyncset.done $0x0  }
0x55: {  	[sflag:s28] =	ssyncadd.s32 $0xFFFFF000  }
0x56: {  	_ =	swait.ge [sflag:s28], $0x1000  }
0x57: {  	[sflag:s28] =	ssyncset.done $0x0  }
0x58: {  	s24 =	simm.s32 $0x1480;
	[sflag:s28] =	ssyncadd.s32 $0xFFFFF000  }
0x59: {  	[spmem:s1] =	stream.indirect.scatter.add.f32 [tilespmem:s20], [sflag:$0x3], $0x80, s24, s26, $0xb8;
	[tilespmem:$0x1E400] =	vst v63  }
0x5a: {  	p0 =	por p1, p1;
	_ =	swait.ge [sflag:s11], $0x4000  }
0x5b: {  	s9 =	simm.s32 $0x100;
	s24 =	simm.s32 $0x800;
	[sflag:s11] =	ssyncset.done $0x0  }
.LBB2_3:
0x5c: {  	s2 =	sadd.s32 $0x80, s9  }
0x5d: {  	[sflag:s11] =	ssyncadd.s32 $0xFFFFC000;
	s6 =	smov.u32 s24;
	s10 =	sadd.s32 $0x400, s24  }
0x5e: {  	[tilespmem:s20], [sflag:$0x2] =	stream.indirect.gather [hbm4b:s4+s13], $0x80, s2, s13, $0xb8;
	[tilespmem:$0x1E400] =	vst v63  }
0x5f: {  	p1 =	sne.s32 s24, $0x4800;
	s2 =	sadd.s32 $0xA0, s9  }
0x60: {  	[tilespmem:s21], [sflag:$0x2] =	stream.indirect.gather [hbm4b:s4+s13], $0x80, s2, s13, $0xb8;
	[tilespmem:$0x1E400] =	vst v63  }
0x61: {  	s2 =	sadd.s32 $0xC0, s9  }
0x62: {  	[tilespmem:s22], [sflag:$0x2] =	stream.indirect.gather [hbm4b:s4+s13], $0x80, s2, s13, $0xb8;
	[tilespmem:$0x1E400] =	vst v63  }
0x63: {  	s2 =	sadd.s32 $0xE0, s9  }
0x64: {  	[tilespmem:s23], [sflag:$0x2] =	stream.indirect.gather [hbm4b:s4+s13], $0x80, s2, s13, $0xb8;
	[tilespmem:$0x1E400] =	vst v63  }
0x65: {  	_ =	swait.ge [sflag:s25], $0x1000  }
0x66: {  	[sflag:s25] =	ssyncset.done $0x0  }
0x67: {  	[sflag:s25] =	ssyncadd.s32 $0xFFFFF000  }
0x68: {  	_ =	swait.ge [sflag:s25], $0x1000  }
0x69: {  	[sflag:s25] =	ssyncset.done $0x0  }
0x6a: {  	[sflag:s25] =	ssyncadd.s32 $0xFFFFF000  }
0x6b: {  	_ =	swait.ge [sflag:s25], $0x1000  }
0x6c: {  	[sflag:s25] =	ssyncset.done $0x0  }
0x6d: {  	[sflag:s25] =	ssyncadd.s32 $0xFFFFF000  }
0x6e: {  	_ =	swait.ge [sflag:s25], $0x1000  }
0x6f: {  	[sflag:s25] =	ssyncset.done $0x0  }
0x70: {  	s2 =	sadd.s32 $0x1400, s9;
	[sflag:s25] =	ssyncadd.s32 $0xFFFFF000  }
0x71: {  	[spmem:s1] =	stream.indirect.scatter.add.f32 [tilespmem:s14], [sflag:$0x3], $0x80, s2, s26, $0xb8;
	[tilespmem:$0x1E400] =	vst v63  }
0x72: {  	_ =	swait.ge [sflag:s11], $0x4000  }
0x73: {  	[sflag:s11] =	ssyncset.done $0x0  }
0x74: {  	s2 =	sadd.s32 $0x100, s9;
	[sflag:s11] =	ssyncadd.s32 $0xFFFFC000  }
0x75: {  	[tilespmem:s14], [sflag:$0x1] =	stream.indirect.gather [hbm4b:s4+s13], $0x80, s2, s13, $0xb8;
	[tilespmem:$0x1E400] =	vst v63  }
0x76: {  	s2 =	sadd.s32 $0x120, s9  }
0x77: {  	[tilespmem:s15], [sflag:$0x1] =	stream.indirect.gather [hbm4b:s4+s13], $0x80, s2, s13, $0xb8;
	[tilespmem:$0x1E400] =	vst v63  }
0x78: {  	s2 =	sadd.s32 $0x140, s9  }
0x79: {  	[tilespmem:s17], [sflag:$0x1] =	stream.indirect.gather [hbm4b:s4+s13], $0x80, s2, s13, $0xb8;
	[tilespmem:$0x1E400] =	vst v63  }
0x7a: {  	s2 =	sadd.s32 $0x160, s9  }
0x7b: {  	[tilespmem:s19], [sflag:$0x1] =	stream.indirect.gather [hbm4b:s4+s13], $0x80, s2, s13, $0xb8;
	[tilespmem:$0x1E400] =	vst v63  }
0x7c: {  	_ =	swait.ge [sflag:s28], $0x1000  }
0x7d: {  	[sflag:s28] =	ssyncset.done $0x0  }
0x7e: {  	[sflag:s28] =	ssyncadd.s32 $0xFFFFF000  }
0x7f: {  	_ =	swait.ge [sflag:s28], $0x1000  }
0x80: {  	[sflag:s28] =	ssyncset.done $0x0  }
0x81: {  	[sflag:s28] =	ssyncadd.s32 $0xFFFFF000  }
0x82: {  	_ =	swait.ge [sflag:s28], $0x1000  }
0x83: {  	[sflag:s28] =	ssyncset.done $0x0  }
0x84: {  	[sflag:s28] =	ssyncadd.s32 $0xFFFFF000  }
0x85: {  	_ =	swait.ge [sflag:s28], $0x1000  }
.Ltmp0:
0x86: {  	[sflag:s28] =	ssyncset.done $0x0;
	(pc) =	sbr.rel @p1 .LBB2_3-.Ltmp0, $4  }
0x87: {  	s2 =	sadd.s32 $0x1480, s9;
	[sflag:s28] =	ssyncadd.s32 $0xFFFFF000  }
0x88: {  	[spmem:s1] =	stream.indirect.scatter.add.f32 [tilespmem:s20], [sflag:$0x3], $0x80, s2, s26, $0xb8;
	[tilespmem:$0x1E400] =	vst v63  }
0x89: {  	_ =	swait.ge [sflag:s11], $0x4000  }
0x8a: {  	s24 =	smov.u32 s10;
	s9 =	sshra.s32 s6, $0x2;
	[sflag:s11] =	ssyncset.done $0x0  }
0x8b: {  	s2 =	sadd.s32 $0x80, s9;
	[sflag:s11] =	ssyncadd.s32 $0xFFFFC000  }
0x8c: {  	[tilespmem:s20], [sflag:$0x2] =	stream.indirect.gather [hbm4b:s4+s13], $0x80, s2, s13, $0xb8;
	[tilespmem:$0x1E400] =	vst v63  }
0x8d: {  	s6 =	sadd.s32 $0xA0, s9  }
0x8e: {  	[tilespmem:s21], [sflag:$0x2] =	stream.indirect.gather [hbm4b:s4+s13], $0x80, s6, s13, $0xb8;
	[tilespmem:$0x1E400] =	vst v63  }
0x8f: {  	s10 =	sadd.s32 $0xC0, s9  }
0x90: {  	[tilespmem:s22], [sflag:$0x2] =	stream.indirect.gather [hbm4b:s4+s13], $0x80, s10, s13, $0xb8;
	[tilespmem:$0x1E400] =	vst v63  }
0x91: {  	s24 =	sadd.s32 $0xE0, s9  }
0x92: {  	[tilespmem:s23], [sflag:$0x2] =	stream.indirect.gather [hbm4b:s4+s13], $0x80, s24, s13, $0xb8;
	[tilespmem:$0x1E400] =	vst v63  }
0x93: {  	_ =	swait.ge [sflag:s25], $0x1000  }
0x94: {  	[sflag:s25] =	ssyncset.done $0x0  }
0x95: {  	[sflag:s25] =	ssyncadd.s32 $0xFFFFF000  }
0x96: {  	_ =	swait.ge [sflag:s25], $0x1000  }
0x97: {  	[sflag:s25] =	ssyncset.done $0x0  }
0x98: {  	[sflag:s25] =	ssyncadd.s32 $0xFFFFF000  }
0x99: {  	_ =	swait.ge [sflag:s25], $0x1000  }
0x9a: {  	[sflag:s25] =	ssyncset.done $0x0  }
0x9b: {  	[sflag:s25] =	ssyncadd.s32 $0xFFFFF000  }
0x9c: {  	_ =	swait.ge [sflag:s25], $0x1000  }
0x9d: {  	[sflag:s25] =	ssyncset.done $0x0  }
0x9e: {  	s6 =	sadd.s32 $0x1400, s9;
	[sflag:s25] =	ssyncadd.s32 $0xFFFFF000  }
0x9f: {  	[spmem:s1] =	stream.indirect.scatter.add.f32 [tilespmem:s14], [sflag:$0x3], $0x80, s6, s26, $0xb8;
	[tilespmem:$0x1E400] =	vst v63  }
0xa0: {  	_ =	swait.ge [sflag:s11], $0x4000  }
0xa1: {  	[sflag:s11] =	ssyncset.done $0x0  }
0xa2: {  	s10 =	sadd.s32 $0x100, s9;
	[sflag:s11] =	ssyncadd.s32 $0xFFFFC000  }
0xa3: {  	[tilespmem:s14], [sflag:$0x1] =	stream.indirect.gather [hbm4b:s4+s13], $0x80, s10, s13, $0xb8;
	[tilespmem:$0x1E400] =	vst v63  }
0xa4: {  	s24 =	sadd.s32 $0x120, s9  }
0xa5: {  	[tilespmem:s15], [sflag:$0x1] =	stream.indirect.gather [hbm4b:s4+s13], $0x80, s24, s13, $0xb8;
	[tilespmem:$0x1E400] =	vst v63  }
0xa6: {  	s6 =	sadd.s32 $0x140, s9  }
0xa7: {  	[tilespmem:s17], [sflag:$0x1] =	stream.indirect.gather [hbm4b:s4+s13], $0x80, s6, s13, $0xb8;
	[tilespmem:$0x1E400] =	vst v63  }
0xa8: {  	s10 =	sadd.s32 $0x160, s9  }
0xa9: {  	[tilespmem:s19], [sflag:$0x1] =	stream.indirect.gather [hbm4b:s4+s13], $0x80, s10, s13, $0xb8;
	[tilespmem:$0x1E400] =	vst v63  }
0xaa: {  	_ =	swait.ge [sflag:s28], $0x1000  }
0xab: {  	[sflag:s28] =	ssyncset.done $0x0  }
0xac: {  	[sflag:s28] =	ssyncadd.s32 $0xFFFFF000  }
0xad: {  	_ =	swait.ge [sflag:s28], $0x1000  }
0xae: {  	[sflag:s28] =	ssyncset.done $0x0  }
0xaf: {  	[sflag:s28] =	ssyncadd.s32 $0xFFFFF000  }
0xb0: {  	_ =	swait.ge [sflag:s28], $0x1000  }
0xb1: {  	[sflag:s28] =	ssyncset.done $0x0  }
0xb2: {  	[sflag:s28] =	ssyncadd.s32 $0xFFFFF000  }
0xb3: {  	_ =	swait.ge [sflag:s28], $0x1000  }
0xb4: {  	[sflag:s28] =	ssyncset.done $0x0  }
0xb5: {  	s24 =	sadd.s32 $0x1480, s9;
	[sflag:s28] =	ssyncadd.s32 $0xFFFFF000  }
0xb6: {  	[spmem:s1] =	stream.indirect.scatter.add.f32 [tilespmem:s20], [sflag:$0x3], $0x80, s24, s26, $0xb8;
	[tilespmem:$0x1E400] =	vst v63  }
0xb7: {  	_ =	swait.ge [sflag:s11], $0x4000  }
0xb8: {  	[sflag:s11] =	ssyncset.done $0x0  }
0xb9: {  	[sflag:s11] =	ssyncadd.s32 $0xFFFFC000  }
0xba: {  	[tilespmem:s20], [sflag:$0x2] =	stream.indirect.gather [hbm4b:s4+s13], $0x80, s29, s13, $0xb8;
	[tilespmem:$0x1E400] =	vst v63  }
0xbb: {  	_ = 	snop  }
0xbc: {  	[tilespmem:s21], [sflag:$0x2] =	stream.indirect.gather [hbm4b:s4+s13], $0x80, s30, s13, $0xb8;
	[tilespmem:$0x1E400] =	vst v63  }
0xbd: {  	_ = 	snop  }
0xbe: {  	[tilespmem:s22], [sflag:$0x2] =	stream.indirect.gather [hbm4b:s4+s13], $0x80, s31, s13, $0xb8;
	[tilespmem:$0x1E400] =	vst v63  }
0xbf: {  	_ = 	snop  }
0xc0: {  	[tilespmem:s23], [sflag:$0x2] =	stream.indirect.gather [hbm4b:s4+s13], $0x80, s0, s13, $0xb8;
	[tilespmem:$0x1E400] =	vst v63  }
0xc1: {  	_ =	swait.ge [sflag:s25], $0x1000  }
0xc2: {  	[sflag:s25] =	ssyncset.done $0x0  }
0xc3: {  	[sflag:s25] =	ssyncadd.s32 $0xFFFFF000  }
0xc4: {  	_ =	swait.ge [sflag:s25], $0x1000  }
0xc5: {  	[sflag:s25] =	ssyncset.done $0x0  }
0xc6: {  	[sflag:s25] =	ssyncadd.s32 $0xFFFFF000  }
0xc7: {  	_ =	swait.ge [sflag:s25], $0x1000  }
0xc8: {  	[sflag:s25] =	ssyncset.done $0x0  }
0xc9: {  	[sflag:s25] =	ssyncadd.s32 $0xFFFFF000  }
0xca: {  	_ =	swait.ge [sflag:s25], $0x1000  }
0xcb: {  	[sflag:s25] =	ssyncset.done $0x0  }
0xcc: {  	[sflag:s25] =	ssyncadd.s32 $0xFFFFF000  }
0xcd: {  	[spmem:s1] =	stream.indirect.scatter.add.f32 [tilespmem:s14], [sflag:$0x3], $0x80, s3, s26, $0xb8;
	[tilespmem:$0x1E400] =	vst v63  }
0xce: {  	_ =	swait.ge [sflag:s11], $0x4000  }
0xcf: {  	[sflag:s11] =	ssyncset.done $0x0  }
0xd0: {  	[sflag:s11] =	ssyncadd.s32 $0xFFFFC000  }
0xd1: {  	_ =	swait.ge [sflag:s28], $0x1000  }
0xd2: {  	[sflag:s28] =	ssyncset.done $0x0  }
0xd3: {  	[sflag:s28] =	ssyncadd.s32 $0xFFFFF000  }
0xd4: {  	_ =	swait.ge [sflag:s28], $0x1000  }
0xd5: {  	[sflag:s28] =	ssyncset.done $0x0  }
0xd6: {  	[sflag:s28] =	ssyncadd.s32 $0xFFFFF000  }
0xd7: {  	_ =	swait.ge [sflag:s28], $0x1000  }
0xd8: {  	[sflag:s28] =	ssyncset.done $0x0  }
0xd9: {  	[sflag:s28] =	ssyncadd.s32 $0xFFFFF000  }
0xda: {  	_ =	swait.ge [sflag:s28], $0x1000  }
0xdb: {  	[sflag:s28] =	ssyncset.done $0x0  }
.Ltmp1:
0xdc: {  	[sflag:s28] =	ssyncadd.s32 $0xFFFFF000;
	(pc) =	sbr.rel @p0 .LBB2_2-.Ltmp1, $4  }
0xdd: {  	[spmem:s1] =	stream.indirect.scatter.add.f32 [tilespmem:s20], [sflag:$0x3], $0x80, s5, s26, $0xb8;
	[tilespmem:$0x1E400] =	vst v63  }
0xde: {  	_ =	swait.ge [sflag:s11], $0x4000  }
0xdf: {  	[sflag:s11] =	ssyncset.done $0x0  }
0xe0: {  	p1 =	por $0x0, $0x0;
	s6 =	simm.s32 $0x280;
	[sflag:s11] =	ssyncadd.s32 $0xFFFFC000  }
0xe1: {  	[bflag:$0x0] =	sbarrier.arrive $0xFFFF  }
0xe2: {  	s24 =	rddreg [dreg:$0x7]  }
0xe3: {  	s9 =	rddreg [dreg:$0x9]  }
0xe4: {  	s2 =	rddreg [dreg:$0xa]  }
0xe5: {  	[hbm:s2], [sflag:s24] =	dma.local [spmem:s9], $0x2780  }
0xe6: {  	_ =	swait.ge [sflag:s11], $0x2780  }
0xe7: {  	s10 =	rddreg [dreg:$0x5]  }
0xe8: {  	s6 =	rddreg [dreg:$0x8];
	s2 =	sadd.s32 $0x1, s10  }
0xe9: {  	p0 =	sne.s32 s2, s6  }
.Ltmp2:
0xea: {  	_ = 	snop;
	(pc) =	sbr.rel @p0 .LBB2_1-.Ltmp2, $3  }
0xeb: {  	_ =	sdelay $0x1  }
0xec: {  	[sflag:s11] =	ssyncset.done $0x0  }
0xed: {  	[sflag:s11] =	ssyncadd.s32 $0xFFFFD880  }
0xee: {  	_ =	sfence.sel $0x180000  }
0xef: {  	[bflag:$0x0] =	sbarrier.arrive $0xFFFF  }
0xf0: {  	_ =	strace $0x9000004D  }
0xf1: {  	s0 =	stileid.u32;
	[bflag:$0x2] =	sbarrier.arrive $0xFFFF  }
0xf2: {  	p0 =	sne.s32 s0, $0x0;
	s0 =	rddreg [dreg:$0x4]  }
0xf3: {  	s0 =	sadd.s32 @!p0 $0x100000, s0  }
0xf4: {  	[sflag:s0] =	ssyncadd.tile.s32 @!p0 $0x1;
	_ =	shalt  }
.Lfunc_end2:
_tile_overlayer_lowered:
.L_overlay_start_2:
0xf5: {  	(tag) =	ssettag $0x2  }
0xf6: {  	s0 =	rddreg [dreg:$0x0];
	s2 =	stileid.u32  }
0xf7: {  	s1 =	rddreg [dreg:$0x1];
	p0 =	sne.s32 s2, $0x0  }
0xf8: {  	s3 =	rddreg [dreg:$0x2];
	[bflag:$0x3] =	sbarrier.arrive $0xFFFF;
	s2 =	simm.s32 @!p0 $0x1C03  }
0xf9: {  	[timem:s3], [sflag:s2] =	dma.local @!p0 [hbm:s0], s1  }
0xfa: {  	s0 =	simm.s32 @!p0 $0x3  }
0xfb: {  	_ =	swait.ge @!p0 [sflag:s0], s1  }
0xfc: {  	s1 =	ssub.s32 @!p0 $0x0, s1;
	[sflag:s0] =	ssyncset.done @!p0 $0x0  }
0xfd: {  	[sflag:s0] =	ssyncadd.s32 @!p0 s1  }
0xfe: {  	[bflag:$0x3] =	sbarrier.arrive $0xFFFF  }
0xff: {  	_ =	shalt  }

// kernel: kernel.20.cloned.1.call-start
scs
__scs_entry_jumppad:
0x0: {  	(pc) =	sbr.rel $0x88, $3  }
0x1: {  	(tag) =	ssettag $0x0;
	lr =	simm.s32 $0x1  }
0x2: {  	[smem:$0x3F95] =	sst lr;
	_ =	strace $0xD0000000  }
0x3: {  	_ = 	snop  }
0x4: {  	_ = 	snop  }
0x5: {  	_ = 	snop  }
0x6: {  	_ = 	snop  }
0x7: {  	_ = 	snop  }
__scs_overlays_trampoline_lowered:
0x8: {  	[smem:$0x3FA4] =	sst s0  }
0x9: {  	[smem:$0x3FA5] =	sst s1  }
0xa: {  	[smem:$0x3FA6] =	sst s2  }
0xb: {  	[smem:$0x3FA7] =	sst s3  }
0xc: {  	[smem:$0x3FA8] =	sst s4  }
0xd: {  	[smem:$0x3FA9] =	sst s5  }
0xe: {  	[smem:$0x3FAA] =	sst s6  }
0xf: {  	[smem:$0x3FAB] =	sst s7  }
0x10: {  	[smem:$0x3FAC] =	sst s8  }
0x11: {  	[smem:$0x3FAD] =	sst s9;
	s0 =	simm.s32 @!p0 $0x0  }
0x12: {  	s1 =	sld [smem:$0x3F93];
	s0 =	simm.s32 @p0 $0x1  }
0x13: {  	[smem:$0x3FAE] =	sst s0;
	s0 =	simm.s32 @!p1 $0x0  }
0x14: {  	s2 =	sld [smem:$0x3F92];
	s0 =	simm.s32 @p1 $0x1  }
0x15: {  	[smem:$0x3FAF] =	sst s0;
	s0 =	simm.s32 @!p2 $0x0  }
0x16: {  	s3 =	sld [smem:$0x3FDB];
	s0 =	simm.s32 @p2 $0x1  }
0x17: {  	s4 =	simm.s32 $0x1BF5;
	[smem:$0x3FB1] =	sst s0  }
0x18: {  	s0 =	sld [smem:$0x3F94];
	_ =	swait.ge [sflag:s4], $0x0  }
0x19: {  	s7 =	sld [smem:$0x3F95]  }
0x1a: {  	s8 =	sadd.s32 $0xFFFFE003, lr  }
0x1b: {  	s9 =	sadd.s32 $0xFFFFFEF7, lr;
	s5 =	simm.s32 $0xFFFFFFFF;
	p2 =	slt.u32 s8, $0xFFFFF086  }
0x1c: {  	p1 =	slt.u32 s9, $0xF7A;
	s5 =	simm.s32 @!p2 $0x0  }
0x1d: {  	s5 =	simm.s32 @p1 $0x1;
	p0 =	seq.s32 s7, s2  }
0x1e: {  	s7 =	smul.u32 @!p0 $0xF7A, s2;
	p2 =	seq.s32 @!p0 s5, $0x0  }
0x1f: {  	s9 =	smul.u32 $0xF7A, s1;
	s8 =	simm.s32 @!p0 $0x1BF5;
	p2 =	por !p2, p0  }
0x20: {  	[sflag:s8] =	ssyncset.s32 @!p0 $0xFFFFF086;
	s6 =	sadd.s32 @!p0 s3, s7;
	s7 =	simm.s32 @!p0 $0x108  }
0x21: {  	s3 =	sadd.s32 s3, s9;
	s6 =	sadd.s32 @!p0 $0x88, s6;
	s7 =	simm.s32 @p2 $0x1082  }
0x22: {  	[simem:s7], [sflag:s8] =	dma.local @!p0 [hbm:s6], $0xF7A  }
0x23: {  	s9 =	sor.u32 $0xD0000000, s2;
	s6 =	simm.s32 $0x108;
	_ =	swait.ge @!p0 [sflag:s8], $0x0  }
0x24: {  	s3 =	sadd.s32 $0x88, s3;
	s6 =	simm.s32 @!p1 $0x1082;
	[sflag:s4] =	ssyncset.s32 $0xFFFFF086  }
0x25: {  	[simem:s6], [sflag:s4] =	dma.local [hbm:s3], $0xF7A  }
0x26: {  	[smem:$0x3F95] =	sst s1;
	(tag) =	ssettag s2;
	_ =	strace s9  }
0x27: {  	s1 =	sld [smem:$0x3FA5]  }
0x28: {  	s2 =	sld [smem:$0x3FA6]  }
0x29: {  	s4 =	sld [smem:$0x3FA8]  }
0x2a: {  	p0 =	seq.s32 s5, $0x0;
	s5 =	sld [smem:$0x3FA9]  }
0x2b: {  	s6 =	sld [smem:$0x3FAA]  }
0x2c: {  	s7 =	sld [smem:$0x3FAB]  }
0x2d: {  	s3 =	simm.s32 $0x108;
	s8 =	sld [smem:$0x3FAC]  }
0x2e: {  	s3 =	simm.s32 @!p0 $0x1082;
	s9 =	sld [smem:$0x3FAD]  }
0x2f: {  	lr =	sadd.s32 s0, s3;
	s0 =	sld [smem:$0x3FA4]  }
0x30: {  	s3 =	sld [smem:$0x3FA7]  }
0x31: {  	[smem:$0x3FB0] =	sst s10  }
0x32: {  	s10 =	sld [smem:$0x3FAE];
	_ =	sdelay $0x3  }
0x33: {  	p0 =	seq.s32 s10, $0x1;
	s10 =	sld [smem:$0x3FB0];
	_ =	sdelay $0x3  }
0x34: {  	[smem:$0x3FB0] =	sst s10  }
0x35: {  	s10 =	sld [smem:$0x3FAF];
	_ =	sdelay $0x3  }
0x36: {  	p1 =	seq.s32 s10, $0x1;
	s10 =	sld [smem:$0x3FB0];
	_ =	sdelay $0x3  }
0x37: {  	[smem:$0x3FB0] =	sst s10  }
0x38: {  	s10 =	sld [smem:$0x3FB1]  }
0x39: {  	_ = 	snop;
	(pc) =	sbr.ind lr, $3  }
0x3a: {  	_ = 	snop  }
0x3b: {  	_ = 	snop  }
0x3c: {  	p2 =	seq.s32 s10, $0x1;
	s10 =	sld [smem:$0x3FB0]  }
0x3d: {  	_ =	shalt  }
0x3e: {  	_ =	shalt  }
0x3f: {  	_ =	shalt  }
0x40: {  	_ =	shalt  }
0x41: {  	_ =	shalt  }
0x42: {  	_ =	shalt  }
0x43: {  	_ =	shalt  }
0x44: {  	_ =	shalt  }
0x45: {  	_ =	shalt  }
0x46: {  	_ =	shalt  }
0x47: {  	_ =	shalt  }
0x48: {  	_ =	shalt  }
0x49: {  	_ =	shalt  }
0x4a: {  	_ =	shalt  }
0x4b: {  	_ =	shalt  }
0x4c: {  	_ =	shalt  }
0x4d: {  	_ =	shalt  }
0x4e: {  	_ =	shalt  }
0x4f: {  	_ =	shalt  }
0x50: {  	_ =	shalt  }
0x51: {  	_ =	shalt  }
0x52: {  	_ =	shalt  }
0x53: {  	_ =	shalt  }
0x54: {  	_ =	shalt  }
0x55: {  	_ =	shalt  }
0x56: {  	_ =	shalt  }
0x57: {  	_ =	shalt  }
0x58: {  	_ =	shalt  }
0x59: {  	_ =	shalt  }
0x5a: {  	_ =	shalt  }
0x5b: {  	_ =	shalt  }
0x5c: {  	_ =	shalt  }
0x5d: {  	_ =	shalt  }
0x5e: {  	_ =	shalt  }
0x5f: {  	_ =	shalt  }
0x60: {  	_ =	shalt  }
0x61: {  	_ =	shalt  }
0x62: {  	_ =	shalt  }
0x63: {  	_ =	shalt  }
0x64: {  	_ =	shalt  }
0x65: {  	_ =	shalt  }
0x66: {  	_ =	shalt  }
0x67: {  	_ =	shalt  }
0x68: {  	_ =	shalt  }
0x69: {  	_ =	shalt  }
0x6a: {  	_ =	shalt  }
0x6b: {  	_ =	shalt  }
0x6c: {  	_ =	shalt  }
0x6d: {  	_ =	shalt  }
0x6e: {  	_ =	shalt  }
0x6f: {  	_ =	shalt  }
0x70: {  	_ =	shalt  }
0x71: {  	_ =	shalt  }
0x72: {  	_ =	shalt  }
0x73: {  	_ =	shalt  }
0x74: {  	_ =	shalt  }
0x75: {  	_ =	shalt  }
0x76: {  	_ =	shalt  }
0x77: {  	_ =	shalt  }
0x78: {  	_ =	shalt  }
0x79: {  	_ =	shalt  }
0x7a: {  	_ =	shalt  }
0x7b: {  	_ =	shalt  }
0x7c: {  	_ =	shalt  }
0x7d: {  	_ =	shalt  }
0x7e: {  	_ =	shalt  }
0x7f: {  	_ =	shalt  }
0x80: {  	_ =	shalt  }
0x81: {  	_ =	shalt  }
0x82: {  	_ =	shalt  }
0x83: {  	_ =	shalt  }
0x84: {  	_ =	shalt  }
0x85: {  	_ =	shalt  }
0x86: {  	_ =	shalt  }
0x87: {  	_ =	shalt  }
.Lfunc_end0:
.L_simem_size_0:
called_computation.3_lowered:
.L_overlay_start_0:
0x88: {  	s2 =	sld [smem:$0x3FD9]  }
0x89: {  	s3 =	sld [smem:$0x3FFE];
	_ =	sdelay $0x1  }
0x8a: {  	s1 =	srdreg.scid  }
0x8b: {  	s0 =	sand.u32 $0x1, s1  }
0x8c: {  	s14 =	sshll.u32 s0, $0xA;
	s2 =	sadd.s32 s3, s2  }
0x8d: {  	s2 =	sadd.s32 s2, s14  }
0x8e: {  	[smem:$0x3FBC] =	sst s2  }
0x8f: {  	_ = 	snop  }
0x90: {  	s2 =	sld [smem:$0x3FD0];
	_ =	sdelay $0x2  }
0x91: {  	s15 =	simm.s32 $0xA;
	s4 =	simm.s32 $0x10  }
0x92: {  	[smem:s4], [sflag:s15] =	dma.local [hbm:s2], $0x1  }
0x93: {  	_ =	swait.eq [sflag:s15], $0x1  }
0x94: {  	[sflag:s15] =	ssyncset.done $0x0  }
0x95: {  	s16 =	sld [smem:$0x10];
	[sflag:s15] =	ssyncadd.s32 $0xFFFFFFFF  }
0x96: {  	s17 =	sld [smem:$0x11];
	(tm) =	ssettm $0x1  }
0x97: {  	s18 =	sld [smem:$0x3FFB];
	_ =	sdelay $0x3  }
0x98: {  	_ =	strace s18  }
0x99: {  	s4 =	sld [smem:$0x3FFC];
	_ =	sdelay $0x3  }
0x9a: {  	_ =	strace s4  }
0x9b: {  	s4 =	sld [smem:$0x3FFD];
	_ =	sdelay $0x3  }
0x9c: {  	_ =	strace s4  }
0x9d: {  	_ =	strace $0x8FFFFFFF  }
0x9e: {  	s19 =	sld [smem:$0x3FDB];
	_ =	sdelay $0x1  }
0x9f: {  	s5 =	simm.s32 $_scs_section_size  }
0xa0: {  	s6 =	simm.s32 $_size__tile_overlayer_lowered;
	s7 =	simm.s32 $_tile_overlayer_lowered  }
0xa1: {  	s22 =	simm.s32 $0x1BFF;
	s21 =	sshll.u32 s7, $0x1;
	s4 =	sadd.s32 s5, s19  }
0xa2: {  	s8 =	simm.s32 $0x0;
	s20 =	sshll.u32 s6, $0x1;
	s6 =	sadd.s32 s21, s4  }
0xa3: {  	[timem:s8], [sflag:s22] =	dma.local [hbm:s6], s20  }
0xa4: {  	_ =	swait.ge [sflag:s22], s20  }
0xa5: {  	s5 =	ssub.s32 $0x0, s20;
	[sflag:s22] =	ssyncset.done $0x0  }
0xa6: {  	[sflag:s22] =	ssyncadd.s32 s5;
	_ =	sdelay $0x1  }
0xa7: {  	s23 =	simm.s32 $0x1B8B  }
0xa8: {  	_ =	swait.ge [sflag:s23], $0x1  }
0xa9: {  	[sflag:s23] =	ssyncset.done $0x0  }
0xaa: {  	s25 =	simm.s32 $0x1B8E;
	s24 =	sld [smem:$0x3FFE];
	[sflag:s23] =	ssyncadd.s32 $0xFFFFFFFF  }
0xab: {  	s26 =	simm.s32 $execute0_lowered;
	[smem:$0x3FD2] =	sst s25  }
0xac: {  	s6 =	sshll.u32 s26, $0x1;
	_ =	strace $0x8000004F;
	[dreg:$0x1] =	wrdreg $0xFFFFFFFF  }
0xad: {  	s28 =	simm.s32 $_size_execute0_lowered;
	s4 =	sadd.s32 s4, s6;
	[dreg:$0x0] =	wrdreg $0x0  }
0xae: {  	s6 =	sshll.u32 s28, $0x1;
	[dreg:$0x2] =	wrdreg s4  }
0xaf: {  	[dreg:$0x3] =	wrdreg s6  }
0xb0: {  	[dreg:$0x4] =	wrdreg $0xC0  }
0xb1: {  	_ =	task [dreg:s8], $0x5FFFF  }
0xb2: {  	[dreg:$0x1] =	wrdreg $0xFFFFFFFF  }
0xb3: {  	[dreg:$0x0] =	wrdreg $0x60  }
0xb4: {  	[dreg:$0x2] =	wrdreg s24  }
0xb5: {  	[dreg:$0x3] =	wrdreg s16  }
0xb6: {  	[dreg:$0x4] =	wrdreg s17  }
0xb7: {  	[dreg:$0x5] =	wrdreg $0xA8000  }
0xb8: {  	[dreg:$0x6] =	wrdreg $0x9  }
0xb9: {  	_ =	task.clear_ibuf [dreg:s8], $0x7FFFF;
	_ =	strace $0x9000004F  }
0xba: {  	s29 =	simm.s32 $0x9;
	_ =	strace $0x80000051  }
0xbb: {  	_ =	swait.ge [sflag:s29], $0x1  }
0xbc: {  	[sflag:s29] =	ssyncadd.s32 $0xFFFFFFFF  }
0xbd: {  	_ =	strace $0x90000051  }
0xbe: {  	_ =	sfence  }
0xbf: {  	s30 =	sld [smem:$0x0];
	_ =	sdelay $0x2  }
0xc0: {  	s31 =	sshll.u32 s1, $0xD;
	s1 =	sshrl.u32 s1, $0x2  }
0xc1: {  	s3 =	sand.u32 $0x4000, s31;
	s1 =	sadd.s32 s1, s30  }
0xc2: {  	s0 =	sor.u32 s3, s0;
	s1 =	sshll.u32 s1, $0x11  }
0xc3: {  	s0 =	sor.u32 s1, s0  }
0xc4: {  	s0 =	sadd.s32 $0x8F2B, s0  }
0xc5: {  	[sflag:s0] =	ssyncadd.remote.s32 $0x1  }
0xc6: {  	_ =	sfence.sel $0xFFFF  }
0xc7: {  	[dreg:$0x0] =	wrdreg $0xFFFFFFFF;
	(pc) =	sbr.abs _section_cstart, $3  }
0xc8: {  	[dreg:$0x1] =	wrdreg $0xFFFFFFFF  }
0xc9: {  	_ =	task.clear_ibuf [dreg:s8], $0x2FFFF;
	_ =	strace $0x9FFFFFFF  }
0xca: {  	(tm) =	ssettm $0x7FFFFFFF  }
0xcb: {  	_ =	shalt  }
tec
execute0_lowered:
.L_overlay_start_1:
0x0: {  	(tag) =	ssettag $0x1  }
0x1: {  	s0 =	rddreg [dreg:$0x0]  }
0x2: {  	s3 =	rddreg [dreg:$0x1]  }
0x3: {  	s5 =	rddreg [dreg:$0x2]  }
0x4: {  	s1 =	rddreg [dreg:$0x3];
	s2 =	simm.s32 $0x0  }
0x5: {  	s4 =	srdreg.scid;
	s11 =	stileid.u32;
	s12 =	simm.s32 $0x1400  }
0x6: {  	s13 =	simm.s32 $0x20;
	s14 =	simm.s32 $0x2800;
	s15 =	simm.s32 $0x3800  }
0x7: {  	s16 =	simm.s32 $0x40;
	s17 =	simm.s32 $0x4800;
	s18 =	simm.s32 $0x60  }
0x8: {  	s19 =	simm.s32 $0x5800;
	s20 =	simm.s32 $0x6800;
	s28 =	simm.s32 $0x2  }
0x9: {  	s29 =	simm.s32 $0x1380;
	s30 =	simm.s32 $0x13A0;
	s31 =	simm.s32 $0x13C0  }
0xa: {  	[smem:$0x7FF] =	sst s2;
	s6 =	sand.u32 $0x1, s4;
	s9 =	smul.u32 $0x4F000, s11  }
0xb: {  	s4 =	sadd.s32 $0x6A00, s0;
	s8 =	sadd.s32 $0x4200, s0;
	s25 =	smul.u32 $0x2780, s11  }
0xc: {  	s24 =	sshll.u32 s11, $0x6;
	_ =	strace $0x80000050;
	s7 =	smul.u32 $0x27800, s6  }
0xd: {  	[dreg:$0x6] =	wrdreg s8;
	s21 =	sshll.u32 s6, $0x4;
	s6 =	ssub.s32 $0x2, s6  }
0xe: {  	s24 =	sor.u32 $0x1C03, s24;
	s22 =	sor.u32 s11, s21;
	s23 =	sshrl.u32 s6, $0x1  }
0xf: {  	s9 =	sshrl.u32 s9, $0x2;
	s11 =	simm.s32 $0x3;
	s21 =	simm.s32 $0x7800  }
0x10: {  	[dreg:$0x7] =	wrdreg s24;
	s0 =	sadd.s32 s7, s0;
	s10 =	smul.u32 $0x500, s22  }
0x11: {  	s6 =	ssub.s32 s6, s23;
	s9 =	sadd.s32 s9, s1;
	s22 =	simm.s32 $0x8800  }
0x12: {  	s23 =	simm.s32 $0x9800;
	s0 =	sadd.s32 $0x2E200, s0;
	s26 =	smax.u32 s6, $0x1  }
0x13: {  	s9 =	sshrl.u32 s9, $0x3;
	s7 =	sadd.s32 s3, s10;
	s8 =	sadd.s32 s5, s10  }
0x14: {  	[dreg:$0x8] =	wrdreg s26;
	s0 =	sadd.s32 s25, s0;
	s25 =	simm.s32 $0x1  }
0x15: {  	s26 =	simm.s32 $0x80;
	s3 =	simm.s32 $0x2700;
	[dreg:$0x9] =	wrdreg s9  }
0x16: {  	s5 =	simm.s32 $0x2780;
	[dreg:$0xa] =	wrdreg s0;
	s0 =	simm.s32 $0x13E0  }
.LBB2_1:
0x17: {  	[dreg:$0x5] =	wrdreg s2  }
0x18: {  	s10 =	rddreg [dreg:$0x6]  }
0x19: {  	[spmem:s9], [sflag:s24] =	dma.local [hbm:s10], $0x2780  }
0x1a: {  	_ =	swait.ge [sflag:s11], $0x2780  }
0x1b: {  	[sflag:s11] =	ssyncset.done $0x0  }
0x1c: {  	[sflag:s11] =	ssyncadd.s32 $0xFFFFD880  }
0x1d: {  	p1 =	por $0x1, $0x1;
	s6 =	simm.s32 $0x0;
	[bflag:$0x0] =	sbarrier.arrive $0xFFFF  }
.LBB2_2:
0x1e: {  	s9 =	sadd.s32 s6, s7;
	s10 =	simm.s32 $0x0  }
0x1f: {  	[tilespmem:s10], [sflag:$0x3] =	stream.linear.gather [hbm4b:s9+s10], $0x1400, $0x38;
	[tilespmem:$0x1E400] =	vst v63  }
0x20: {  	_ =	swait.ge [sflag:s11], $0x1400  }
0x21: {  	[sflag:s11] =	ssyncset.done $0x0  }
0x22: {  	s9 =	sadd.s32 s6, s8;
	[sflag:s11] =	ssyncadd.s32 $0xFFFFEC00  }
0x23: {  	[tilespmem:s12], [sflag:$0x3] =	stream.linear.gather [hbm4b:s9+s10], $0x1400, $0x38;
	[tilespmem:$0x1E400] =	vst v63  }
0x24: {  	_ =	swait.ge [sflag:s11], $0x1400  }
0x25: {  	[sflag:s11] =	ssyncset.done $0x0  }
0x26: {  	[sflag:s11] =	ssyncadd.s32 $0xFFFFEC00  }
0x27: {  	[tilespmem:s14], [sflag:$0x1] =	stream.indirect.gather [hbm4b:s4+s13], $0x80, s10, s13, $0xb8;
	[tilespmem:$0x1E400] =	vst v63  }
0x28: {  	_ = 	snop  }
0x29: {  	[tilespmem:s15], [sflag:$0x1] =	stream.indirect.gather [hbm4b:s4+s13], $0x80, s13, s13, $0xb8;
	[tilespmem:$0x1E400] =	vst v63  }
0x2a: {  	_ = 	snop  }
0x2b: {  	[tilespmem:s17], [sflag:$0x1] =	stream.indirect.gather [hbm4b:s4+s13], $0x80, s16, s13, $0xb8;
	[tilespmem:$0x1E400] =	vst v63  }
0x2c: {  	_ = 	snop  }
0x2d: {  	[tilespmem:s19], [sflag:$0x1] =	stream.indirect.gather [hbm4b:s4+s13], $0x80, s18, s13, $0xb8;
	[tilespmem:$0x1E400] =	vst v63  }
0x2e: {  	s10 =	simm.s32 $0x80  }
0x2f: {  	[tilespmem:s20], [sflag:$0x2] =	stream.indirect.gather [hbm4b:s4+s13], $0x80, s10, s13, $0xb8;
	[tilespmem:$0x1E400] =	vst v63  }
0x30: {  	s24 =	simm.s32 $0xA0  }
0x31: {  	[tilespmem:s21], [sflag:$0x2] =	stream.indirect.gather [hbm4b:s4+s13], $0x80, s24, s13, $0xb8;
	[tilespmem:$0x1E400] =	vst v63  }
0x32: {  	s2 =	simm.s32 $0xC0  }
0x33: {  	[tilespmem:s22], [sflag:$0x2] =	stream.indirect.gather [hbm4b:s4+s13], $0x80, s2, s13, $0xb8;
	[tilespmem:$0x1E400] =	vst v63  }
0x34: {  	s9 =	simm.s32 $0xE0  }
0x35: {  	[tilespmem:s23], [sflag:$0x2] =	stream.indirect.gather [hbm4b:s4+s13], $0x80, s9, s13, $0xb8;
	[tilespmem:$0x1E400] =	vst v63  }
0x36: {  	_ =	swait.ge [sflag:s25], $0x1000  }
0x37: {  	[sflag:s25] =	ssyncset.done $0x0  }
0x38: {  	[sflag:s25] =	ssyncadd.s32 $0xFFFFF000  }
0x39: {  	_ =	swait.ge [sflag:s25], $0x1000  }
0x3a: {  	[sflag:s25] =	ssyncset.done $0x0  }
0x3b: {  	[sflag:s25] =	ssyncadd.s32 $0xFFFFF000  }
0x3c: {  	_ =	swait.ge [sflag:s25], $0x1000  }
0x3d: {  	[sflag:s25] =	ssyncset.done $0x0  }
0x3e: {  	[sflag:s25] =	ssyncadd.s32 $0xFFFFF000  }
0x3f: {  	_ =	swait.ge [sflag:s25], $0x1000  }
0x40: {  	[sflag:s25] =	ssyncset.done $0x0  }
0x41: {  	s10 =	simm.s32 $0x1400;
	[sflag:s25] =	ssyncadd.s32 $0xFFFFF000  }
0x42: {  	[spmem:s1] =	stream.indirect.scatter.add.f32 [tilespmem:s14], [sflag:$0x3], $0x80, s10, s26, $0xb8;
	[tilespmem:$0x1E400] =	vst v63  }
0x43: {  	_ =	swait.ge [sflag:s11], $0x4000  }
0x44: {  	[sflag:s11] =	ssyncset.done $0x0  }
0x45: {  	s24 =	simm.s32 $0x100;
	[sflag:s11] =	ssyncadd.s32 $0xFFFFC000  }
0x46: {  	[tilespmem:s14], [sflag:$0x1] =	stream.indirect.gather [hbm4b:s4+s13], $0x80, s24, s13, $0xb8;
	[tilespmem:$0x1E400] =	vst v63  }
0x47: {  	s2 =	simm.s32 $0x120  }
0x48: {  	[tilespmem:s15], [sflag:$0x1] =	stream.indirect.gather [hbm4b:s4+s13], $0x80, s2, s13, $0xb8;
	[tilespmem:$0x1E400] =	vst v63  }
0x49: {  	s9 =	simm.s32 $0x140  }
0x4a: {  	[tilespmem:s17], [sflag:$0x1] =	stream.indirect.gather [hbm4b:s4+s13], $0x80, s9, s13, $0xb8;
	[tilespmem:$0x1E400] =	vst v63  }
0x4b: {  	s10 =	simm.s32 $0x160  }
0x4c: {  	[tilespmem:s19], [sflag:$0x1] =	stream.indirect.gather [hbm4b:s4+s13], $0x80, s10, s13, $0xb8;
	[tilespmem:$0x1E400] =	vst v63  }
0x4d: {  	_ =	swait.ge [sflag:s28], $0x1000  }
0x4e: {  	[sflag:s28] =	ssyncset.done $0x0  }
0x4f: {  	[sflag:s28] =	ssyncadd.s32 $0xFFFFF000  }
0x50: {  	_ =	swait.ge [sflag:s28], $0x1000  }
0x51: {  	[sflag:s28] =	ssyncset.done $0x0  }
0x52: {  	[sflag:s28] =	ssyncadd.s32 $0xFFFFF000  }
0x53: {  	_ =	swait.ge [sflag:s28], $0x1000  }
0x54: {  	[sflag:s28] =	ssyncset.done $0x0  }
0x55: {  	[sflag:s28] =	ssyncadd.s32 $0xFFFFF000  }
0x56: {  	_ =	swait.ge [sflag:s28], $0x1000  }
0x57: {  	[sflag:s28] =	ssyncset.done $0x0  }
0x58: {  	s24 =	simm.s32 $0x1480;
	[sflag:s28] =	ssyncadd.s32 $0xFFFFF000  }
0x59: {  	[spmem:s1] =	stream.indirect.scatter.add.f32 [tilespmem:s20], [sflag:$0x3], $0x80, s24, s26, $0xb8;
	[tilespmem:$0x1E400] =	vst v63  }
0x5a: {  	p0 =	por p1, p1;
	_ =	swait.ge [sflag:s11], $0x4000  }
0x5b: {  	s9 =	simm.s32 $0x100;
	s24 =	simm.s32 $0x800;
	[sflag:s11] =	ssyncset.done $0x0  }
.LBB2_3:
0x5c: {  	s2 =	sadd.s32 $0x80, s9  }
0x5d: {  	[sflag:s11] =	ssyncadd.s32 $0xFFFFC000;
	s6 =	smov.u32 s24;
	s10 =	sadd.s32 $0x400, s24  }
0x5e: {  	[tilespmem:s20], [sflag:$0x2] =	stream.indirect.gather [hbm4b:s4+s13], $0x80, s2, s13, $0xb8;
	[tilespmem:$0x1E400] =	vst v63  }
0x5f: {  	p1 =	sne.s32 s24, $0x4800;
	s2 =	sadd.s32 $0xA0, s9  }
0x60: {  	[tilespmem:s21], [sflag:$0x2] =	stream.indirect.gather [hbm4b:s4+s13], $0x80, s2, s13, $0xb8;
	[tilespmem:$0x1E400] =	vst v63  }
0x61: {  	s2 =	sadd.s32 $0xC0, s9  }
0x62: {  	[tilespmem:s22], [sflag:$0x2] =	stream.indirect.gather [hbm4b:s4+s13], $0x80, s2, s13, $0xb8;
	[tilespmem:$0x1E400] =	vst v63  }
0x63: {  	s2 =	sadd.s32 $0xE0, s9  }
0x64: {  	[tilespmem:s23], [sflag:$0x2] =	stream.indirect.gather [hbm4b:s4+s13], $0x80, s2, s13, $0xb8;
	[tilespmem:$0x1E400] =	vst v63  }
0x65: {  	_ =	swait.ge [sflag:s25], $0x1000  }
0x66: {  	[sflag:s25] =	ssyncset.done $0x0  }
0x67: {  	[sflag:s25] =	ssyncadd.s32 $0xFFFFF000  }
0x68: {  	_ =	swait.ge [sflag:s25], $0x1000  }
0x69: {  	[sflag:s25] =	ssyncset.done $0x0  }
0x6a: {  	[sflag:s25] =	ssyncadd.s32 $0xFFFFF000  }
0x6b: {  	_ =	swait.ge [sflag:s25], $0x1000  }
0x6c: {  	[sflag:s25] =	ssyncset.done $0x0  }
0x6d: {  	[sflag:s25] =	ssyncadd.s32 $0xFFFFF000  }
0x6e: {  	_ =	swait.ge [sflag:s25], $0x1000  }
0x6f: {  	[sflag:s25] =	ssyncset.done $0x0  }
0x70: {  	s2 =	sadd.s32 $0x1400, s9;
	[sflag:s25] =	ssyncadd.s32 $0xFFFFF000  }
0x71: {  	[spmem:s1] =	stream.indirect.scatter.add.f32 [tilespmem:s14], [sflag:$0x3], $0x80, s2, s26, $0xb8;
	[tilespmem:$0x1E400] =	vst v63  }
0x72: {  	_ =	swait.ge [sflag:s11], $0x4000  }
0x73: {  	[sflag:s11] =	ssyncset.done $0x0  }
0x74: {  	s2 =	sadd.s32 $0x100, s9;
	[sflag:s11] =	ssyncadd.s32 $0xFFFFC000  }
0x75: {  	[tilespmem:s14], [sflag:$0x1] =	stream.indirect.gather [hbm4b:s4+s13], $0x80, s2, s13, $0xb8;
	[tilespmem:$0x1E400] =	vst v63  }
0x76: {  	s2 =	sadd.s32 $0x120, s9  }
0x77: {  	[tilespmem:s15], [sflag:$0x1] =	stream.indirect.gather [hbm4b:s4+s13], $0x80, s2, s13, $0xb8;
	[tilespmem:$0x1E400] =	vst v63  }
0x78: {  	s2 =	sadd.s32 $0x140, s9  }
0x79: {  	[tilespmem:s17], [sflag:$0x1] =	stream.indirect.gather [hbm4b:s4+s13], $0x80, s2, s13, $0xb8;
	[tilespmem:$0x1E400] =	vst v63  }
0x7a: {  	s2 =	sadd.s32 $0x160, s9  }
0x7b: {  	[tilespmem:s19], [sflag:$0x1] =	stream.indirect.gather [hbm4b:s4+s13], $0x80, s2, s13, $0xb8;
	[tilespmem:$0x1E400] =	vst v63  }
0x7c: {  	_ =	swait.ge [sflag:s28], $0x1000  }
0x7d: {  	[sflag:s28] =	ssyncset.done $0x0  }
0x7e: {  	[sflag:s28] =	ssyncadd.s32 $0xFFFFF000  }
0x7f: {  	_ =	swait.ge [sflag:s28], $0x1000  }
0x80: {  	[sflag:s28] =	ssyncset.done $0x0  }
0x81: {  	[sflag:s28] =	ssyncadd.s32 $0xFFFFF000  }
0x82: {  	_ =	swait.ge [sflag:s28], $0x1000  }
0x83: {  	[sflag:s28] =	ssyncset.done $0x0  }
0x84: {  	[sflag:s28] =	ssyncadd.s32 $0xFFFFF000  }
0x85: {  	_ =	swait.ge [sflag:s28], $0x1000  }
.Ltmp0:
0x86: {  	[sflag:s28] =	ssyncset.done $0x0;
	(pc) =	sbr.rel @p1 .LBB2_3-.Ltmp0, $4  }
0x87: {  	s2 =	sadd.s32 $0x1480, s9;
	[sflag:s28] =	ssyncadd.s32 $0xFFFFF000  }
0x88: {  	[spmem:s1] =	stream.indirect.scatter.add.f32 [tilespmem:s20], [sflag:$0x3], $0x80, s2, s26, $0xb8;
	[tilespmem:$0x1E400] =	vst v63  }
0x89: {  	_ =	swait.ge [sflag:s11], $0x4000  }
0x8a: {  	s24 =	smov.u32 s10;
	s9 =	sshra.s32 s6, $0x2;
	[sflag:s11] =	ssyncset.done $0x0  }
0x8b: {  	s2 =	sadd.s32 $0x80, s9;
	[sflag:s11] =	ssyncadd.s32 $0xFFFFC000  }
0x8c: {  	[tilespmem:s20], [sflag:$0x2] =	stream.indirect.gather [hbm4b:s4+s13], $0x80, s2, s13, $0xb8;
	[tilespmem:$0x1E400] =	vst v63  }
0x8d: {  	s6 =	sadd.s32 $0xA0, s9  }
0x8e: {  	[tilespmem:s21], [sflag:$0x2] =	stream.indirect.gather [hbm4b:s4+s13], $0x80, s6, s13, $0xb8;
	[tilespmem:$0x1E400] =	vst v63  }
0x8f: {  	s10 =	sadd.s32 $0xC0, s9  }
0x90: {  	[tilespmem:s22], [sflag:$0x2] =	stream.indirect.gather [hbm4b:s4+s13], $0x80, s10, s13, $0xb8;
	[tilespmem:$0x1E400] =	vst v63  }
0x91: {  	s24 =	sadd.s32 $0xE0, s9  }
0x92: {  	[tilespmem:s23], [sflag:$0x2] =	stream.indirect.gather [hbm4b:s4+s13], $0x80, s24, s13, $0xb8;
	[tilespmem:$0x1E400] =	vst v63  }
0x93: {  	_ =	swait.ge [sflag:s25], $0x1000  }
0x94: {  	[sflag:s25] =	ssyncset.done $0x0  }
0x95: {  	[sflag:s25] =	ssyncadd.s32 $0xFFFFF000  }
0x96: {  	_ =	swait.ge [sflag:s25], $0x1000  }
0x97: {  	[sflag:s25] =	ssyncset.done $0x0  }
0x98: {  	[sflag:s25] =	ssyncadd.s32 $0xFFFFF000  }
0x99: {  	_ =	swait.ge [sflag:s25], $0x1000  }
0x9a: {  	[sflag:s25] =	ssyncset.done $0x0  }
0x9b: {  	[sflag:s25] =	ssyncadd.s32 $0xFFFFF000  }
0x9c: {  	_ =	swait.ge [sflag:s25], $0x1000  }
0x9d: {  	[sflag:s25] =	ssyncset.done $0x0  }
0x9e: {  	s6 =	sadd.s32 $0x1400, s9;
	[sflag:s25] =	ssyncadd.s32 $0xFFFFF000  }
0x9f: {  	[spmem:s1] =	stream.indirect.scatter.add.f32 [tilespmem:s14], [sflag:$0x3], $0x80, s6, s26, $0xb8;
	[tilespmem:$0x1E400] =	vst v63  }
0xa0: {  	_ =	swait.ge [sflag:s11], $0x4000  }
0xa1: {  	[sflag:s11] =	ssyncset.done $0x0  }
0xa2: {  	s10 =	sadd.s32 $0x100, s9;
	[sflag:s11] =	ssyncadd.s32 $0xFFFFC000  }
0xa3: {  	[tilespmem:s14], [sflag:$0x1] =	stream.indirect.gather [hbm4b:s4+s13], $0x80, s10, s13, $0xb8;
	[tilespmem:$0x1E400] =	vst v63  }
0xa4: {  	s24 =	sadd.s32 $0x120, s9  }
0xa5: {  	[tilespmem:s15], [sflag:$0x1] =	stream.indirect.gather [hbm4b:s4+s13], $0x80, s24, s13, $0xb8;
	[tilespmem:$0x1E400] =	vst v63  }
0xa6: {  	s6 =	sadd.s32 $0x140, s9  }
0xa7: {  	[tilespmem:s17], [sflag:$0x1] =	stream.indirect.gather [hbm4b:s4+s13], $0x80, s6, s13, $0xb8;
	[tilespmem:$0x1E400] =	vst v63  }
0xa8: {  	s10 =	sadd.s32 $0x160, s9  }
0xa9: {  	[tilespmem:s19], [sflag:$0x1] =	stream.indirect.gather [hbm4b:s4+s13], $0x80, s10, s13, $0xb8;
	[tilespmem:$0x1E400] =	vst v63  }
0xaa: {  	_ =	swait.ge [sflag:s28], $0x1000  }
0xab: {  	[sflag:s28] =	ssyncset.done $0x0  }
0xac: {  	[sflag:s28] =	ssyncadd.s32 $0xFFFFF000  }
0xad: {  	_ =	swait.ge [sflag:s28], $0x1000  }
0xae: {  	[sflag:s28] =	ssyncset.done $0x0  }
0xaf: {  	[sflag:s28] =	ssyncadd.s32 $0xFFFFF000  }
0xb0: {  	_ =	swait.ge [sflag:s28], $0x1000  }
0xb1: {  	[sflag:s28] =	ssyncset.done $0x0  }
0xb2: {  	[sflag:s28] =	ssyncadd.s32 $0xFFFFF000  }
0xb3: {  	_ =	swait.ge [sflag:s28], $0x1000  }
0xb4: {  	[sflag:s28] =	ssyncset.done $0x0  }
0xb5: {  	s24 =	sadd.s32 $0x1480, s9;
	[sflag:s28] =	ssyncadd.s32 $0xFFFFF000  }
0xb6: {  	[spmem:s1] =	stream.indirect.scatter.add.f32 [tilespmem:s20], [sflag:$0x3], $0x80, s24, s26, $0xb8;
	[tilespmem:$0x1E400] =	vst v63  }
0xb7: {  	_ =	swait.ge [sflag:s11], $0x4000  }
0xb8: {  	[sflag:s11] =	ssyncset.done $0x0  }
0xb9: {  	[sflag:s11] =	ssyncadd.s32 $0xFFFFC000  }
0xba: {  	[tilespmem:s20], [sflag:$0x2] =	stream.indirect.gather [hbm4b:s4+s13], $0x80, s29, s13, $0xb8;
	[tilespmem:$0x1E400] =	vst v63  }
0xbb: {  	_ = 	snop  }
0xbc: {  	[tilespmem:s21], [sflag:$0x2] =	stream.indirect.gather [hbm4b:s4+s13], $0x80, s30, s13, $0xb8;
	[tilespmem:$0x1E400] =	vst v63  }
0xbd: {  	_ = 	snop  }
0xbe: {  	[tilespmem:s22], [sflag:$0x2] =	stream.indirect.gather [hbm4b:s4+s13], $0x80, s31, s13, $0xb8;
	[tilespmem:$0x1E400] =	vst v63  }
0xbf: {  	_ = 	snop  }
0xc0: {  	[tilespmem:s23], [sflag:$0x2] =	stream.indirect.gather [hbm4b:s4+s13], $0x80, s0, s13, $0xb8;
	[tilespmem:$0x1E400] =	vst v63  }
0xc1: {  	_ =	swait.ge [sflag:s25], $0x1000  }
0xc2: {  	[sflag:s25] =	ssyncset.done $0x0  }
0xc3: {  	[sflag:s25] =	ssyncadd.s32 $0xFFFFF000  }
0xc4: {  	_ =	swait.ge [sflag:s25], $0x1000  }
0xc5: {  	[sflag:s25] =	ssyncset.done $0x0  }
0xc6: {  	[sflag:s25] =	ssyncadd.s32 $0xFFFFF000  }
0xc7: {  	_ =	swait.ge [sflag:s25], $0x1000  }
0xc8: {  	[sflag:s25] =	ssyncset.done $0x0  }
0xc9: {  	[sflag:s25] =	ssyncadd.s32 $0xFFFFF000  }
0xca: {  	_ =	swait.ge [sflag:s25], $0x1000  }
0xcb: {  	[sflag:s25] =	ssyncset.done $0x0  }
0xcc: {  	[sflag:s25] =	ssyncadd.s32 $0xFFFFF000  }
0xcd: {  	[spmem:s1] =	stream.indirect.scatter.add.f32 [tilespmem:s14], [sflag:$0x3], $0x80, s3, s26, $0xb8;
	[tilespmem:$0x1E400] =	vst v63  }
0xce: {  	_ =	swait.ge [sflag:s11], $0x4000  }
0xcf: {  	[sflag:s11] =	ssyncset.done $0x0  }
0xd0: {  	[sflag:s11] =	ssyncadd.s32 $0xFFFFC000  }
0xd1: {  	_ =	swait.ge [sflag:s28], $0x1000  }
0xd2: {  	[sflag:s28] =	ssyncset.done $0x0  }
0xd3: {  	[sflag:s28] =	ssyncadd.s32 $0xFFFFF000  }
0xd4: {  	_ =	swait.ge [sflag:s28], $0x1000  }
0xd5: {  	[sflag:s28] =	ssyncset.done $0x0  }
0xd6: {  	[sflag:s28] =	ssyncadd.s32 $0xFFFFF000  }
0xd7: {  	_ =	swait.ge [sflag:s28], $0x1000  }
0xd8: {  	[sflag:s28] =	ssyncset.done $0x0  }
0xd9: {  	[sflag:s28] =	ssyncadd.s32 $0xFFFFF000  }
0xda: {  	_ =	swait.ge [sflag:s28], $0x1000  }
0xdb: {  	[sflag:s28] =	ssyncset.done $0x0  }
.Ltmp1:
0xdc: {  	[sflag:s28] =	ssyncadd.s32 $0xFFFFF000;
	(pc) =	sbr.rel @p0 .LBB2_2-.Ltmp1, $4  }
0xdd: {  	[spmem:s1] =	stream.indirect.scatter.add.f32 [tilespmem:s20], [sflag:$0x3], $0x80, s5, s26, $0xb8;
	[tilespmem:$0x1E400] =	vst v63  }
0xde: {  	_ =	swait.ge [sflag:s11], $0x4000  }
0xdf: {  	[sflag:s11] =	ssyncset.done $0x0  }
0xe0: {  	p1 =	por $0x0, $0x0;
	s6 =	simm.s32 $0x280;
	[sflag:s11] =	ssyncadd.s32 $0xFFFFC000  }
0xe1: {  	[bflag:$0x0] =	sbarrier.arrive $0xFFFF  }
0xe2: {  	s24 =	rddreg [dreg:$0x7]  }
0xe3: {  	s9 =	rddreg [dreg:$0x9]  }
0xe4: {  	s2 =	rddreg [dreg:$0xa]  }
0xe5: {  	[hbm:s2], [sflag:s24] =	dma.local [spmem:s9], $0x2780  }
0xe6: {  	_ =	swait.ge [sflag:s11], $0x2780  }
0xe7: {  	s10 =	rddreg [dreg:$0x5]  }
0xe8: {  	s6 =	rddreg [dreg:$0x8];
	s2 =	sadd.s32 $0x1, s10  }
0xe9: {  	p0 =	sne.s32 s2, s6  }
.Ltmp2:
0xea: {  	_ = 	snop;
	(pc) =	sbr.rel @p0 .LBB2_1-.Ltmp2, $3  }
0xeb: {  	_ =	sdelay $0x1  }
0xec: {  	[sflag:s11] =	ssyncset.done $0x0  }
0xed: {  	[sflag:s11] =	ssyncadd.s32 $0xFFFFD880  }
0xee: {  	_ =	sfence.sel $0x180000  }
0xef: {  	[bflag:$0x0] =	sbarrier.arrive $0xFFFF  }
0xf0: {  	_ =	strace $0x90000050  }
0xf1: {  	s0 =	stileid.u32;
	[bflag:$0x2] =	sbarrier.arrive $0xFFFF  }
0xf2: {  	p0 =	sne.s32 s0, $0x0;
	s0 =	rddreg [dreg:$0x4]  }
0xf3: {  	s0 =	sadd.s32 @!p0 $0x100000, s0  }
0xf4: {  	[sflag:s0] =	ssyncadd.tile.s32 @!p0 $0x1;
	_ =	shalt  }
.Lfunc_end2:
_tile_overlayer_lowered:
.L_overlay_start_2:
0xf5: {  	(tag) =	ssettag $0x2  }
0xf6: {  	s0 =	rddreg [dreg:$0x0];
	s2 =	stileid.u32  }
0xf7: {  	s1 =	rddreg [dreg:$0x1];
	p0 =	sne.s32 s2, $0x0  }
0xf8: {  	s3 =	rddreg [dreg:$0x2];
	[bflag:$0x3] =	sbarrier.arrive $0xFFFF;
	s2 =	simm.s32 @!p0 $0x1C03  }
0xf9: {  	[timem:s3], [sflag:s2] =	dma.local @!p0 [hbm:s0], s1  }
0xfa: {  	s0 =	simm.s32 @!p0 $0x3  }
0xfb: {  	_ =	swait.ge @!p0 [sflag:s0], s1  }
0xfc: {  	s1 =	ssub.s32 @!p0 $0x0, s1;
	[sflag:s0] =	ssyncset.done @!p0 $0x0  }
0xfd: {  	[sflag:s0] =	ssyncadd.s32 @!p0 s1  }
0xfe: {  	[bflag:$0x3] =	sbarrier.arrive $0xFFFF  }
0xff: {  	_ =	shalt  }

</sc_bundles>
